<compile_context>
chip_gen: v7x
topology: tpu7x:2x2x1
jax: 0.10.2.dev20260603
libtpu: 0.0.44.dev20260713+nightly
codegen_flags: <defaults>
</compile_context>

<pallas_src>
import jax
import jax.numpy as jnp
from jax import lax
from jax.experimental import pallas as pl
from jax.experimental.pallas import tpu as pltpu
from jax.experimental.pallas import tpu_sc as plsc

NUM_EXPERTS = 8
IN_FEATURES = 2048
OUT_FEATURES = 4096
TOTAL_TOKENS = 4096

TILE_M = 576
PADDED_ROWS = 8640
NUM_ROW_TILES = PADDED_ROWS // TILE_M
TILE_N = 1024
NUM_COL_TILES = OUT_FEATURES // TILE_N


def _route_kernel(assign_ref, pos_ref, meta_ref):
    a = assign_ref[...]
    rows, lanes = a.shape
    lk = lax.broadcasted_iota(jnp.int32, (lanes, lanes), 0)
    lj = lax.broadcasted_iota(jnp.int32, (lanes, lanes), 1)
    tri_lane = (lk <= lj).astype(jnp.float32)
    rk = lax.broadcasted_iota(jnp.int32, (rows, rows), 0)
    rj = lax.broadcasted_iota(jnp.int32, (rows, rows), 1)
    tri_row = (rj < rk).astype(jnp.float32)

    pos_f = jnp.zeros((rows, lanes), jnp.float32)
    off = jnp.int32(0)
    offs = []
    caps = []
    for e in range(NUM_EXPERTS):
        m = (a == e)
        mf = m.astype(jnp.float32)
        lane_cs = jnp.dot(mf, tri_lane, preferred_element_type=jnp.float32)
        rowsum = jnp.sum(mf, axis=1, keepdims=True)
        row_pre = jnp.dot(tri_row, rowsum, preferred_element_type=jnp.float32)
        rank = row_pre + lane_cs - 1.0
        cnt = jnp.sum(m.astype(jnp.int32))
        cap = ((cnt + TILE_M - 1) // TILE_M) * TILE_M
        pos_f = pos_f + mf * (off.astype(jnp.float32) + rank)
        offs.append(off)
        caps.append(cap)
        off = off + cap
    pos_ref[...] = pos_f.astype(jnp.int32)

    total_tiles = off // TILE_M
    ti = lax.broadcasted_iota(jnp.int32, (8, 128), 1)
    ieff = jnp.minimum(ti, total_tiles - 1)
    texp = jnp.zeros((8, 128), jnp.int32)
    for e in range(NUM_EXPERTS):
        lo = offs[e] // TILE_M
        hi = (offs[e] + caps[e]) // TILE_M
        texp = texp + e * ((ieff >= lo) & (ieff < hi)).astype(jnp.int32)
    valid = (ti < total_tiles).astype(jnp.int32)
    si = lax.broadcasted_iota(jnp.int32, (8, 128), 0)
    meta_ref[...] = jnp.where(si == 0, texp, jnp.where(si == 1, valid, 0))


SC_NC = 2
SC_NS = 16
SC_NW = SC_NC * SC_NS


def _sc_mesh():
    return plsc.VectorSubcoreMesh(core_axis_name="c", subcore_axis_name="s")

SCAT_PER_W = TOTAL_TOKENS // SC_NW
SCAT_CHUNK = 16
SCAT_NCH = SCAT_PER_W // SCAT_CHUNK


def _sc_scatter_kernel(pos3_hbm, x_hbm, out_hbm, idx_v, rows0, rows1, lsem, ssem):
    wid = lax.axis_index("s") * SC_NC + lax.axis_index("c")
    base = wid * SCAT_PER_W
    bufs = (rows0, rows1)
    pltpu.sync_copy(pos3_hbm.at[wid], idx_v)
    loads = [None, None]
    for p in range(2):
        loads[p] = pltpu.async_copy(
            x_hbm.at[pl.ds(base + p * SCAT_CHUNK, SCAT_CHUNK)], bufs[p], lsem)
    for c in range(SCAT_NCH):
        cur = c & 1
        loads[cur].wait()
        st = pltpu.async_copy(bufs[cur], out_hbm.at[idx_v.at[c]], ssem)
        st.wait()
        if c + 2 < SCAT_NCH:
            loads[cur] = pltpu.async_copy(
                x_hbm.at[pl.ds(base + (c + 2) * SCAT_CHUNK, SCAT_CHUNK)],
                bufs[cur], lsem)


UNS_CHUNK = 8
UNS_NCH = SCAT_PER_W // UNS_CHUNK


def _sc_unsort_kernel(pos_hbm, y_hbm, out_hbm, idx_v, rows0, rows1, gsem, osem):
    wid = lax.axis_index("s") * SC_NC + lax.axis_index("c")
    base = wid * SCAT_PER_W
    bufs = (rows0, rows1)
    pltpu.sync_copy(pos_hbm.at[pl.ds(base, SCAT_PER_W)], idx_v)
    gath = [None, None]
    for p in range(2):
        gath[p] = pltpu.async_copy(
            y_hbm.at[idx_v.at[pl.ds(p * UNS_CHUNK, UNS_CHUNK)]], bufs[p], gsem)
    for c in range(UNS_NCH):
        cur = c & 1
        gath[cur].wait()
        ow = pltpu.async_copy(
            bufs[cur], out_hbm.at[pl.ds(base + c * UNS_CHUNK, UNS_CHUNK)], osem)
        ow.wait()
        if c + 2 < UNS_NCH:
            gath[cur] = pltpu.async_copy(
                y_hbm.at[idx_v.at[pl.ds((c + 2) * UNS_CHUNK, UNS_CHUNK)]],
                bufs[cur], gsem)


def _gemm_kernel(texp_ref, tvalid_ref, x_ref, w_ref, out_ref):
    m = pl.program_id(0)

    @pl.when(tvalid_ref[m] == 1)
    def _():
        out_ref[...] = lax.dot_general(
            x_ref[...], w_ref[0],
            (((1,), (1,)), ((), ())),
            preferred_element_type=jnp.float32,
        )


@jax.jit
def kernel(input_tokens, expert_assignments, weight):
    assign2d = expert_assignments.astype(jnp.int32).reshape(32, 128)

    pos2d, meta = pl.pallas_call(
        _route_kernel,
        out_shape=(
            jax.ShapeDtypeStruct((32, 128), jnp.int32),
            jax.ShapeDtypeStruct((8, 128), jnp.int32),
        ),
    )(assign2d)
    pos = pos2d.reshape(TOTAL_TOKENS)
    texp = meta[0, :NUM_ROW_TILES]
    tvalid = meta[1, :NUM_ROW_TILES]

    x_sorted = pl.kernel(
        _sc_scatter_kernel,
        out_type=jax.ShapeDtypeStruct((PADDED_ROWS, IN_FEATURES), jnp.float32),
        mesh=_sc_mesh(),
        scratch_types=[
            pltpu.VMEM((SCAT_NCH, SCAT_CHUNK), jnp.int32),
            pltpu.VMEM((SCAT_CHUNK, IN_FEATURES), jnp.float32),
            pltpu.VMEM((SCAT_CHUNK, IN_FEATURES), jnp.float32),
            pltpu.SemaphoreType.DMA,
            pltpu.SemaphoreType.DMA,
        ],
    )(pos.reshape(SC_NW, SCAT_NCH, SCAT_CHUNK), input_tokens)

    y_sorted = pl.pallas_call(
        _gemm_kernel,
        grid_spec=pltpu.PrefetchScalarGridSpec(
            num_scalar_prefetch=2,
            grid=(NUM_ROW_TILES, NUM_COL_TILES),
            in_specs=[
                pl.BlockSpec((TILE_M, IN_FEATURES),
                             lambda m, n, te, tv: (m * tv[m], 0)),
                pl.BlockSpec(
                    (1, TILE_N, IN_FEATURES),
                    lambda m, n, te, tv: (
                        te[m],
                        jnp.where(m % 2 == 0, n, NUM_COL_TILES - 1 - n) * tv[m],
                        0,
                    ),
                ),
            ],
            out_specs=pl.BlockSpec(
                (TILE_M, TILE_N),
                lambda m, n, te, tv: (
                    jnp.where(tv[m] == 1, m, NUM_ROW_TILES),
                    jnp.where(m % 2 == 0, n, NUM_COL_TILES - 1 - n) * tv[m],
                ),
            ),
        ),
        out_shape=jax.ShapeDtypeStruct((PADDED_ROWS + TILE_M, OUT_FEATURES),
                                       jnp.float32),
    )(texp, tvalid, x_sorted, weight)

    output = pl.kernel(
        _sc_unsort_kernel,
        out_type=jax.ShapeDtypeStruct((TOTAL_TOKENS, OUT_FEATURES), jnp.float32),
        mesh=_sc_mesh(),
        scratch_types=[
            pltpu.VMEM((SCAT_PER_W,), jnp.int32),
            pltpu.VMEM((UNS_CHUNK, OUT_FEATURES), jnp.float32),
            pltpu.VMEM((UNS_CHUNK, OUT_FEATURES), jnp.float32),
            pltpu.SemaphoreType.DMA,
            pltpu.SemaphoreType.DMA,
        ],
    )(pos, y_sorted)

    return output

# --- scband reference (transcript-rebuilt; emitter-appended) ---
"""Pipeline reference for scband-py-torch-manual-grouped-linear-36309653520655 (READ-ONLY COPY).

The authoritative reference and input builder live on the scoring server;
editing this copy changes nothing except your own understanding.
"""

import jax, jax.numpy as jnp
import numpy as np

NUM_EXPERTS = 8
IN_FEATURES = 2048
OUT_FEATURES = 4096
TOTAL_TOKENS = 4096


def setup_inputs(seed: int = 0) -> dict:
    key = jax.random.key(seed)
    k1, k2, k3 = jax.random.split(key, 3)
    input_tokens = jax.random.normal(k1, (TOTAL_TOKENS, IN_FEATURES), dtype=jnp.float32)
    expert_assignments = jax.random.randint(k2, (TOTAL_TOKENS,), 0, NUM_EXPERTS)
    # learned parameter: stacked expert weights [E, out, in] (kaiming-uniform-like scale)
    bound = float(np.sqrt(3.0) / np.sqrt(IN_FEATURES) / np.sqrt(1.0 + 2.0))
    weight = jax.random.uniform(k3, (NUM_EXPERTS, OUT_FEATURES, IN_FEATURES), dtype=jnp.float32, minval=-bound, maxval=bound)
    return {"input_tokens": input_tokens, "expert_assignments": expert_assignments, "weight": weight}


def reference(input_tokens, expert_assignments, weight):
    num_experts = weight.shape[0]
    # sort tokens by expert id (stable; within-expert order is irrelevant to the math)
    sorted_idx = jnp.argsort(expert_assignments, stable=True)
    sorted_tokens = input_tokens[sorted_idx]
    sorted_assign = expert_assignments[sorted_idx]
    sorted_output = jnp.zeros((sorted_tokens.shape[0], weight.shape[1]), dtype=input_tokens.dtype)
    for e in range(num_experts):
        out_e = sorted_tokens @ weight[e].T
        sorted_output = jnp.where((sorted_assign == e)[:, None], out_e, sorted_output)
    # unsort: output[sorted_idx] = sorted_output
    output = jnp.zeros_like(sorted_output).at[sorted_idx].set(sorted_output)
    return output

if __name__ == "__main__":
    import jax
    _d = setup_inputs()
    print(jax.jit(kernel)(*tuple(_d.values())))

</pallas_src>

<mosaic_0001>
#map = affine_map<(d0, d1) -> (0, 0, 0)>
#map1 = affine_map<(d0, d1) -> (0, 0)>
module attributes {stable_mosaic.version = 14 : i64} {
  func.func @_sc_scatter_kernel(%arg0: i32, %arg1: i32, %arg2: memref<32x8x16xi32, #tpu.memory_space<hbm>>, %arg3: memref<4096x2048xf32, #tpu.memory_space<hbm>>, %arg4: memref<8640x2048xf32, #tpu.memory_space<hbm>>, %arg5: memref<8x16xi32, #tpu.memory_space<vmem>>, %arg6: memref<16x2048xf32, #tpu.memory_space<vmem>>, %arg7: memref<16x2048xf32, #tpu.memory_space<vmem>>, %arg8: memref<!tpu.dma_semaphore, #tpu.memory_space<semaphore_mem>>, %arg9: memref<!tpu.dma_semaphore, #tpu.memory_space<semaphore_mem>>) attributes {dimension_semantics = [#tpu.dimension_semantics<core_parallel>, #tpu.dimension_semantics<subcore_parallel>], iteration_bounds = array<i64: 2, 16>, scalar_prefetch = 0 : i64, scratch_operands = 5 : i64, tpu.core_type = #tpu.core_type<sc_vector_subcore>, window_params = [{transform_indices = #map}, {transform_indices = #map1}, {transform_indices = #map1}]} {
    %mul3A = arith.constant 2 : i32
    %mul3A_0 = arith.muli %arg1, %mul3A : i32
    %add3A = arith.addi %mul3A_0, %arg0 : i32
    %mul3A_1 = arith.constant 128 : i32
    %mul3A_2 = arith.muli %add3A, %mul3A_1 : i32
    "tpu.region"() ({
      %run_scoped3A = tpu.sem_alloc : memref<!tpu.dma_semaphore, #tpu.memory_space<semaphore_mem>>
      %dma_start3A_193 = arith.constant 0 : i32
      %dma_start3A_194 = arith.constant 0 : i32
      %dma_start3A_195 = tpu.memref_slice %arg2[%add3A, %dma_start3A_193, %dma_start3A_194] : memref<32x8x16xi32, #tpu.memory_space<hbm>> -> memref<1x8x16xi32, #tpu.memory_space<hbm>>
      %dma_start3A_196 = tpu.memref_squeeze %dma_start3A_195 : memref<1x8x16xi32, #tpu.memory_space<hbm>> -> memref<8x16xi32, #tpu.memory_space<hbm>>
      %dma_start3A_197 = arith.constant 0 : i32
      %dma_start3A_198 = arith.constant 0 : i32
      %dma_start3A_199 = tpu.memref_slice %arg2[%add3A, %dma_start3A_197, %dma_start3A_198] : memref<32x8x16xi32, #tpu.memory_space<hbm>> -> memref<1x8x16xi32, #tpu.memory_space<hbm>>
      %dma_start3A_200 = tpu.memref_squeeze %dma_start3A_199 : memref<1x8x16xi32, #tpu.memory_space<hbm>> -> memref<8x16xi32, #tpu.memory_space<hbm>>
      tpu.enqueue_dma source(%dma_start3A_200 : memref<8x16xi32, #tpu.memory_space<hbm>>) target(%arg5 : memref<8x16xi32, #tpu.memory_space<vmem>>) target_semaphore(%run_scoped3A : memref<!tpu.dma_semaphore, #tpu.memory_space<semaphore_mem>>)
      %dma_wait3A_201 = arith.constant 0 : i32
      %dma_wait3A_202 = arith.constant 0 : i32
      %dma_wait3A_203 = tpu.memref_slice %arg2[%add3A, %dma_wait3A_201, %dma_wait3A_202] : memref<32x8x16xi32, #tpu.memory_space<hbm>> -> memref<1x8x16xi32, #tpu.memory_space<hbm>>
      %dma_wait3A_204 = tpu.memref_squeeze %dma_wait3A_203 : memref<1x8x16xi32, #tpu.memory_space<hbm>> -> memref<8x16xi32, #tpu.memory_space<hbm>>
      %dma_wait3A_205 = arith.constant 0 : i32
      %dma_wait3A_206 = arith.constant 0 : i32
      %dma_wait3A_207 = tpu.memref_slice %arg2[%add3A, %dma_wait3A_205, %dma_wait3A_206] : memref<32x8x16xi32, #tpu.memory_space<hbm>> -> memref<1x8x16xi32, #tpu.memory_space<hbm>>
      %dma_wait3A_208 = tpu.memref_squeeze %dma_wait3A_207 : memref<1x8x16xi32, #tpu.memory_space<hbm>> -> memref<8x16xi32, #tpu.memory_space<hbm>>
      tpu.wait_dma2 semaphore(%run_scoped3A : memref<!tpu.dma_semaphore, #tpu.memory_space<semaphore_mem>>) src(%dma_wait3A_208 : memref<8x16xi32, #tpu.memory_space<hbm>>) dst(%arg5 : memref<8x16xi32, #tpu.memory_space<vmem>>)
      tpu.yield
    }) : () -> ()
    %add3A_3 = arith.constant 0 : i32
    %add3A_4 = arith.addi %mul3A_2, %add3A_3 : i32
    %dma_start3A = arith.constant 0 : i32
    %dma_start3A_5 = tpu.memref_slice %arg3[%add3A_4, %dma_start3A] : memref<4096x2048xf32, #tpu.memory_space<hbm>> -> memref<16x2048xf32, #tpu.memory_space<hbm>>
    %dma_start3A_6 = arith.constant 0 : i32
    %dma_start3A_7 = tpu.memref_slice %arg3[%add3A_4, %dma_start3A_6] : memref<4096x2048xf32, #tpu.memory_space<hbm>> -> memref<16x2048xf32, #tpu.memory_space<hbm>>
    tpu.enqueue_dma source(%dma_start3A_7 : memref<16x2048xf32, #tpu.memory_space<hbm>>) target(%arg6 : memref<16x2048xf32, #tpu.memory_space<vmem>>) target_semaphore(%arg8 : memref<!tpu.dma_semaphore, #tpu.memory_space<semaphore_mem>>)
    %add3A_8 = arith.constant 16 : i32
    %add3A_9 = arith.addi %mul3A_2, %add3A_8 : i32
    %dma_start3A_10 = arith.constant 0 : i32
    %dma_start3A_11 = tpu.memref_slice %arg3[%add3A_9, %dma_start3A_10] : memref<4096x2048xf32, #tpu.memory_space<hbm>> -> memref<16x2048xf32, #tpu.memory_space<hbm>>
    %dma_start3A_12 = arith.constant 0 : i32
    %dma_start3A_13 = tpu.memref_slice %arg3[%add3A_9, %dma_start3A_12] : memref<4096x2048xf32, #tpu.memory_space<hbm>> -> memref<16x2048xf32, #tpu.memory_space<hbm>>
    tpu.enqueue_dma source(%dma_start3A_13 : memref<16x2048xf32, #tpu.memory_space<hbm>>) target(%arg7 : memref<16x2048xf32, #tpu.memory_space<vmem>>) target_semaphore(%arg8 : memref<!tpu.dma_semaphore, #tpu.memory_space<semaphore_mem>>)
    %dma_wait3A = arith.constant 0 : i32
    %dma_wait3A_14 = tpu.memref_slice %arg3[%add3A_4, %dma_wait3A] : memref<4096x2048xf32, #tpu.memory_space<hbm>> -> memref<16x2048xf32, #tpu.memory_space<hbm>>
    %dma_wait3A_15 = arith.constant 0 : i32
    %dma_wait3A_16 = tpu.memref_slice %arg3[%add3A_4, %dma_wait3A_15] : memref<4096x2048xf32, #tpu.memory_space<hbm>> -> memref<16x2048xf32, #tpu.memory_space<hbm>>
    tpu.wait_dma2 semaphore(%arg8 : memref<!tpu.dma_semaphore, #tpu.memory_space<semaphore_mem>>) src(%dma_wait3A_16 : memref<16x2048xf32, #tpu.memory_space<hbm>>) dst(%arg6 : memref<16x2048xf32, #tpu.memory_space<vmem>>)
    %dma_start3A_17 = arith.constant 0 : i32
    %dma_start3A_18 = arith.constant 0 : i32
    %dma_start3A_19 = tpu.memref_slice %arg5[%dma_start3A_17, %dma_start3A_18] : memref<8x16xi32, #tpu.memory_space<vmem>> -> memref<1x16xi32, #tpu.memory_space<vmem>>
    %dma_start3A_20 = tpu.memref_squeeze %dma_start3A_19 : memref<1x16xi32, #tpu.memory_space<vmem>> -> memref<16xi32, #tpu.memory_space<vmem>>
    %dma_start3A_21 = arith.constant 0 : i32
    %dma_start3A_22 = arith.constant 0 : i32
    %dma_start3A_23 = tpu.memref_slice %arg4[%dma_start3A_21, %dma_start3A_22] : memref<8640x2048xf32, #tpu.memory_space<hbm>> -> memref<8640x2048xf32, #tpu.memory_space<hbm>>
    tpu.enqueue_indirect_dma source(%arg6 : memref<16x2048xf32, #tpu.memory_space<vmem>>) target(%dma_start3A_23 : memref<8640x2048xf32, #tpu.memory_space<hbm>>) offsets(%dma_start3A_20 : memref<16xi32, #tpu.memory_space<vmem>>) semaphore(%arg9 : memref<!tpu.dma_semaphore, #tpu.memory_space<semaphore_mem>>)
    %dma_wait3A_24 = arith.constant 0 : i32
    %dma_wait3A_25 = arith.constant 0 : i32
    %dma_wait3A_26 = tpu.memref_slice %arg5[%dma_wait3A_24, %dma_wait3A_25] : memref<8x16xi32, #tpu.memory_space<vmem>> -> memref<1x16xi32, #tpu.memory_space<vmem>>
    %dma_wait3A_27 = tpu.memref_squeeze %dma_wait3A_26 : memref<1x16xi32, #tpu.memory_space<vmem>> -> memref<16xi32, #tpu.memory_space<vmem>>
    %dma_wait3A_28 = arith.constant 0 : i32
    %dma_wait3A_29 = arith.constant 0 : i32
    %dma_wait3A_30 = tpu.memref_slice %arg4[%dma_wait3A_28, %dma_wait3A_29] : memref<8640x2048xf32, #tpu.memory_space<hbm>> -> memref<8640x2048xf32, #tpu.memory_space<hbm>>
    tpu.wait_indirect_dma semaphore(%arg9 : memref<!tpu.dma_semaphore, #tpu.memory_space<semaphore_mem>>) src(%arg6 : memref<16x2048xf32, #tpu.memory_space<vmem>>) dst(%dma_wait3A_30 : memref<8640x2048xf32, #tpu.memory_space<hbm>>)
    %add3A_31 = arith.constant 32 : i32
    %add3A_32 = arith.addi %mul3A_2, %add3A_31 : i32
    %dma_start3A_33 = arith.constant 0 : i32
    %dma_start3A_34 = tpu.memref_slice %arg3[%add3A_32, %dma_start3A_33] : memref<4096x2048xf32, #tpu.memory_space<hbm>> -> memref<16x2048xf32, #tpu.memory_space<hbm>>
    %dma_start3A_35 = arith.constant 0 : i32
    %dma_start3A_36 = tpu.memref_slice %arg3[%add3A_32, %dma_start3A_35] : memref<4096x2048xf32, #tpu.memory_space<hbm>> -> memref<16x2048xf32, #tpu.memory_space<hbm>>
    tpu.enqueue_dma source(%dma_start3A_36 : memref<16x2048xf32, #tpu.memory_space<hbm>>) target(%arg6 : memref<16x2048xf32, #tpu.memory_space<vmem>>) target_semaphore(%arg8 : memref<!tpu.dma_semaphore, #tpu.memory_space<semaphore_mem>>)
    %dma_wait3A_37 = arith.constant 0 : i32
    %dma_wait3A_38 = tpu.memref_slice %arg3[%add3A_9, %dma_wait3A_37] : memref<4096x2048xf32, #tpu.memory_space<hbm>> -> memref<16x2048xf32, #tpu.memory_space<hbm>>
    %dma_wait3A_39 = arith.constant 0 : i32
    %dma_wait3A_40 = tpu.memref_slice %arg3[%add3A_9, %dma_wait3A_39] : memref<4096x2048xf32, #tpu.memory_space<hbm>> -> memref<16x2048xf32, #tpu.memory_space<hbm>>
    tpu.wait_dma2 semaphore(%arg8 : memref<!tpu.dma_semaphore, #tpu.memory_space<semaphore_mem>>) src(%dma_wait3A_40 : memref<16x2048xf32, #tpu.memory_space<hbm>>) dst(%arg7 : memref<16x2048xf32, #tpu.memory_space<vmem>>)
    %dma_start3A_41 = arith.constant 1 : i32
    %dma_start3A_42 = arith.constant 0 : i32
    %dma_start3A_43 = tpu.memref_slice %arg5[%dma_start3A_41, %dma_start3A_42] : memref<8x16xi32, #tpu.memory_space<vmem>> -> memref<1x16xi32, #tpu.memory_space<vmem>>
    %dma_start3A_44 = tpu.memref_squeeze %dma_start3A_43 : memref<1x16xi32, #tpu.memory_space<vmem>> -> memref<16xi32, #tpu.memory_space<vmem>>
    %dma_start3A_45 = arith.constant 0 : i32
    %dma_start3A_46 = arith.constant 0 : i32
    %dma_start3A_47 = tpu.memref_slice %arg4[%dma_start3A_45, %dma_start3A_46] : memref<8640x2048xf32, #tpu.memory_space<hbm>> -> memref<8640x2048xf32, #tpu.memory_space<hbm>>
    tpu.enqueue_indirect_dma source(%arg7 : memref<16x2048xf32, #tpu.memory_space<vmem>>) target(%dma_start3A_47 : memref<8640x2048xf32, #tpu.memory_space<hbm>>) offsets(%dma_start3A_44 : memref<16xi32, #tpu.memory_space<vmem>>) semaphore(%arg9 : memref<!tpu.dma_semaphore, #tpu.memory_space<semaphore_mem>>)
    %dma_wait3A_48 = arith.constant 1 : i32
    %dma_wait3A_49 = arith.constant 0 : i32
    %dma_wait3A_50 = tpu.memref_slice %arg5[%dma_wait3A_48, %dma_wait3A_49] : memref<8x16xi32, #tpu.memory_space<vmem>> -> memref<1x16xi32, #tpu.memory_space<vmem>>
    %dma_wait3A_51 = tpu.memref_squeeze %dma_wait3A_50 : memref<1x16xi32, #tpu.memory_space<vmem>> -> memref<16xi32, #tpu.memory_space<vmem>>
    %dma_wait3A_52 = arith.constant 0 : i32
    %dma_wait3A_53 = arith.constant 0 : i32
    %dma_wait3A_54 = tpu.memref_slice %arg4[%dma_wait3A_52, %dma_wait3A_53] : memref<8640x2048xf32, #tpu.memory_space<hbm>> -> memref<8640x2048xf32, #tpu.memory_space<hbm>>
    tpu.wait_indirect_dma semaphore(%arg9 : memref<!tpu.dma_semaphore, #tpu.memory_space<semaphore_mem>>) src(%arg7 : memref<16x2048xf32, #tpu.memory_space<vmem>>) dst(%dma_wait3A_54 : memref<8640x2048xf32, #tpu.memory_space<hbm>>)
    %add3A_55 = arith.constant 48 : i32
    %add3A_56 = arith.addi %mul3A_2, %add3A_55 : i32
    %dma_start3A_57 = arith.constant 0 : i32
    %dma_start3A_58 = tpu.memref_slice %arg3[%add3A_56, %dma_start3A_57] : memref<4096x2048xf32, #tpu.memory_space<hbm>> -> memref<16x2048xf32, #tpu.memory_space<hbm>>
    %dma_start3A_59 = arith.constant 0 : i32
    %dma_start3A_60 = tpu.memref_slice %arg3[%add3A_56, %dma_start3A_59] : memref<4096x2048xf32, #tpu.memory_space<hbm>> -> memref<16x2048xf32, #tpu.memory_space<hbm>>
    tpu.enqueue_dma source(%dma_start3A_60 : memref<16x2048xf32, #tpu.memory_space<hbm>>) target(%arg7 : memref<16x2048xf32, #tpu.memory_space<vmem>>) target_semaphore(%arg8 : memref<!tpu.dma_semaphore, #tpu.memory_space<semaphore_mem>>)
    %dma_wait3A_61 = arith.constant 0 : i32
    %dma_wait3A_62 = tpu.memref_slice %arg3[%add3A_32, %dma_wait3A_61] : memref<4096x2048xf32, #tpu.memory_space<hbm>> -> memref<16x2048xf32, #tpu.memory_space<hbm>>
    %dma_wait3A_63 = arith.constant 0 : i32
    %dma_wait3A_64 = tpu.memref_slice %arg3[%add3A_32, %dma_wait3A_63] : memref<4096x2048xf32, #tpu.memory_space<hbm>> -> memref<16x2048xf32, #tpu.memory_space<hbm>>
    tpu.wait_dma2 semaphore(%arg8 : memref<!tpu.dma_semaphore, #tpu.memory_space<semaphore_mem>>) src(%dma_wait3A_64 : memref<16x2048xf32, #tpu.memory_space<hbm>>) dst(%arg6 : memref<16x2048xf32, #tpu.memory_space<vmem>>)
    %dma_start3A_65 = arith.constant 2 : i32
    %dma_start3A_66 = arith.constant 0 : i32
    %dma_start3A_67 = tpu.memref_slice %arg5[%dma_start3A_65, %dma_start3A_66] : memref<8x16xi32, #tpu.memory_space<vmem>> -> memref<1x16xi32, #tpu.memory_space<vmem>>
    %dma_start3A_68 = tpu.memref_squeeze %dma_start3A_67 : memref<1x16xi32, #tpu.memory_space<vmem>> -> memref<16xi32, #tpu.memory_space<vmem>>
    %dma_start3A_69 = arith.constant 0 : i32
    %dma_start3A_70 = arith.constant 0 : i32
    %dma_start3A_71 = tpu.memref_slice %arg4[%dma_start3A_69, %dma_start3A_70] : memref<8640x2048xf32, #tpu.memory_space<hbm>> -> memref<8640x2048xf32, #tpu.memory_space<hbm>>
    tpu.enqueue_indirect_dma source(%arg6 : memref<16x2048xf32, #tpu.memory_space<vmem>>) target(%dma_start3A_71 : memref<8640x2048xf32, #tpu.memory_space<hbm>>) offsets(%dma_start3A_68 : memref<16xi32, #tpu.memory_space<vmem>>) semaphore(%arg9 : memref<!tpu.dma_semaphore, #tpu.memory_space<semaphore_mem>>)
    %dma_wait3A_72 = arith.constant 2 : i32
    %dma_wait3A_73 = arith.constant 0 : i32
    %dma_wait3A_74 = tpu.memref_slice %arg5[%dma_wait3A_72, %dma_wait3A_73] : memref<8x16xi32, #tpu.memory_space<vmem>> -> memref<1x16xi32, #tpu.memory_space<vmem>>
    %dma_wait3A_75 = tpu.memref_squeeze %dma_wait3A_74 : memref<1x16xi32, #tpu.memory_space<vmem>> -> memref<16xi32, #tpu.memory_space<vmem>>
    %dma_wait3A_76 = arith.constant 0 : i32
    %dma_wait3A_77 = arith.constant 0 : i32
    %dma_wait3A_78 = tpu.memref_slice %arg4[%dma_wait3A_76, %dma_wait3A_77] : memref<8640x2048xf32, #tpu.memory_space<hbm>> -> memref<8640x2048xf32, #tpu.memory_space<hbm>>
    tpu.wait_indirect_dma semaphore(%arg9 : memref<!tpu.dma_semaphore, #tpu.memory_space<semaphore_mem>>) src(%arg6 : memref<16x2048xf32, #tpu.memory_space<vmem>>) dst(%dma_wait3A_78 : memref<8640x2048xf32, #tpu.memory_space<hbm>>)
    %add3A_79 = arith.constant 64 : i32
    %add3A_80 = arith.addi %mul3A_2, %add3A_79 : i32
    %dma_start3A_81 = arith.constant 0 : i32
    %dma_start3A_82 = tpu.memref_slice %arg3[%add3A_80, %dma_start3A_81] : memref<4096x2048xf32, #tpu.memory_space<hbm>> -> memref<16x2048xf32, #tpu.memory_space<hbm>>
    %dma_start3A_83 = arith.constant 0 : i32
    %dma_start3A_84 = tpu.memref_slice %arg3[%add3A_80, %dma_start3A_83] : memref<4096x2048xf32, #tpu.memory_space<hbm>> -> memref<16x2048xf32, #tpu.memory_space<hbm>>
    tpu.enqueue_dma source(%dma_start3A_84 : memref<16x2048xf32, #tpu.memory_space<hbm>>) target(%arg6 : memref<16x2048xf32, #tpu.memory_space<vmem>>) target_semaphore(%arg8 : memref<!tpu.dma_semaphore, #tpu.memory_space<semaphore_mem>>)
    %dma_wait3A_85 = arith.constant 0 : i32
    %dma_wait3A_86 = tpu.memref_slice %arg3[%add3A_56, %dma_wait3A_85] : memref<4096x2048xf32, #tpu.memory_space<hbm>> -> memref<16x2048xf32, #tpu.memory_space<hbm>>
    %dma_wait3A_87 = arith.constant 0 : i32
    %dma_wait3A_88 = tpu.memref_slice %arg3[%add3A_56, %dma_wait3A_87] : memref<4096x2048xf32, #tpu.memory_space<hbm>> -> memref<16x2048xf32, #tpu.memory_space<hbm>>
    tpu.wait_dma2 semaphore(%arg8 : memref<!tpu.dma_semaphore, #tpu.memory_space<semaphore_mem>>) src(%dma_wait3A_88 : memref<16x2048xf32, #tpu.memory_space<hbm>>) dst(%arg7 : memref<16x2048xf32, #tpu.memory_space<vmem>>)
    %dma_start3A_89 = arith.constant 3 : i32
    %dma_start3A_90 = arith.constant 0 : i32
    %dma_start3A_91 = tpu.memref_slice %arg5[%dma_start3A_89, %dma_start3A_90] : memref<8x16xi32, #tpu.memory_space<vmem>> -> memref<1x16xi32, #tpu.memory_space<vmem>>
    %dma_start3A_92 = tpu.memref_squeeze %dma_start3A_91 : memref<1x16xi32, #tpu.memory_space<vmem>> -> memref<16xi32, #tpu.memory_space<vmem>>
    %dma_start3A_93 = arith.constant 0 : i32
    %dma_start3A_94 = arith.constant 0 : i32
    %dma_start3A_95 = tpu.memref_slice %arg4[%dma_start3A_93, %dma_start3A_94] : memref<8640x2048xf32, #tpu.memory_space<hbm>> -> memref<8640x2048xf32, #tpu.memory_space<hbm>>
    tpu.enqueue_indirect_dma source(%arg7 : memref<16x2048xf32, #tpu.memory_space<vmem>>) target(%dma_start3A_95 : memref<8640x2048xf32, #tpu.memory_space<hbm>>) offsets(%dma_start3A_92 : memref<16xi32, #tpu.memory_space<vmem>>) semaphore(%arg9 : memref<!tpu.dma_semaphore, #tpu.memory_space<semaphore_mem>>)
    %dma_wait3A_96 = arith.constant 3 : i32
    %dma_wait3A_97 = arith.constant 0 : i32
    %dma_wait3A_98 = tpu.memref_slice %arg5[%dma_wait3A_96, %dma_wait3A_97] : memref<8x16xi32, #tpu.memory_space<vmem>> -> memref<1x16xi32, #tpu.memory_space<vmem>>
    %dma_wait3A_99 = tpu.memref_squeeze %dma_wait3A_98 : memref<1x16xi32, #tpu.memory_space<vmem>> -> memref<16xi32, #tpu.memory_space<vmem>>
    %dma_wait3A_100 = arith.constant 0 : i32
    %dma_wait3A_101 = arith.constant 0 : i32
    %dma_wait3A_102 = tpu.memref_slice %arg4[%dma_wait3A_100, %dma_wait3A_101] : memref<8640x2048xf32, #tpu.memory_space<hbm>> -> memref<8640x2048xf32, #tpu.memory_space<hbm>>
    tpu.wait_indirect_dma semaphore(%arg9 : memref<!tpu.dma_semaphore, #tpu.memory_space<semaphore_mem>>) src(%arg7 : memref<16x2048xf32, #tpu.memory_space<vmem>>) dst(%dma_wait3A_102 : memref<8640x2048xf32, #tpu.memory_space<hbm>>)
    %add3A_103 = arith.constant 80 : i32
    %add3A_104 = arith.addi %mul3A_2, %add3A_103 : i32
    %dma_start3A_105 = arith.constant 0 : i32
    %dma_start3A_106 = tpu.memref_slice %arg3[%add3A_104, %dma_start3A_105] : memref<4096x2048xf32, #tpu.memory_space<hbm>> -> memref<16x2048xf32, #tpu.memory_space<hbm>>
    %dma_start3A_107 = arith.constant 0 : i32
    %dma_start3A_108 = tpu.memref_slice %arg3[%add3A_104, %dma_start3A_107] : memref<4096x2048xf32, #tpu.memory_space<hbm>> -> memref<16x2048xf32, #tpu.memory_space<hbm>>
    tpu.enqueue_dma source(%dma_start3A_108 : memref<16x2048xf32, #tpu.memory_space<hbm>>) target(%arg7 : memref<16x2048xf32, #tpu.memory_space<vmem>>) target_semaphore(%arg8 : memref<!tpu.dma_semaphore, #tpu.memory_space<semaphore_mem>>)
    %dma_wait3A_109 = arith.constant 0 : i32
    %dma_wait3A_110 = tpu.memref_slice %arg3[%add3A_80, %dma_wait3A_109] : memref<4096x2048xf32, #tpu.memory_space<hbm>> -> memref<16x2048xf32, #tpu.memory_space<hbm>>
    %dma_wait3A_111 = arith.constant 0 : i32
    %dma_wait3A_112 = tpu.memref_slice %arg3[%add3A_80, %dma_wait3A_111] : memref<4096x2048xf32, #tpu.memory_space<hbm>> -> memref<16x2048xf32, #tpu.memory_space<hbm>>
    tpu.wait_dma2 semaphore(%arg8 : memref<!tpu.dma_semaphore, #tpu.memory_space<semaphore_mem>>) src(%dma_wait3A_112 : memref<16x2048xf32, #tpu.memory_space<hbm>>) dst(%arg6 : memref<16x2048xf32, #tpu.memory_space<vmem>>)
    %dma_start3A_113 = arith.constant 4 : i32
    %dma_start3A_114 = arith.constant 0 : i32
    %dma_start3A_115 = tpu.memref_slice %arg5[%dma_start3A_113, %dma_start3A_114] : memref<8x16xi32, #tpu.memory_space<vmem>> -> memref<1x16xi32, #tpu.memory_space<vmem>>
    %dma_start3A_116 = tpu.memref_squeeze %dma_start3A_115 : memref<1x16xi32, #tpu.memory_space<vmem>> -> memref<16xi32, #tpu.memory_space<vmem>>
    %dma_start3A_117 = arith.constant 0 : i32
    %dma_start3A_118 = arith.constant 0 : i32
    %dma_start3A_119 = tpu.memref_slice %arg4[%dma_start3A_117, %dma_start3A_118] : memref<8640x2048xf32, #tpu.memory_space<hbm>> -> memref<8640x2048xf32, #tpu.memory_space<hbm>>
    tpu.enqueue_indirect_dma source(%arg6 : memref<16x2048xf32, #tpu.memory_space<vmem>>) target(%dma_start3A_119 : memref<8640x2048xf32, #tpu.memory_space<hbm>>) offsets(%dma_start3A_116 : memref<16xi32, #tpu.memory_space<vmem>>) semaphore(%arg9 : memref<!tpu.dma_semaphore, #tpu.memory_space<semaphore_mem>>)
    %dma_wait3A_120 = arith.constant 4 : i32
    %dma_wait3A_121 = arith.constant 0 : i32
    %dma_wait3A_122 = tpu.memref_slice %arg5[%dma_wait3A_120, %dma_wait3A_121] : memref<8x16xi32, #tpu.memory_space<vmem>> -> memref<1x16xi32, #tpu.memory_space<vmem>>
    %dma_wait3A_123 = tpu.memref_squeeze %dma_wait3A_122 : memref<1x16xi32, #tpu.memory_space<vmem>> -> memref<16xi32, #tpu.memory_space<vmem>>
    %dma_wait3A_124 = arith.constant 0 : i32
    %dma_wait3A_125 = arith.constant 0 : i32
    %dma_wait3A_126 = tpu.memref_slice %arg4[%dma_wait3A_124, %dma_wait3A_125] : memref<8640x2048xf32, #tpu.memory_space<hbm>> -> memref<8640x2048xf32, #tpu.memory_space<hbm>>
    tpu.wait_indirect_dma semaphore(%arg9 : memref<!tpu.dma_semaphore, #tpu.memory_space<semaphore_mem>>) src(%arg6 : memref<16x2048xf32, #tpu.memory_space<vmem>>) dst(%dma_wait3A_126 : memref<8640x2048xf32, #tpu.memory_space<hbm>>)
    %add3A_127 = arith.constant 96 : i32
    %add3A_128 = arith.addi %mul3A_2, %add3A_127 : i32
    %dma_start3A_129 = arith.constant 0 : i32
    %dma_start3A_130 = tpu.memref_slice %arg3[%add3A_128, %dma_start3A_129] : memref<4096x2048xf32, #tpu.memory_space<hbm>> -> memref<16x2048xf32, #tpu.memory_space<hbm>>
    %dma_start3A_131 = arith.constant 0 : i32
    %dma_start3A_132 = tpu.memref_slice %arg3[%add3A_128, %dma_start3A_131] : memref<4096x2048xf32, #tpu.memory_space<hbm>> -> memref<16x2048xf32, #tpu.memory_space<hbm>>
    tpu.enqueue_dma source(%dma_start3A_132 : memref<16x2048xf32, #tpu.memory_space<hbm>>) target(%arg6 : memref<16x2048xf32, #tpu.memory_space<vmem>>) target_semaphore(%arg8 : memref<!tpu.dma_semaphore, #tpu.memory_space<semaphore_mem>>)
    %dma_wait3A_133 = arith.constant 0 : i32
    %dma_wait3A_134 = tpu.memref_slice %arg3[%add3A_104, %dma_wait3A_133] : memref<4096x2048xf32, #tpu.memory_space<hbm>> -> memref<16x2048xf32, #tpu.memory_space<hbm>>
    %dma_wait3A_135 = arith.constant 0 : i32
    %dma_wait3A_136 = tpu.memref_slice %arg3[%add3A_104, %dma_wait3A_135] : memref<4096x2048xf32, #tpu.memory_space<hbm>> -> memref<16x2048xf32, #tpu.memory_space<hbm>>
    tpu.wait_dma2 semaphore(%arg8 : memref<!tpu.dma_semaphore, #tpu.memory_space<semaphore_mem>>) src(%dma_wait3A_136 : memref<16x2048xf32, #tpu.memory_space<hbm>>) dst(%arg7 : memref<16x2048xf32, #tpu.memory_space<vmem>>)
    %dma_start3A_137 = arith.constant 5 : i32
    %dma_start3A_138 = arith.constant 0 : i32
    %dma_start3A_139 = tpu.memref_slice %arg5[%dma_start3A_137, %dma_start3A_138] : memref<8x16xi32, #tpu.memory_space<vmem>> -> memref<1x16xi32, #tpu.memory_space<vmem>>
    %dma_start3A_140 = tpu.memref_squeeze %dma_start3A_139 : memref<1x16xi32, #tpu.memory_space<vmem>> -> memref<16xi32, #tpu.memory_space<vmem>>
    %dma_start3A_141 = arith.constant 0 : i32
    %dma_start3A_142 = arith.constant 0 : i32
    %dma_start3A_143 = tpu.memref_slice %arg4[%dma_start3A_141, %dma_start3A_142] : memref<8640x2048xf32, #tpu.memory_space<hbm>> -> memref<8640x2048xf32, #tpu.memory_space<hbm>>
    tpu.enqueue_indirect_dma source(%arg7 : memref<16x2048xf32, #tpu.memory_space<vmem>>) target(%dma_start3A_143 : memref<8640x2048xf32, #tpu.memory_space<hbm>>) offsets(%dma_start3A_140 : memref<16xi32, #tpu.memory_space<vmem>>) semaphore(%arg9 : memref<!tpu.dma_semaphore, #tpu.memory_space<semaphore_mem>>)
    %dma_wait3A_144 = arith.constant 5 : i32
    %dma_wait3A_145 = arith.constant 0 : i32
    %dma_wait3A_146 = tpu.memref_slice %arg5[%dma_wait3A_144, %dma_wait3A_145] : memref<8x16xi32, #tpu.memory_space<vmem>> -> memref<1x16xi32, #tpu.memory_space<vmem>>
    %dma_wait3A_147 = tpu.memref_squeeze %dma_wait3A_146 : memref<1x16xi32, #tpu.memory_space<vmem>> -> memref<16xi32, #tpu.memory_space<vmem>>
    %dma_wait3A_148 = arith.constant 0 : i32
    %dma_wait3A_149 = arith.constant 0 : i32
    %dma_wait3A_150 = tpu.memref_slice %arg4[%dma_wait3A_148, %dma_wait3A_149] : memref<8640x2048xf32, #tpu.memory_space<hbm>> -> memref<8640x2048xf32, #tpu.memory_space<hbm>>
    tpu.wait_indirect_dma semaphore(%arg9 : memref<!tpu.dma_semaphore, #tpu.memory_space<semaphore_mem>>) src(%arg7 : memref<16x2048xf32, #tpu.memory_space<vmem>>) dst(%dma_wait3A_150 : memref<8640x2048xf32, #tpu.memory_space<hbm>>)
    %add3A_151 = arith.constant 112 : i32
    %add3A_152 = arith.addi %mul3A_2, %add3A_151 : i32
    %dma_start3A_153 = arith.constant 0 : i32
    %dma_start3A_154 = tpu.memref_slice %arg3[%add3A_152, %dma_start3A_153] : memref<4096x2048xf32, #tpu.memory_space<hbm>> -> memref<16x2048xf32, #tpu.memory_space<hbm>>
    %dma_start3A_155 = arith.constant 0 : i32
    %dma_start3A_156 = tpu.memref_slice %arg3[%add3A_152, %dma_start3A_155] : memref<4096x2048xf32, #tpu.memory_space<hbm>> -> memref<16x2048xf32, #tpu.memory_space<hbm>>
    tpu.enqueue_dma source(%dma_start3A_156 : memref<16x2048xf32, #tpu.memory_space<hbm>>) target(%arg7 : memref<16x2048xf32, #tpu.memory_space<vmem>>) target_semaphore(%arg8 : memref<!tpu.dma_semaphore, #tpu.memory_space<semaphore_mem>>)
    %dma_wait3A_157 = arith.constant 0 : i32
    %dma_wait3A_158 = tpu.memref_slice %arg3[%add3A_128, %dma_wait3A_157] : memref<4096x2048xf32, #tpu.memory_space<hbm>> -> memref<16x2048xf32, #tpu.memory_space<hbm>>
    %dma_wait3A_159 = arith.constant 0 : i32
    %dma_wait3A_160 = tpu.memref_slice %arg3[%add3A_128, %dma_wait3A_159] : memref<4096x2048xf32, #tpu.memory_space<hbm>> -> memref<16x2048xf32, #tpu.memory_space<hbm>>
    tpu.wait_dma2 semaphore(%arg8 : memref<!tpu.dma_semaphore, #tpu.memory_space<semaphore_mem>>) src(%dma_wait3A_160 : memref<16x2048xf32, #tpu.memory_space<hbm>>) dst(%arg6 : memref<16x2048xf32, #tpu.memory_space<vmem>>)
    %dma_start3A_161 = arith.constant 6 : i32
    %dma_start3A_162 = arith.constant 0 : i32
    %dma_start3A_163 = tpu.memref_slice %arg5[%dma_start3A_161, %dma_start3A_162] : memref<8x16xi32, #tpu.memory_space<vmem>> -> memref<1x16xi32, #tpu.memory_space<vmem>>
    %dma_start3A_164 = tpu.memref_squeeze %dma_start3A_163 : memref<1x16xi32, #tpu.memory_space<vmem>> -> memref<16xi32, #tpu.memory_space<vmem>>
    %dma_start3A_165 = arith.constant 0 : i32
    %dma_start3A_166 = arith.constant 0 : i32
    %dma_start3A_167 = tpu.memref_slice %arg4[%dma_start3A_165, %dma_start3A_166] : memref<8640x2048xf32, #tpu.memory_space<hbm>> -> memref<8640x2048xf32, #tpu.memory_space<hbm>>
    tpu.enqueue_indirect_dma source(%arg6 : memref<16x2048xf32, #tpu.memory_space<vmem>>) target(%dma_start3A_167 : memref<8640x2048xf32, #tpu.memory_space<hbm>>) offsets(%dma_start3A_164 : memref<16xi32, #tpu.memory_space<vmem>>) semaphore(%arg9 : memref<!tpu.dma_semaphore, #tpu.memory_space<semaphore_mem>>)
    %dma_wait3A_168 = arith.constant 6 : i32
    %dma_wait3A_169 = arith.constant 0 : i32
    %dma_wait3A_170 = tpu.memref_slice %arg5[%dma_wait3A_168, %dma_wait3A_169] : memref<8x16xi32, #tpu.memory_space<vmem>> -> memref<1x16xi32, #tpu.memory_space<vmem>>
    %dma_wait3A_171 = tpu.memref_squeeze %dma_wait3A_170 : memref<1x16xi32, #tpu.memory_space<vmem>> -> memref<16xi32, #tpu.memory_space<vmem>>
    %dma_wait3A_172 = arith.constant 0 : i32
    %dma_wait3A_173 = arith.constant 0 : i32
    %dma_wait3A_174 = tpu.memref_slice %arg4[%dma_wait3A_172, %dma_wait3A_173] : memref<8640x2048xf32, #tpu.memory_space<hbm>> -> memref<8640x2048xf32, #tpu.memory_space<hbm>>
    tpu.wait_indirect_dma semaphore(%arg9 : memref<!tpu.dma_semaphore, #tpu.memory_space<semaphore_mem>>) src(%arg6 : memref<16x2048xf32, #tpu.memory_space<vmem>>) dst(%dma_wait3A_174 : memref<8640x2048xf32, #tpu.memory_space<hbm>>)
    %dma_wait3A_175 = arith.constant 0 : i32
    %dma_wait3A_176 = tpu.memref_slice %arg3[%add3A_152, %dma_wait3A_175] : memref<4096x2048xf32, #tpu.memory_space<hbm>> -> memref<16x2048xf32, #tpu.memory_space<hbm>>
    %dma_wait3A_177 = arith.constant 0 : i32
    %dma_wait3A_178 = tpu.memref_slice %arg3[%add3A_152, %dma_wait3A_177] : memref<4096x2048xf32, #tpu.memory_space<hbm>> -> memref<16x2048xf32, #tpu.memory_space<hbm>>
    tpu.wait_dma2 semaphore(%arg8 : memref<!tpu.dma_semaphore, #tpu.memory_space<semaphore_mem>>) src(%dma_wait3A_178 : memref<16x2048xf32, #tpu.memory_space<hbm>>) dst(%arg7 : memref<16x2048xf32, #tpu.memory_space<vmem>>)
    %dma_start3A_179 = arith.constant 7 : i32
    %dma_start3A_180 = arith.constant 0 : i32
    %dma_start3A_181 = tpu.memref_slice %arg5[%dma_start3A_179, %dma_start3A_180] : memref<8x16xi32, #tpu.memory_space<vmem>> -> memref<1x16xi32, #tpu.memory_space<vmem>>
    %dma_start3A_182 = tpu.memref_squeeze %dma_start3A_181 : memref<1x16xi32, #tpu.memory_space<vmem>> -> memref<16xi32, #tpu.memory_space<vmem>>
    %dma_start3A_183 = arith.constant 0 : i32
    %dma_start3A_184 = arith.constant 0 : i32
    %dma_start3A_185 = tpu.memref_slice %arg4[%dma_start3A_183, %dma_start3A_184] : memref<8640x2048xf32, #tpu.memory_space<hbm>> -> memref<8640x2048xf32, #tpu.memory_space<hbm>>
    tpu.enqueue_indirect_dma source(%arg7 : memref<16x2048xf32, #tpu.memory_space<vmem>>) target(%dma_start3A_185 : memref<8640x2048xf32, #tpu.memory_space<hbm>>) offsets(%dma_start3A_182 : memref<16xi32, #tpu.memory_space<vmem>>) semaphore(%arg9 : memref<!tpu.dma_semaphore, #tpu.memory_space<semaphore_mem>>)
    %dma_wait3A_186 = arith.constant 7 : i32
    %dma_wait3A_187 = arith.constant 0 : i32
    %dma_wait3A_188 = tpu.memref_slice %arg5[%dma_wait3A_186, %dma_wait3A_187] : memref<8x16xi32, #tpu.memory_space<vmem>> -> memref<1x16xi32, #tpu.memory_space<vmem>>
    %dma_wait3A_189 = tpu.memref_squeeze %dma_wait3A_188 : memref<1x16xi32, #tpu.memory_space<vmem>> -> memref<16xi32, #tpu.memory_space<vmem>>
    %dma_wait3A_190 = arith.constant 0 : i32
    %dma_wait3A_191 = arith.constant 0 : i32
    %dma_wait3A_192 = tpu.memref_slice %arg4[%dma_wait3A_190, %dma_wait3A_191] : memref<8640x2048xf32, #tpu.memory_space<hbm>> -> memref<8640x2048xf32, #tpu.memory_space<hbm>>
    tpu.wait_indirect_dma semaphore(%arg9 : memref<!tpu.dma_semaphore, #tpu.memory_space<semaphore_mem>>) src(%arg7 : memref<16x2048xf32, #tpu.memory_space<vmem>>) dst(%dma_wait3A_192 : memref<8640x2048xf32, #tpu.memory_space<hbm>>)
    return
  }
}

#map = affine_map<(d0, d1) -> (0)>
#map1 = affine_map<(d0, d1) -> (0, 0)>
module attributes {stable_mosaic.version = 14 : i64} {
  func.func @_sc_unsort_kernel(%arg0: i32, %arg1: i32, %arg2: memref<4096xi32, #tpu.memory_space<hbm>>, %arg3: memref<9216x4096xf32, #tpu.memory_space<hbm>>, %arg4: memref<4096x4096xf32, #tpu.memory_space<hbm>>, %arg5: memref<128xi32, #tpu.memory_space<vmem>>, %arg6: memref<8x4096xf32, #tpu.memory_space<vmem>>, %arg7: memref<8x4096xf32, #tpu.memory_space<vmem>>, %arg8: memref<!tpu.dma_semaphore, #tpu.memory_space<semaphore_mem>>, %arg9: memref<!tpu.dma_semaphore, #tpu.memory_space<semaphore_mem>>) attributes {dimension_semantics = [#tpu.dimension_semantics<core_parallel>, #tpu.dimension_semantics<subcore_parallel>], iteration_bounds = array<i64: 2, 16>, scalar_prefetch = 0 : i64, scratch_operands = 5 : i64, tpu.core_type = #tpu.core_type<sc_vector_subcore>, window_params = [{transform_indices = #map}, {transform_indices = #map1}, {transform_indices = #map1}]} {
    %mul3A = arith.constant 2 : i32
    %mul3A_0 = arith.muli %arg1, %mul3A : i32
    %add3A = arith.addi %mul3A_0, %arg0 : i32
    %mul3A_1 = arith.constant 128 : i32
    %mul3A_2 = arith.muli %add3A, %mul3A_1 : i32
    "tpu.region"() ({
      %run_scoped3A = tpu.sem_alloc : memref<!tpu.dma_semaphore, #tpu.memory_space<semaphore_mem>>
      %dma_start3A_321 = tpu.memref_slice %arg2[%mul3A_2] : memref<4096xi32, #tpu.memory_space<hbm>> -> memref<128xi32, #tpu.memory_space<hbm>>
      %dma_start3A_322 = tpu.memref_slice %arg2[%mul3A_2] : memref<4096xi32, #tpu.memory_space<hbm>> -> memref<128xi32, #tpu.memory_space<hbm>>
      tpu.enqueue_dma source(%dma_start3A_322 : memref<128xi32, #tpu.memory_space<hbm>>) target(%arg5 : memref<128xi32, #tpu.memory_space<vmem>>) target_semaphore(%run_scoped3A : memref<!tpu.dma_semaphore, #tpu.memory_space<semaphore_mem>>)
      %dma_wait3A_323 = tpu.memref_slice %arg2[%mul3A_2] : memref<4096xi32, #tpu.memory_space<hbm>> -> memref<128xi32, #tpu.memory_space<hbm>>
      %dma_wait3A_324 = tpu.memref_slice %arg2[%mul3A_2] : memref<4096xi32, #tpu.memory_space<hbm>> -> memref<128xi32, #tpu.memory_space<hbm>>
      tpu.wait_dma2 semaphore(%run_scoped3A : memref<!tpu.dma_semaphore, #tpu.memory_space<semaphore_mem>>) src(%dma_wait3A_324 : memref<128xi32, #tpu.memory_space<hbm>>) dst(%arg5 : memref<128xi32, #tpu.memory_space<vmem>>)
      tpu.yield
    }) : () -> ()
    %dma_start3A = arith.constant 0 : i32
    %dma_start3A_3 = tpu.memref_slice %arg5[%dma_start3A] : memref<128xi32, #tpu.memory_space<vmem>> -> memref<8xi32, #tpu.memory_space<vmem>>
    %dma_start3A_4 = arith.constant 0 : i32
    %dma_start3A_5 = arith.constant 0 : i32
    %dma_start3A_6 = tpu.memref_slice %arg3[%dma_start3A_4, %dma_start3A_5] : memref<9216x4096xf32, #tpu.memory_space<hbm>> -> memref<9216x4096xf32, #tpu.memory_space<hbm>>
    tpu.enqueue_indirect_dma source(%dma_start3A_6 : memref<9216x4096xf32, #tpu.memory_space<hbm>>) target(%arg6 : memref<8x4096xf32, #tpu.memory_space<vmem>>) offsets(%dma_start3A_3 : memref<8xi32, #tpu.memory_space<vmem>>) semaphore(%arg8 : memref<!tpu.dma_semaphore, #tpu.memory_space<semaphore_mem>>)
    %dma_start3A_7 = arith.constant 8 : i32
    %dma_start3A_8 = tpu.memref_slice %arg5[%dma_start3A_7] : memref<128xi32, #tpu.memory_space<vmem>> -> memref<8xi32, #tpu.memory_space<vmem>>
    %dma_start3A_9 = arith.constant 0 : i32
    %dma_start3A_10 = arith.constant 0 : i32
    %dma_start3A_11 = tpu.memref_slice %arg3[%dma_start3A_9, %dma_start3A_10] : memref<9216x4096xf32, #tpu.memory_space<hbm>> -> memref<9216x4096xf32, #tpu.memory_space<hbm>>
    tpu.enqueue_indirect_dma source(%dma_start3A_11 : memref<9216x4096xf32, #tpu.memory_space<hbm>>) target(%arg7 : memref<8x4096xf32, #tpu.memory_space<vmem>>) offsets(%dma_start3A_8 : memref<8xi32, #tpu.memory_space<vmem>>) semaphore(%arg8 : memref<!tpu.dma_semaphore, #tpu.memory_space<semaphore_mem>>)
    %dma_wait3A = arith.constant 0 : i32
    %dma_wait3A_12 = tpu.memref_slice %arg5[%dma_wait3A] : memref<128xi32, #tpu.memory_space<vmem>> -> memref<8xi32, #tpu.memory_space<vmem>>
    %dma_wait3A_13 = arith.constant 0 : i32
    %dma_wait3A_14 = arith.constant 0 : i32
    %dma_wait3A_15 = tpu.memref_slice %arg3[%dma_wait3A_13, %dma_wait3A_14] : memref<9216x4096xf32, #tpu.memory_space<hbm>> -> memref<9216x4096xf32, #tpu.memory_space<hbm>>
    tpu.wait_indirect_dma semaphore(%arg8 : memref<!tpu.dma_semaphore, #tpu.memory_space<semaphore_mem>>) src(%dma_wait3A_15 : memref<9216x4096xf32, #tpu.memory_space<hbm>>) dst(%arg6 : memref<8x4096xf32, #tpu.memory_space<vmem>>)
    %add3A_16 = arith.constant 0 : i32
    %add3A_17 = arith.addi %mul3A_2, %add3A_16 : i32
    %dma_start3A_18 = arith.constant 0 : i32
    %dma_start3A_19 = tpu.memref_slice %arg4[%add3A_17, %dma_start3A_18] : memref<4096x4096xf32, #tpu.memory_space<hbm>> -> memref<8x4096xf32, #tpu.memory_space<hbm>>
    %dma_start3A_20 = arith.constant 0 : i32
    %dma_start3A_21 = tpu.memref_slice %arg4[%add3A_17, %dma_start3A_20] : memref<4096x4096xf32, #tpu.memory_space<hbm>> -> memref<8x4096xf32, #tpu.memory_space<hbm>>
    tpu.enqueue_dma source(%arg6 : memref<8x4096xf32, #tpu.memory_space<vmem>>) target(%dma_start3A_21 : memref<8x4096xf32, #tpu.memory_space<hbm>>) target_semaphore(%arg9 : memref<!tpu.dma_semaphore, #tpu.memory_space<semaphore_mem>>)
    %dma_wait3A_22 = arith.constant 0 : i32
    %dma_wait3A_23 = tpu.memref_slice %arg4[%add3A_17, %dma_wait3A_22] : memref<4096x4096xf32, #tpu.memory_space<hbm>> -> memref<8x4096xf32, #tpu.memory_space<hbm>>
    %dma_wait3A_24 = arith.constant 0 : i32
    %dma_wait3A_25 = tpu.memref_slice %arg4[%add3A_17, %dma_wait3A_24] : memref<4096x4096xf32, #tpu.memory_space<hbm>> -> memref<8x4096xf32, #tpu.memory_space<hbm>>
    tpu.wait_dma2 semaphore(%arg9 : memref<!tpu.dma_semaphore, #tpu.memory_space<semaphore_mem>>) src(%arg6 : memref<8x4096xf32, #tpu.memory_space<vmem>>) dst(%dma_wait3A_25 : memref<8x4096xf32, #tpu.memory_space<hbm>>)
    %dma_start3A_26 = arith.constant 16 : i32
    %dma_start3A_27 = tpu.memref_slice %arg5[%dma_start3A_26] : memref<128xi32, #tpu.memory_space<vmem>> -> memref<8xi32, #tpu.memory_space<vmem>>
    %dma_start3A_28 = arith.constant 0 : i32
    %dma_start3A_29 = arith.constant 0 : i32
    %dma_start3A_30 = tpu.memref_slice %arg3[%dma_start3A_28, %dma_start3A_29] : memref<9216x4096xf32, #tpu.memory_space<hbm>> -> memref<9216x4096xf32, #tpu.memory_space<hbm>>
    tpu.enqueue_indirect_dma source(%dma_start3A_30 : memref<9216x4096xf32, #tpu.memory_space<hbm>>) target(%arg6 : memref<8x4096xf32, #tpu.memory_space<vmem>>) offsets(%dma_start3A_27 : memref<8xi32, #tpu.memory_space<vmem>>) semaphore(%arg8 : memref<!tpu.dma_semaphore, #tpu.memory_space<semaphore_mem>>)
    %dma_wait3A_31 = arith.constant 8 : i32
    %dma_wait3A_32 = tpu.memref_slice %arg5[%dma_wait3A_31] : memref<128xi32, #tpu.memory_space<vmem>> -> memref<8xi32, #tpu.memory_space<vmem>>
    %dma_wait3A_33 = arith.constant 0 : i32
    %dma_wait3A_34 = arith.constant 0 : i32
    %dma_wait3A_35 = tpu.memref_slice %arg3[%dma_wait3A_33, %dma_wait3A_34] : memref<9216x4096xf32, #tpu.memory_space<hbm>> -> memref<9216x4096xf32, #tpu.memory_space<hbm>>
    tpu.wait_indirect_dma semaphore(%arg8 : memref<!tpu.dma_semaphore, #tpu.memory_space<semaphore_mem>>) src(%dma_wait3A_35 : memref<9216x4096xf32, #tpu.memory_space<hbm>>) dst(%arg7 : memref<8x4096xf32, #tpu.memory_space<vmem>>)
    %add3A_36 = arith.constant 8 : i32
    %add3A_37 = arith.addi %mul3A_2, %add3A_36 : i32
    %dma_start3A_38 = arith.constant 0 : i32
    %dma_start3A_39 = tpu.memref_slice %arg4[%add3A_37, %dma_start3A_38] : memref<4096x4096xf32, #tpu.memory_space<hbm>> -> memref<8x4096xf32, #tpu.memory_space<hbm>>
    %dma_start3A_40 = arith.constant 0 : i32
    %dma_start3A_41 = tpu.memref_slice %arg4[%add3A_37, %dma_start3A_40] : memref<4096x4096xf32, #tpu.memory_space<hbm>> -> memref<8x4096xf32, #tpu.memory_space<hbm>>
    tpu.enqueue_dma source(%arg7 : memref<8x4096xf32, #tpu.memory_space<vmem>>) target(%dma_start3A_41 : memref<8x4096xf32, #tpu.memory_space<hbm>>) target_semaphore(%arg9 : memref<!tpu.dma_semaphore, #tpu.memory_space<semaphore_mem>>)
    %dma_wait3A_42 = arith.constant 0 : i32
    %dma_wait3A_43 = tpu.memref_slice %arg4[%add3A_37, %dma_wait3A_42] : memref<4096x4096xf32, #tpu.memory_space<hbm>> -> memref<8x4096xf32, #tpu.memory_space<hbm>>
    %dma_wait3A_44 = arith.constant 0 : i32
    %dma_wait3A_45 = tpu.memref_slice %arg4[%add3A_37, %dma_wait3A_44] : memref<4096x4096xf32, #tpu.memory_space<hbm>> -> memref<8x4096xf32, #tpu.memory_space<hbm>>
    tpu.wait_dma2 semaphore(%arg9 : memref<!tpu.dma_semaphore, #tpu.memory_space<semaphore_mem>>) src(%arg7 : memref<8x4096xf32, #tpu.memory_space<vmem>>) dst(%dma_wait3A_45 : memref<8x4096xf32, #tpu.memory_space<hbm>>)
    %dma_start3A_46 = arith.constant 24 : i32
    %dma_start3A_47 = tpu.memref_slice %arg5[%dma_start3A_46] : memref<128xi32, #tpu.memory_space<vmem>> -> memref<8xi32, #tpu.memory_space<vmem>>
    %dma_start3A_48 = arith.constant 0 : i32
    %dma_start3A_49 = arith.constant 0 : i32
    %dma_start3A_50 = tpu.memref_slice %arg3[%dma_start3A_48, %dma_start3A_49] : memref<9216x4096xf32, #tpu.memory_space<hbm>> -> memref<9216x4096xf32, #tpu.memory_space<hbm>>
    tpu.enqueue_indirect_dma source(%dma_start3A_50 : memref<9216x4096xf32, #tpu.memory_space<hbm>>) target(%arg7 : memref<8x4096xf32, #tpu.memory_space<vmem>>) offsets(%dma_start3A_47 : memref<8xi32, #tpu.memory_space<vmem>>) semaphore(%arg8 : memref<!tpu.dma_semaphore, #tpu.memory_space<semaphore_mem>>)
    %dma_wait3A_51 = arith.constant 16 : i32
    %dma_wait3A_52 = tpu.memref_slice %arg5[%dma_wait3A_51] : memref<128xi32, #tpu.memory_space<vmem>> -> memref<8xi32, #tpu.memory_space<vmem>>
    %dma_wait3A_53 = arith.constant 0 : i32
    %dma_wait3A_54 = arith.constant 0 : i32
    %dma_wait3A_55 = tpu.memref_slice %arg3[%dma_wait3A_53, %dma_wait3A_54] : memref<9216x4096xf32, #tpu.memory_space<hbm>> -> memref<9216x4096xf32, #tpu.memory_space<hbm>>
    tpu.wait_indirect_dma semaphore(%arg8 : memref<!tpu.dma_semaphore, #tpu.memory_space<semaphore_mem>>) src(%dma_wait3A_55 : memref<9216x4096xf32, #tpu.memory_space<hbm>>) dst(%arg6 : memref<8x4096xf32, #tpu.memory_space<vmem>>)
    %add3A_56 = arith.constant 16 : i32
    %add3A_57 = arith.addi %mul3A_2, %add3A_56 : i32
    %dma_start3A_58 = arith.constant 0 : i32
    %dma_start3A_59 = tpu.memref_slice %arg4[%add3A_57, %dma_start3A_58] : memref<4096x4096xf32, #tpu.memory_space<hbm>> -> memref<8x4096xf32, #tpu.memory_space<hbm>>
    %dma_start3A_60 = arith.constant 0 : i32
    %dma_start3A_61 = tpu.memref_slice %arg4[%add3A_57, %dma_start3A_60] : memref<4096x4096xf32, #tpu.memory_space<hbm>> -> memref<8x4096xf32, #tpu.memory_space<hbm>>
    tpu.enqueue_dma source(%arg6 : memref<8x4096xf32, #tpu.memory_space<vmem>>) target(%dma_start3A_61 : memref<8x4096xf32, #tpu.memory_space<hbm>>) target_semaphore(%arg9 : memref<!tpu.dma_semaphore, #tpu.memory_space<semaphore_mem>>)
    %dma_wait3A_62 = arith.constant 0 : i32
    %dma_wait3A_63 = tpu.memref_slice %arg4[%add3A_57, %dma_wait3A_62] : memref<4096x4096xf32, #tpu.memory_space<hbm>> -> memref<8x4096xf32, #tpu.memory_space<hbm>>
    %dma_wait3A_64 = arith.constant 0 : i32
    %dma_wait3A_65 = tpu.memref_slice %arg4[%add3A_57, %dma_wait3A_64] : memref<4096x4096xf32, #tpu.memory_space<hbm>> -> memref<8x4096xf32, #tpu.memory_space<hbm>>
    tpu.wait_dma2 semaphore(%arg9 : memref<!tpu.dma_semaphore, #tpu.memory_space<semaphore_mem>>) src(%arg6 : memref<8x4096xf32, #tpu.memory_space<vmem>>) dst(%dma_wait3A_65 : memref<8x4096xf32, #tpu.memory_space<hbm>>)
    %dma_start3A_66 = arith.constant 32 : i32
    %dma_start3A_67 = tpu.memref_slice %arg5[%dma_start3A_66] : memref<128xi32, #tpu.memory_space<vmem>> -> memref<8xi32, #tpu.memory_space<vmem>>
    %dma_start3A_68 = arith.constant 0 : i32
    %dma_start3A_69 = arith.constant 0 : i32
    %dma_start3A_70 = tpu.memref_slice %arg3[%dma_start3A_68, %dma_start3A_69] : memref<9216x4096xf32, #tpu.memory_space<hbm>> -> memref<9216x4096xf32, #tpu.memory_space<hbm>>
    tpu.enqueue_indirect_dma source(%dma_start3A_70 : memref<9216x4096xf32, #tpu.memory_space<hbm>>) target(%arg6 : memref<8x4096xf32, #tpu.memory_space<vmem>>) offsets(%dma_start3A_67 : memref<8xi32, #tpu.memory_space<vmem>>) semaphore(%arg8 : memref<!tpu.dma_semaphore, #tpu.memory_space<semaphore_mem>>)
    %dma_wait3A_71 = arith.constant 24 : i32
    %dma_wait3A_72 = tpu.memref_slice %arg5[%dma_wait3A_71] : memref<128xi32, #tpu.memory_space<vmem>> -> memref<8xi32, #tpu.memory_space<vmem>>
    %dma_wait3A_73 = arith.constant 0 : i32
    %dma_wait3A_74 = arith.constant 0 : i32
    %dma_wait3A_75 = tpu.memref_slice %arg3[%dma_wait3A_73, %dma_wait3A_74] : memref<9216x4096xf32, #tpu.memory_space<hbm>> -> memref<9216x4096xf32, #tpu.memory_space<hbm>>
    tpu.wait_indirect_dma semaphore(%arg8 : memref<!tpu.dma_semaphore, #tpu.memory_space<semaphore_mem>>) src(%dma_wait3A_75 : memref<9216x4096xf32, #tpu.memory_space<hbm>>) dst(%arg7 : memref<8x4096xf32, #tpu.memory_space<vmem>>)
    %add3A_76 = arith.constant 24 : i32
    %add3A_77 = arith.addi %mul3A_2, %add3A_76 : i32
    %dma_start3A_78 = arith.constant 0 : i32
    %dma_start3A_79 = tpu.memref_slice %arg4[%add3A_77, %dma_start3A_78] : memref<4096x4096xf32, #tpu.memory_space<hbm>> -> memref<8x4096xf32, #tpu.memory_space<hbm>>
    %dma_start3A_80 = arith.constant 0 : i32
    %dma_start3A_81 = tpu.memref_slice %arg4[%add3A_77, %dma_start3A_80] : memref<4096x4096xf32, #tpu.memory_space<hbm>> -> memref<8x4096xf32, #tpu.memory_space<hbm>>
    tpu.enqueue_dma source(%arg7 : memref<8x4096xf32, #tpu.memory_space<vmem>>) target(%dma_start3A_81 : memref<8x4096xf32, #tpu.memory_space<hbm>>) target_semaphore(%arg9 : memref<!tpu.dma_semaphore, #tpu.memory_space<semaphore_mem>>)
    %dma_wait3A_82 = arith.constant 0 : i32
    %dma_wait3A_83 = tpu.memref_slice %arg4[%add3A_77, %dma_wait3A_82] : memref<4096x4096xf32, #tpu.memory_space<hbm>> -> memref<8x4096xf32, #tpu.memory_space<hbm>>
    %dma_wait3A_84 = arith.constant 0 : i32
    %dma_wait3A_85 = tpu.memref_slice %arg4[%add3A_77, %dma_wait3A_84] : memref<4096x4096xf32, #tpu.memory_space<hbm>> -> memref<8x4096xf32, #tpu.memory_space<hbm>>
    tpu.wait_dma2 semaphore(%arg9 : memref<!tpu.dma_semaphore, #tpu.memory_space<semaphore_mem>>) src(%arg7 : memref<8x4096xf32, #tpu.memory_space<vmem>>) dst(%dma_wait3A_85 : memref<8x4096xf32, #tpu.memory_space<hbm>>)
    %dma_start3A_86 = arith.constant 40 : i32
    %dma_start3A_87 = tpu.memref_slice %arg5[%dma_start3A_86] : memref<128xi32, #tpu.memory_space<vmem>> -> memref<8xi32, #tpu.memory_space<vmem>>
    %dma_start3A_88 = arith.constant 0 : i32
    %dma_start3A_89 = arith.constant 0 : i32
    %dma_start3A_90 = tpu.memref_slice %arg3[%dma_start3A_88, %dma_start3A_89] : memref<9216x4096xf32, #tpu.memory_space<hbm>> -> memref<9216x4096xf32, #tpu.memory_space<hbm>>
    tpu.enqueue_indirect_dma source(%dma_start3A_90 : memref<9216x4096xf32, #tpu.memory_space<hbm>>) target(%arg7 : memref<8x4096xf32, #tpu.memory_space<vmem>>) offsets(%dma_start3A_87 : memref<8xi32, #tpu.memory_space<vmem>>) semaphore(%arg8 : memref<!tpu.dma_semaphore, #tpu.memory_space<semaphore_mem>>)
    %dma_wait3A_91 = arith.constant 32 : i32
    %dma_wait3A_92 = tpu.memref_slice %arg5[%dma_wait3A_91] : memref<128xi32, #tpu.memory_space<vmem>> -> memref<8xi32, #tpu.memory_space<vmem>>
    %dma_wait3A_93 = arith.constant 0 : i32
    %dma_wait3A_94 = arith.constant 0 : i32
    %dma_wait3A_95 = tpu.memref_slice %arg3[%dma_wait3A_93, %dma_wait3A_94] : memref<9216x4096xf32, #tpu.memory_space<hbm>> -> memref<9216x4096xf32, #tpu.memory_space<hbm>>
    tpu.wait_indirect_dma semaphore(%arg8 : memref<!tpu.dma_semaphore, #tpu.memory_space<semaphore_mem>>) src(%dma_wait3A_95 : memref<9216x4096xf32, #tpu.memory_space<hbm>>) dst(%arg6 : memref<8x4096xf32, #tpu.memory_space<vmem>>)
    %add3A_96 = arith.constant 32 : i32
    %add3A_97 = arith.addi %mul3A_2, %add3A_96 : i32
    %dma_start3A_98 = arith.constant 0 : i32
    %dma_start3A_99 = tpu.memref_slice %arg4[%add3A_97, %dma_start3A_98] : memref<4096x4096xf32, #tpu.memory_space<hbm>> -> memref<8x4096xf32, #tpu.memory_space<hbm>>
    %dma_start3A_100 = arith.constant 0 : i32
    %dma_start3A_101 = tpu.memref_slice %arg4[%add3A_97, %dma_start3A_100] : memref<4096x4096xf32, #tpu.memory_space<hbm>> -> memref<8x4096xf32, #tpu.memory_space<hbm>>
    tpu.enqueue_dma source(%arg6 : memref<8x4096xf32, #tpu.memory_space<vmem>>) target(%dma_start3A_101 : memref<8x4096xf32, #tpu.memory_space<hbm>>) target_semaphore(%arg9 : memref<!tpu.dma_semaphore, #tpu.memory_space<semaphore_mem>>)
    %dma_wait3A_102 = arith.constant 0 : i32
    %dma_wait3A_103 = tpu.memref_slice %arg4[%add3A_97, %dma_wait3A_102] : memref<4096x4096xf32, #tpu.memory_space<hbm>> -> memref<8x4096xf32, #tpu.memory_space<hbm>>
    %dma_wait3A_104 = arith.constant 0 : i32
    %dma_wait3A_105 = tpu.memref_slice %arg4[%add3A_97, %dma_wait3A_104] : memref<4096x4096xf32, #tpu.memory_space<hbm>> -> memref<8x4096xf32, #tpu.memory_space<hbm>>
    tpu.wait_dma2 semaphore(%arg9 : memref<!tpu.dma_semaphore, #tpu.memory_space<semaphore_mem>>) src(%arg6 : memref<8x4096xf32, #tpu.memory_space<vmem>>) dst(%dma_wait3A_105 : memref<8x4096xf32, #tpu.memory_space<hbm>>)
    %dma_start3A_106 = arith.constant 48 : i32
    %dma_start3A_107 = tpu.memref_slice %arg5[%dma_start3A_106] : memref<128xi32, #tpu.memory_space<vmem>> -> memref<8xi32, #tpu.memory_space<vmem>>
    %dma_start3A_108 = arith.constant 0 : i32
    %dma_start3A_109 = arith.constant 0 : i32
    %dma_start3A_110 = tpu.memref_slice %arg3[%dma_start3A_108, %dma_start3A_109] : memref<9216x4096xf32, #tpu.memory_space<hbm>> -> memref<9216x4096xf32, #tpu.memory_space<hbm>>
    tpu.enqueue_indirect_dma source(%dma_start3A_110 : memref<9216x4096xf32, #tpu.memory_space<hbm>>) target(%arg6 : memref<8x4096xf32, #tpu.memory_space<vmem>>) offsets(%dma_start3A_107 : memref<8xi32, #tpu.memory_space<vmem>>) semaphore(%arg8 : memref<!tpu.dma_semaphore, #tpu.memory_space<semaphore_mem>>)
    %dma_wait3A_111 = arith.constant 40 : i32
    %dma_wait3A_112 = tpu.memref_slice %arg5[%dma_wait3A_111] : memref<128xi32, #tpu.memory_space<vmem>> -> memref<8xi32, #tpu.memory_space<vmem>>
    %dma_wait3A_113 = arith.constant 0 : i32
    %dma_wait3A_114 = arith.constant 0 : i32
    %dma_wait3A_115 = tpu.memref_slice %arg3[%dma_wait3A_113, %dma_wait3A_114] : memref<9216x4096xf32, #tpu.memory_space<hbm>> -> memref<9216x4096xf32, #tpu.memory_space<hbm>>
    tpu.wait_indirect_dma semaphore(%arg8 : memref<!tpu.dma_semaphore, #tpu.memory_space<semaphore_mem>>) src(%dma_wait3A_115 : memref<9216x4096xf32, #tpu.memory_space<hbm>>) dst(%arg7 : memref<8x4096xf32, #tpu.memory_space<vmem>>)
    %add3A_116 = arith.constant 40 : i32
    %add3A_117 = arith.addi %mul3A_2, %add3A_116 : i32
    %dma_start3A_118 = arith.constant 0 : i32
    %dma_start3A_119 = tpu.memref_slice %arg4[%add3A_117, %dma_start3A_118] : memref<4096x4096xf32, #tpu.memory_space<hbm>> -> memref<8x4096xf32, #tpu.memory_space<hbm>>
    %dma_start3A_120 = arith.constant 0 : i32
    %dma_start3A_121 = tpu.memref_slice %arg4[%add3A_117, %dma_start3A_120] : memref<4096x4096xf32, #tpu.memory_space<hbm>> -> memref<8x4096xf32, #tpu.memory_space<hbm>>
    tpu.enqueue_dma source(%arg7 : memref<8x4096xf32, #tpu.memory_space<vmem>>) target(%dma_start3A_121 : memref<8x4096xf32, #tpu.memory_space<hbm>>) target_semaphore(%arg9 : memref<!tpu.dma_semaphore, #tpu.memory_space<semaphore_mem>>)
    %dma_wait3A_122 = arith.constant 0 : i32
    %dma_wait3A_123 = tpu.memref_slice %arg4[%add3A_117, %dma_wait3A_122] : memref<4096x4096xf32, #tpu.memory_space<hbm>> -> memref<8x4096xf32, #tpu.memory_space<hbm>>
    %dma_wait3A_124 = arith.constant 0 : i32
    %dma_wait3A_125 = tpu.memref_slice %arg4[%add3A_117, %dma_wait3A_124] : memref<4096x4096xf32, #tpu.memory_space<hbm>> -> memref<8x4096xf32, #tpu.memory_space<hbm>>
    tpu.wait_dma2 semaphore(%arg9 : memref<!tpu.dma_semaphore, #tpu.memory_space<semaphore_mem>>) src(%arg7 : memref<8x4096xf32, #tpu.memory_space<vmem>>) dst(%dma_wait3A_125 : memref<8x4096xf32, #tpu.memory_space<hbm>>)
    %dma_start3A_126 = arith.constant 56 : i32
    %dma_start3A_127 = tpu.memref_slice %arg5[%dma_start3A_126] : memref<128xi32, #tpu.memory_space<vmem>> -> memref<8xi32, #tpu.memory_space<vmem>>
    %dma_start3A_128 = arith.constant 0 : i32
    %dma_start3A_129 = arith.constant 0 : i32
    %dma_start3A_130 = tpu.memref_slice %arg3[%dma_start3A_128, %dma_start3A_129] : memref<9216x4096xf32, #tpu.memory_space<hbm>> -> memref<9216x4096xf32, #tpu.memory_space<hbm>>
    tpu.enqueue_indirect_dma source(%dma_start3A_130 : memref<9216x4096xf32, #tpu.memory_space<hbm>>) target(%arg7 : memref<8x4096xf32, #tpu.memory_space<vmem>>) offsets(%dma_start3A_127 : memref<8xi32, #tpu.memory_space<vmem>>) semaphore(%arg8 : memref<!tpu.dma_semaphore, #tpu.memory_space<semaphore_mem>>)
    %dma_wait3A_131 = arith.constant 48 : i32
    %dma_wait3A_132 = tpu.memref_slice %arg5[%dma_wait3A_131] : memref<128xi32, #tpu.memory_space<vmem>> -> memref<8xi32, #tpu.memory_space<vmem>>
    %dma_wait3A_133 = arith.constant 0 : i32
    %dma_wait3A_134 = arith.constant 0 : i32
    %dma_wait3A_135 = tpu.memref_slice %arg3[%dma_wait3A_133, %dma_wait3A_134] : memref<9216x4096xf32, #tpu.memory_space<hbm>> -> memref<9216x4096xf32, #tpu.memory_space<hbm>>
    tpu.wait_indirect_dma semaphore(%arg8 : memref<!tpu.dma_semaphore, #tpu.memory_space<semaphore_mem>>) src(%dma_wait3A_135 : memref<9216x4096xf32, #tpu.memory_space<hbm>>) dst(%arg6 : memref<8x4096xf32, #tpu.memory_space<vmem>>)
    %add3A_136 = arith.constant 48 : i32
    %add3A_137 = arith.addi %mul3A_2, %add3A_136 : i32
    %dma_start3A_138 = arith.constant 0 : i32
    %dma_start3A_139 = tpu.memref_slice %arg4[%add3A_137, %dma_start3A_138] : memref<4096x4096xf32, #tpu.memory_space<hbm>> -> memref<8x4096xf32, #tpu.memory_space<hbm>>
    %dma_start3A_140 = arith.constant 0 : i32
    %dma_start3A_141 = tpu.memref_slice %arg4[%add3A_137, %dma_start3A_140] : memref<4096x4096xf32, #tpu.memory_space<hbm>> -> memref<8x4096xf32, #tpu.memory_space<hbm>>
    tpu.enqueue_dma source(%arg6 : memref<8x4096xf32, #tpu.memory_space<vmem>>) target(%dma_start3A_141 : memref<8x4096xf32, #tpu.memory_space<hbm>>) target_semaphore(%arg9 : memref<!tpu.dma_semaphore, #tpu.memory_space<semaphore_mem>>)
    %dma_wait3A_142 = arith.constant 0 : i32
    %dma_wait3A_143 = tpu.memref_slice %arg4[%add3A_137, %dma_wait3A_142] : memref<4096x4096xf32, #tpu.memory_space<hbm>> -> memref<8x4096xf32, #tpu.memory_space<hbm>>
    %dma_wait3A_144 = arith.constant 0 : i32
    %dma_wait3A_145 = tpu.memref_slice %arg4[%add3A_137, %dma_wait3A_144] : memref<4096x4096xf32, #tpu.memory_space<hbm>> -> memref<8x4096xf32, #tpu.memory_space<hbm>>
    tpu.wait_dma2 semaphore(%arg9 : memref<!tpu.dma_semaphore, #tpu.memory_space<semaphore_mem>>) src(%arg6 : memref<8x4096xf32, #tpu.memory_space<vmem>>) dst(%dma_wait3A_145 : memref<8x4096xf32, #tpu.memory_space<hbm>>)
    %dma_start3A_146 = arith.constant 64 : i32
    %dma_start3A_147 = tpu.memref_slice %arg5[%dma_start3A_146] : memref<128xi32, #tpu.memory_space<vmem>> -> memref<8xi32, #tpu.memory_space<vmem>>
    %dma_start3A_148 = arith.constant 0 : i32
    %dma_start3A_149 = arith.constant 0 : i32
    %dma_start3A_150 = tpu.memref_slice %arg3[%dma_start3A_148, %dma_start3A_149] : memref<9216x4096xf32, #tpu.memory_space<hbm>> -> memref<9216x4096xf32, #tpu.memory_space<hbm>>
    tpu.enqueue_indirect_dma source(%dma_start3A_150 : memref<9216x4096xf32, #tpu.memory_space<hbm>>) target(%arg6 : memref<8x4096xf32, #tpu.memory_space<vmem>>) offsets(%dma_start3A_147 : memref<8xi32, #tpu.memory_space<vmem>>) semaphore(%arg8 : memref<!tpu.dma_semaphore, #tpu.memory_space<semaphore_mem>>)
    %dma_wait3A_151 = arith.constant 56 : i32
    %dma_wait3A_152 = tpu.memref_slice %arg5[%dma_wait3A_151] : memref<128xi32, #tpu.memory_space<vmem>> -> memref<8xi32, #tpu.memory_space<vmem>>
    %dma_wait3A_153 = arith.constant 0 : i32
    %dma_wait3A_154 = arith.constant 0 : i32
    %dma_wait3A_155 = tpu.memref_slice %arg3[%dma_wait3A_153, %dma_wait3A_154] : memref<9216x4096xf32, #tpu.memory_space<hbm>> -> memref<9216x4096xf32, #tpu.memory_space<hbm>>
    tpu.wait_indirect_dma semaphore(%arg8 : memref<!tpu.dma_semaphore, #tpu.memory_space<semaphore_mem>>) src(%dma_wait3A_155 : memref<9216x4096xf32, #tpu.memory_space<hbm>>) dst(%arg7 : memref<8x4096xf32, #tpu.memory_space<vmem>>)
    %add3A_156 = arith.constant 56 : i32
    %add3A_157 = arith.addi %mul3A_2, %add3A_156 : i32
    %dma_start3A_158 = arith.constant 0 : i32
    %dma_start3A_159 = tpu.memref_slice %arg4[%add3A_157, %dma_start3A_158] : memref<4096x4096xf32, #tpu.memory_space<hbm>> -> memref<8x4096xf32, #tpu.memory_space<hbm>>
    %dma_start3A_160 = arith.constant 0 : i32
    %dma_start3A_161 = tpu.memref_slice %arg4[%add3A_157, %dma_start3A_160] : memref<4096x4096xf32, #tpu.memory_space<hbm>> -> memref<8x4096xf32, #tpu.memory_space<hbm>>
    tpu.enqueue_dma source(%arg7 : memref<8x4096xf32, #tpu.memory_space<vmem>>) target(%dma_start3A_161 : memref<8x4096xf32, #tpu.memory_space<hbm>>) target_semaphore(%arg9 : memref<!tpu.dma_semaphore, #tpu.memory_space<semaphore_mem>>)
    %dma_wait3A_162 = arith.constant 0 : i32
    %dma_wait3A_163 = tpu.memref_slice %arg4[%add3A_157, %dma_wait3A_162] : memref<4096x4096xf32, #tpu.memory_space<hbm>> -> memref<8x4096xf32, #tpu.memory_space<hbm>>
    %dma_wait3A_164 = arith.constant 0 : i32
    %dma_wait3A_165 = tpu.memref_slice %arg4[%add3A_157, %dma_wait3A_164] : memref<4096x4096xf32, #tpu.memory_space<hbm>> -> memref<8x4096xf32, #tpu.memory_space<hbm>>
    tpu.wait_dma2 semaphore(%arg9 : memref<!tpu.dma_semaphore, #tpu.memory_space<semaphore_mem>>) src(%arg7 : memref<8x4096xf32, #tpu.memory_space<vmem>>) dst(%dma_wait3A_165 : memref<8x4096xf32, #tpu.memory_space<hbm>>)
    %dma_start3A_166 = arith.constant 72 : i32
    %dma_start3A_167 = tpu.memref_slice %arg5[%dma_start3A_166] : memref<128xi32, #tpu.memory_space<vmem>> -> memref<8xi32, #tpu.memory_space<vmem>>
    %dma_start3A_168 = arith.constant 0 : i32
    %dma_start3A_169 = arith.constant 0 : i32
    %dma_start3A_170 = tpu.memref_slice %arg3[%dma_start3A_168, %dma_start3A_169] : memref<9216x4096xf32, #tpu.memory_space<hbm>> -> memref<9216x4096xf32, #tpu.memory_space<hbm>>
    tpu.enqueue_indirect_dma source(%dma_start3A_170 : memref<9216x4096xf32, #tpu.memory_space<hbm>>) target(%arg7 : memref<8x4096xf32, #tpu.memory_space<vmem>>) offsets(%dma_start3A_167 : memref<8xi32, #tpu.memory_space<vmem>>) semaphore(%arg8 : memref<!tpu.dma_semaphore, #tpu.memory_space<semaphore_mem>>)
    %dma_wait3A_171 = arith.constant 64 : i32
    %dma_wait3A_172 = tpu.memref_slice %arg5[%dma_wait3A_171] : memref<128xi32, #tpu.memory_space<vmem>> -> memref<8xi32, #tpu.memory_space<vmem>>
    %dma_wait3A_173 = arith.constant 0 : i32
    %dma_wait3A_174 = arith.constant 0 : i32
    %dma_wait3A_175 = tpu.memref_slice %arg3[%dma_wait3A_173, %dma_wait3A_174] : memref<9216x4096xf32, #tpu.memory_space<hbm>> -> memref<9216x4096xf32, #tpu.memory_space<hbm>>
    tpu.wait_indirect_dma semaphore(%arg8 : memref<!tpu.dma_semaphore, #tpu.memory_space<semaphore_mem>>) src(%dma_wait3A_175 : memref<9216x4096xf32, #tpu.memory_space<hbm>>) dst(%arg6 : memref<8x4096xf32, #tpu.memory_space<vmem>>)
    %add3A_176 = arith.constant 64 : i32
    %add3A_177 = arith.addi %mul3A_2, %add3A_176 : i32
    %dma_start3A_178 = arith.constant 0 : i32
    %dma_start3A_179 = tpu.memref_slice %arg4[%add3A_177, %dma_start3A_178] : memref<4096x4096xf32, #tpu.memory_space<hbm>> -> memref<8x4096xf32, #tpu.memory_space<hbm>>
    %dma_start3A_180 = arith.constant 0 : i32
    %dma_start3A_181 = tpu.memref_slice %arg4[%add3A_177, %dma_start3A_180] : memref<4096x4096xf32, #tpu.memory_space<hbm>> -> memref<8x4096xf32, #tpu.memory_space<hbm>>
    tpu.enqueue_dma source(%arg6 : memref<8x4096xf32, #tpu.memory_space<vmem>>) target(%dma_start3A_181 : memref<8x4096xf32, #tpu.memory_space<hbm>>) target_semaphore(%arg9 : memref<!tpu.dma_semaphore, #tpu.memory_space<semaphore_mem>>)
    %dma_wait3A_182 = arith.constant 0 : i32
    %dma_wait3A_183 = tpu.memref_slice %arg4[%add3A_177, %dma_wait3A_182] : memref<4096x4096xf32, #tpu.memory_space<hbm>> -> memref<8x4096xf32, #tpu.memory_space<hbm>>
    %dma_wait3A_184 = arith.constant 0 : i32
    %dma_wait3A_185 = tpu.memref_slice %arg4[%add3A_177, %dma_wait3A_184] : memref<4096x4096xf32, #tpu.memory_space<hbm>> -> memref<8x4096xf32, #tpu.memory_space<hbm>>
    tpu.wait_dma2 semaphore(%arg9 : memref<!tpu.dma_semaphore, #tpu.memory_space<semaphore_mem>>) src(%arg6 : memref<8x4096xf32, #tpu.memory_space<vmem>>) dst(%dma_wait3A_185 : memref<8x4096xf32, #tpu.memory_space<hbm>>)
    %dma_start3A_186 = arith.constant 80 : i32
    %dma_start3A_187 = tpu.memref_slice %arg5[%dma_start3A_186] : memref<128xi32, #tpu.memory_space<vmem>> -> memref<8xi32, #tpu.memory_space<vmem>>
    %dma_start3A_188 = arith.constant 0 : i32
    %dma_start3A_189 = arith.constant 0 : i32
    %dma_start3A_190 = tpu.memref_slice %arg3[%dma_start3A_188, %dma_start3A_189] : memref<9216x4096xf32, #tpu.memory_space<hbm>> -> memref<9216x4096xf32, #tpu.memory_space<hbm>>
    tpu.enqueue_indirect_dma source(%dma_start3A_190 : memref<9216x4096xf32, #tpu.memory_space<hbm>>) target(%arg6 : memref<8x4096xf32, #tpu.memory_space<vmem>>) offsets(%dma_start3A_187 : memref<8xi32, #tpu.memory_space<vmem>>) semaphore(%arg8 : memref<!tpu.dma_semaphore, #tpu.memory_space<semaphore_mem>>)
    %dma_wait3A_191 = arith.constant 72 : i32
    %dma_wait3A_192 = tpu.memref_slice %arg5[%dma_wait3A_191] : memref<128xi32, #tpu.memory_space<vmem>> -> memref<8xi32, #tpu.memory_space<vmem>>
    %dma_wait3A_193 = arith.constant 0 : i32
    %dma_wait3A_194 = arith.constant 0 : i32
    %dma_wait3A_195 = tpu.memref_slice %arg3[%dma_wait3A_193, %dma_wait3A_194] : memref<9216x4096xf32, #tpu.memory_space<hbm>> -> memref<9216x4096xf32, #tpu.memory_space<hbm>>
    tpu.wait_indirect_dma semaphore(%arg8 : memref<!tpu.dma_semaphore, #tpu.memory_space<semaphore_mem>>) src(%dma_wait3A_195 : memref<9216x4096xf32, #tpu.memory_space<hbm>>) dst(%arg7 : memref<8x4096xf32, #tpu.memory_space<vmem>>)
    %add3A_196 = arith.constant 72 : i32
    %add3A_197 = arith.addi %mul3A_2, %add3A_196 : i32
    %dma_start3A_198 = arith.constant 0 : i32
    %dma_start3A_199 = tpu.memref_slice %arg4[%add3A_197, %dma_start3A_198] : memref<4096x4096xf32, #tpu.memory_space<hbm>> -> memref<8x4096xf32, #tpu.memory_space<hbm>>
    %dma_start3A_200 = arith.constant 0 : i32
    %dma_start3A_201 = tpu.memref_slice %arg4[%add3A_197, %dma_start3A_200] : memref<4096x4096xf32, #tpu.memory_space<hbm>> -> memref<8x4096xf32, #tpu.memory_space<hbm>>
    tpu.enqueue_dma source(%arg7 : memref<8x4096xf32, #tpu.memory_space<vmem>>) target(%dma_start3A_201 : memref<8x4096xf32, #tpu.memory_space<hbm>>) target_semaphore(%arg9 : memref<!tpu.dma_semaphore, #tpu.memory_space<semaphore_mem>>)
    %dma_wait3A_202 = arith.constant 0 : i32
    %dma_wait3A_203 = tpu.memref_slice %arg4[%add3A_197, %dma_wait3A_202] : memref<4096x4096xf32, #tpu.memory_space<hbm>> -> memref<8x4096xf32, #tpu.memory_space<hbm>>
    %dma_wait3A_204 = arith.constant 0 : i32
    %dma_wait3A_205 = tpu.memref_slice %arg4[%add3A_197, %dma_wait3A_204] : memref<4096x4096xf32, #tpu.memory_space<hbm>> -> memref<8x4096xf32, #tpu.memory_space<hbm>>
    tpu.wait_dma2 semaphore(%arg9 : memref<!tpu.dma_semaphore, #tpu.memory_space<semaphore_mem>>) src(%arg7 : memref<8x4096xf32, #tpu.memory_space<vmem>>) dst(%dma_wait3A_205 : memref<8x4096xf32, #tpu.memory_space<hbm>>)
    %dma_start3A_206 = arith.constant 88 : i32
    %dma_start3A_207 = tpu.memref_slice %arg5[%dma_start3A_206] : memref<128xi32, #tpu.memory_space<vmem>> -> memref<8xi32, #tpu.memory_space<vmem>>
    %dma_start3A_208 = arith.constant 0 : i32
    %dma_start3A_209 = arith.constant 0 : i32
    %dma_start3A_210 = tpu.memref_slice %arg3[%dma_start3A_208, %dma_start3A_209] : memref<9216x4096xf32, #tpu.memory_space<hbm>> -> memref<9216x4096xf32, #tpu.memory_space<hbm>>
    tpu.enqueue_indirect_dma source(%dma_start3A_210 : memref<9216x4096xf32, #tpu.memory_space<hbm>>) target(%arg7 : memref<8x4096xf32, #tpu.memory_space<vmem>>) offsets(%dma_start3A_207 : memref<8xi32, #tpu.memory_space<vmem>>) semaphore(%arg8 : memref<!tpu.dma_semaphore, #tpu.memory_space<semaphore_mem>>)
    %dma_wait3A_211 = arith.constant 80 : i32
    %dma_wait3A_212 = tpu.memref_slice %arg5[%dma_wait3A_211] : memref<128xi32, #tpu.memory_space<vmem>> -> memref<8xi32, #tpu.memory_space<vmem>>
    %dma_wait3A_213 = arith.constant 0 : i32
    %dma_wait3A_214 = arith.constant 0 : i32
    %dma_wait3A_215 = tpu.memref_slice %arg3[%dma_wait3A_213, %dma_wait3A_214] : memref<9216x4096xf32, #tpu.memory_space<hbm>> -> memref<9216x4096xf32, #tpu.memory_space<hbm>>
    tpu.wait_indirect_dma semaphore(%arg8 : memref<!tpu.dma_semaphore, #tpu.memory_space<semaphore_mem>>) src(%dma_wait3A_215 : memref<9216x4096xf32, #tpu.memory_space<hbm>>) dst(%arg6 : memref<8x4096xf32, #tpu.memory_space<vmem>>)
    %add3A_216 = arith.constant 80 : i32
    %add3A_217 = arith.addi %mul3A_2, %add3A_216 : i32
    %dma_start3A_218 = arith.constant 0 : i32
    %dma_start3A_219 = tpu.memref_slice %arg4[%add3A_217, %dma_start3A_218] : memref<4096x4096xf32, #tpu.memory_space<hbm>> -> memref<8x4096xf32, #tpu.memory_space<hbm>>
    %dma_start3A_220 = arith.constant 0 : i32
    %dma_start3A_221 = tpu.memref_slice %arg4[%add3A_217, %dma_start3A_220] : memref<4096x4096xf32, #tpu.memory_space<hbm>> -> memref<8x4096xf32, #tpu.memory_space<hbm>>
    tpu.enqueue_dma source(%arg6 : memref<8x4096xf32, #tpu.memory_space<vmem>>) target(%dma_start3A_221 : memref<8x4096xf32, #tpu.memory_space<hbm>>) target_semaphore(%arg9 : memref<!tpu.dma_semaphore, #tpu.memory_space<semaphore_mem>>)
    %dma_wait3A_222 = arith.constant 0 : i32
    %dma_wait3A_223 = tpu.memref_slice %arg4[%add3A_217, %dma_wait3A_222] : memref<4096x4096xf32, #tpu.memory_space<hbm>> -> memref<8x4096xf32, #tpu.memory_space<hbm>>
    %dma_wait3A_224 = arith.constant 0 : i32
    %dma_wait3A_225 = tpu.memref_slice %arg4[%add3A_217, %dma_wait3A_224] : memref<4096x4096xf32, #tpu.memory_space<hbm>> -> memref<8x4096xf32, #tpu.memory_space<hbm>>
    tpu.wait_dma2 semaphore(%arg9 : memref<!tpu.dma_semaphore, #tpu.memory_space<semaphore_mem>>) src(%arg6 : memref<8x4096xf32, #tpu.memory_space<vmem>>) dst(%dma_wait3A_225 : memref<8x4096xf32, #tpu.memory_space<hbm>>)
    %dma_start3A_226 = arith.constant 96 : i32
    %dma_start3A_227 = tpu.memref_slice %arg5[%dma_start3A_226] : memref<128xi32, #tpu.memory_space<vmem>> -> memref<8xi32, #tpu.memory_space<vmem>>
    %dma_start3A_228 = arith.constant 0 : i32
    %dma_start3A_229 = arith.constant 0 : i32
    %dma_start3A_230 = tpu.memref_slice %arg3[%dma_start3A_228, %dma_start3A_229] : memref<9216x4096xf32, #tpu.memory_space<hbm>> -> memref<9216x4096xf32, #tpu.memory_space<hbm>>
    tpu.enqueue_indirect_dma source(%dma_start3A_230 : memref<9216x4096xf32, #tpu.memory_space<hbm>>) target(%arg6 : memref<8x4096xf32, #tpu.memory_space<vmem>>) offsets(%dma_start3A_227 : memref<8xi32, #tpu.memory_space<vmem>>) semaphore(%arg8 : memref<!tpu.dma_semaphore, #tpu.memory_space<semaphore_mem>>)
    %dma_wait3A_231 = arith.constant 88 : i32
    %dma_wait3A_232 = tpu.memref_slice %arg5[%dma_wait3A_231] : memref<128xi32, #tpu.memory_space<vmem>> -> memref<8xi32, #tpu.memory_space<vmem>>
    %dma_wait3A_233 = arith.constant 0 : i32
    %dma_wait3A_234 = arith.constant 0 : i32
    %dma_wait3A_235 = tpu.memref_slice %arg3[%dma_wait3A_233, %dma_wait3A_234] : memref<9216x4096xf32, #tpu.memory_space<hbm>> -> memref<9216x4096xf32, #tpu.memory_space<hbm>>
    tpu.wait_indirect_dma semaphore(%arg8 : memref<!tpu.dma_semaphore, #tpu.memory_space<semaphore_mem>>) src(%dma_wait3A_235 : memref<9216x4096xf32, #tpu.memory_space<hbm>>) dst(%arg7 : memref<8x4096xf32, #tpu.memory_space<vmem>>)
    %add3A_236 = arith.constant 88 : i32
    %add3A_237 = arith.addi %mul3A_2, %add3A_236 : i32
    %dma_start3A_238 = arith.constant 0 : i32
    %dma_start3A_239 = tpu.memref_slice %arg4[%add3A_237, %dma_start3A_238] : memref<4096x4096xf32, #tpu.memory_space<hbm>> -> memref<8x4096xf32, #tpu.memory_space<hbm>>
    %dma_start3A_240 = arith.constant 0 : i32
    %dma_start3A_241 = tpu.memref_slice %arg4[%add3A_237, %dma_start3A_240] : memref<4096x4096xf32, #tpu.memory_space<hbm>> -> memref<8x4096xf32, #tpu.memory_space<hbm>>
    tpu.enqueue_dma source(%arg7 : memref<8x4096xf32, #tpu.memory_space<vmem>>) target(%dma_start3A_241 : memref<8x4096xf32, #tpu.memory_space<hbm>>) target_semaphore(%arg9 : memref<!tpu.dma_semaphore, #tpu.memory_space<semaphore_mem>>)
    %dma_wait3A_242 = arith.constant 0 : i32
    %dma_wait3A_243 = tpu.memref_slice %arg4[%add3A_237, %dma_wait3A_242] : memref<4096x4096xf32, #tpu.memory_space<hbm>> -> memref<8x4096xf32, #tpu.memory_space<hbm>>
    %dma_wait3A_244 = arith.constant 0 : i32
    %dma_wait3A_245 = tpu.memref_slice %arg4[%add3A_237, %dma_wait3A_244] : memref<4096x4096xf32, #tpu.memory_space<hbm>> -> memref<8x4096xf32, #tpu.memory_space<hbm>>
    tpu.wait_dma2 semaphore(%arg9 : memref<!tpu.dma_semaphore, #tpu.memory_space<semaphore_mem>>) src(%arg7 : memref<8x4096xf32, #tpu.memory_space<vmem>>) dst(%dma_wait3A_245 : memref<8x4096xf32, #tpu.memory_space<hbm>>)
    %dma_start3A_246 = arith.constant 104 : i32
    %dma_start3A_247 = tpu.memref_slice %arg5[%dma_start3A_246] : memref<128xi32, #tpu.memory_space<vmem>> -> memref<8xi32, #tpu.memory_space<vmem>>
    %dma_start3A_248 = arith.constant 0 : i32
    %dma_start3A_249 = arith.constant 0 : i32
    %dma_start3A_250 = tpu.memref_slice %arg3[%dma_start3A_248, %dma_start3A_249] : memref<9216x4096xf32, #tpu.memory_space<hbm>> -> memref<9216x4096xf32, #tpu.memory_space<hbm>>
    tpu.enqueue_indirect_dma source(%dma_start3A_250 : memref<9216x4096xf32, #tpu.memory_space<hbm>>) target(%arg7 : memref<8x4096xf32, #tpu.memory_space<vmem>>) offsets(%dma_start3A_247 : memref<8xi32, #tpu.memory_space<vmem>>) semaphore(%arg8 : memref<!tpu.dma_semaphore, #tpu.memory_space<semaphore_mem>>)
    %dma_wait3A_251 = arith.constant 96 : i32
    %dma_wait3A_252 = tpu.memref_slice %arg5[%dma_wait3A_251] : memref<128xi32, #tpu.memory_space<vmem>> -> memref<8xi32, #tpu.memory_space<vmem>>
    %dma_wait3A_253 = arith.constant 0 : i32
    %dma_wait3A_254 = arith.constant 0 : i32
    %dma_wait3A_255 = tpu.memref_slice %arg3[%dma_wait3A_253, %dma_wait3A_254] : memref<9216x4096xf32, #tpu.memory_space<hbm>> -> memref<9216x4096xf32, #tpu.memory_space<hbm>>
    tpu.wait_indirect_dma semaphore(%arg8 : memref<!tpu.dma_semaphore, #tpu.memory_space<semaphore_mem>>) src(%dma_wait3A_255 : memref<9216x4096xf32, #tpu.memory_space<hbm>>) dst(%arg6 : memref<8x4096xf32, #tpu.memory_space<vmem>>)
    %add3A_256 = arith.constant 96 : i32
    %add3A_257 = arith.addi %mul3A_2, %add3A_256 : i32
    %dma_start3A_258 = arith.constant 0 : i32
    %dma_start3A_259 = tpu.memref_slice %arg4[%add3A_257, %dma_start3A_258] : memref<4096x4096xf32, #tpu.memory_space<hbm>> -> memref<8x4096xf32, #tpu.memory_space<hbm>>
    %dma_start3A_260 = arith.constant 0 : i32
    %dma_start3A_261 = tpu.memref_slice %arg4[%add3A_257, %dma_start3A_260] : memref<4096x4096xf32, #tpu.memory_space<hbm>> -> memref<8x4096xf32, #tpu.memory_space<hbm>>
    tpu.enqueue_dma source(%arg6 : memref<8x4096xf32, #tpu.memory_space<vmem>>) target(%dma_start3A_261 : memref<8x4096xf32, #tpu.memory_space<hbm>>) target_semaphore(%arg9 : memref<!tpu.dma_semaphore, #tpu.memory_space<semaphore_mem>>)
    %dma_wait3A_262 = arith.constant 0 : i32
    %dma_wait3A_263 = tpu.memref_slice %arg4[%add3A_257, %dma_wait3A_262] : memref<4096x4096xf32, #tpu.memory_space<hbm>> -> memref<8x4096xf32, #tpu.memory_space<hbm>>
    %dma_wait3A_264 = arith.constant 0 : i32
    %dma_wait3A_265 = tpu.memref_slice %arg4[%add3A_257, %dma_wait3A_264] : memref<4096x4096xf32, #tpu.memory_space<hbm>> -> memref<8x4096xf32, #tpu.memory_space<hbm>>
    tpu.wait_dma2 semaphore(%arg9 : memref<!tpu.dma_semaphore, #tpu.memory_space<semaphore_mem>>) src(%arg6 : memref<8x4096xf32, #tpu.memory_space<vmem>>) dst(%dma_wait3A_265 : memref<8x4096xf32, #tpu.memory_space<hbm>>)
    %dma_start3A_266 = arith.constant 112 : i32
    %dma_start3A_267 = tpu.memref_slice %arg5[%dma_start3A_266] : memref<128xi32, #tpu.memory_space<vmem>> -> memref<8xi32, #tpu.memory_space<vmem>>
    %dma_start3A_268 = arith.constant 0 : i32
    %dma_start3A_269 = arith.constant 0 : i32
    %dma_start3A_270 = tpu.memref_slice %arg3[%dma_start3A_268, %dma_start3A_269] : memref<9216x4096xf32, #tpu.memory_space<hbm>> -> memref<9216x4096xf32, #tpu.memory_space<hbm>>
    tpu.enqueue_indirect_dma source(%dma_start3A_270 : memref<9216x4096xf32, #tpu.memory_space<hbm>>) target(%arg6 : memref<8x4096xf32, #tpu.memory_space<vmem>>) offsets(%dma_start3A_267 : memref<8xi32, #tpu.memory_space<vmem>>) semaphore(%arg8 : memref<!tpu.dma_semaphore, #tpu.memory_space<semaphore_mem>>)
    %dma_wait3A_271 = arith.constant 104 : i32
    %dma_wait3A_272 = tpu.memref_slice %arg5[%dma_wait3A_271] : memref<128xi32, #tpu.memory_space<vmem>> -> memref<8xi32, #tpu.memory_space<vmem>>
    %dma_wait3A_273 = arith.constant 0 : i32
    %dma_wait3A_274 = arith.constant 0 : i32
    %dma_wait3A_275 = tpu.memref_slice %arg3[%dma_wait3A_273, %dma_wait3A_274] : memref<9216x4096xf32, #tpu.memory_space<hbm>> -> memref<9216x4096xf32, #tpu.memory_space<hbm>>
    tpu.wait_indirect_dma semaphore(%arg8 : memref<!tpu.dma_semaphore, #tpu.memory_space<semaphore_mem>>) src(%dma_wait3A_275 : memref<9216x4096xf32, #tpu.memory_space<hbm>>) dst(%arg7 : memref<8x4096xf32, #tpu.memory_space<vmem>>)
    %add3A_276 = arith.constant 104 : i32
    %add3A_277 = arith.addi %mul3A_2, %add3A_276 : i32
    %dma_start3A_278 = arith.constant 0 : i32
    %dma_start3A_279 = tpu.memref_slice %arg4[%add3A_277, %dma_start3A_278] : memref<4096x4096xf32, #tpu.memory_space<hbm>> -> memref<8x4096xf32, #tpu.memory_space<hbm>>
    %dma_start3A_280 = arith.constant 0 : i32
    %dma_start3A_281 = tpu.memref_slice %arg4[%add3A_277, %dma_start3A_280] : memref<4096x4096xf32, #tpu.memory_space<hbm>> -> memref<8x4096xf32, #tpu.memory_space<hbm>>
    tpu.enqueue_dma source(%arg7 : memref<8x4096xf32, #tpu.memory_space<vmem>>) target(%dma_start3A_281 : memref<8x4096xf32, #tpu.memory_space<hbm>>) target_semaphore(%arg9 : memref<!tpu.dma_semaphore, #tpu.memory_space<semaphore_mem>>)
    %dma_wait3A_282 = arith.constant 0 : i32
    %dma_wait3A_283 = tpu.memref_slice %arg4[%add3A_277, %dma_wait3A_282] : memref<4096x4096xf32, #tpu.memory_space<hbm>> -> memref<8x4096xf32, #tpu.memory_space<hbm>>
    %dma_wait3A_284 = arith.constant 0 : i32
    %dma_wait3A_285 = tpu.memref_slice %arg4[%add3A_277, %dma_wait3A_284] : memref<4096x4096xf32, #tpu.memory_space<hbm>> -> memref<8x4096xf32, #tpu.memory_space<hbm>>
    tpu.wait_dma2 semaphore(%arg9 : memref<!tpu.dma_semaphore, #tpu.memory_space<semaphore_mem>>) src(%arg7 : memref<8x4096xf32, #tpu.memory_space<vmem>>) dst(%dma_wait3A_285 : memref<8x4096xf32, #tpu.memory_space<hbm>>)
    %dma_start3A_286 = arith.constant 120 : i32
    %dma_start3A_287 = tpu.memref_slice %arg5[%dma_start3A_286] : memref<128xi32, #tpu.memory_space<vmem>> -> memref<8xi32, #tpu.memory_space<vmem>>
    %dma_start3A_288 = arith.constant 0 : i32
    %dma_start3A_289 = arith.constant 0 : i32
    %dma_start3A_290 = tpu.memref_slice %arg3[%dma_start3A_288, %dma_start3A_289] : memref<9216x4096xf32, #tpu.memory_space<hbm>> -> memref<9216x4096xf32, #tpu.memory_space<hbm>>
    tpu.enqueue_indirect_dma source(%dma_start3A_290 : memref<9216x4096xf32, #tpu.memory_space<hbm>>) target(%arg7 : memref<8x4096xf32, #tpu.memory_space<vmem>>) offsets(%dma_start3A_287 : memref<8xi32, #tpu.memory_space<vmem>>) semaphore(%arg8 : memref<!tpu.dma_semaphore, #tpu.memory_space<semaphore_mem>>)
    %dma_wait3A_291 = arith.constant 112 : i32
    %dma_wait3A_292 = tpu.memref_slice %arg5[%dma_wait3A_291] : memref<128xi32, #tpu.memory_space<vmem>> -> memref<8xi32, #tpu.memory_space<vmem>>
    %dma_wait3A_293 = arith.constant 0 : i32
    %dma_wait3A_294 = arith.constant 0 : i32
    %dma_wait3A_295 = tpu.memref_slice %arg3[%dma_wait3A_293, %dma_wait3A_294] : memref<9216x4096xf32, #tpu.memory_space<hbm>> -> memref<9216x4096xf32, #tpu.memory_space<hbm>>
    tpu.wait_indirect_dma semaphore(%arg8 : memref<!tpu.dma_semaphore, #tpu.memory_space<semaphore_mem>>) src(%dma_wait3A_295 : memref<9216x4096xf32, #tpu.memory_space<hbm>>) dst(%arg6 : memref<8x4096xf32, #tpu.memory_space<vmem>>)
    %add3A_296 = arith.constant 112 : i32
    %add3A_297 = arith.addi %mul3A_2, %add3A_296 : i32
    %dma_start3A_298 = arith.constant 0 : i32
    %dma_start3A_299 = tpu.memref_slice %arg4[%add3A_297, %dma_start3A_298] : memref<4096x4096xf32, #tpu.memory_space<hbm>> -> memref<8x4096xf32, #tpu.memory_space<hbm>>
    %dma_start3A_300 = arith.constant 0 : i32
    %dma_start3A_301 = tpu.memref_slice %arg4[%add3A_297, %dma_start3A_300] : memref<4096x4096xf32, #tpu.memory_space<hbm>> -> memref<8x4096xf32, #tpu.memory_space<hbm>>
    tpu.enqueue_dma source(%arg6 : memref<8x4096xf32, #tpu.memory_space<vmem>>) target(%dma_start3A_301 : memref<8x4096xf32, #tpu.memory_space<hbm>>) target_semaphore(%arg9 : memref<!tpu.dma_semaphore, #tpu.memory_space<semaphore_mem>>)
    %dma_wait3A_302 = arith.constant 0 : i32
    %dma_wait3A_303 = tpu.memref_slice %arg4[%add3A_297, %dma_wait3A_302] : memref<4096x4096xf32, #tpu.memory_space<hbm>> -> memref<8x4096xf32, #tpu.memory_space<hbm>>
    %dma_wait3A_304 = arith.constant 0 : i32
    %dma_wait3A_305 = tpu.memref_slice %arg4[%add3A_297, %dma_wait3A_304] : memref<4096x4096xf32, #tpu.memory_space<hbm>> -> memref<8x4096xf32, #tpu.memory_space<hbm>>
    tpu.wait_dma2 semaphore(%arg9 : memref<!tpu.dma_semaphore, #tpu.memory_space<semaphore_mem>>) src(%arg6 : memref<8x4096xf32, #tpu.memory_space<vmem>>) dst(%dma_wait3A_305 : memref<8x4096xf32, #tpu.memory_space<hbm>>)
    %dma_wait3A_306 = arith.constant 120 : i32
    %dma_wait3A_307 = tpu.memref_slice %arg5[%dma_wait3A_306] : memref<128xi32, #tpu.memory_space<vmem>> -> memref<8xi32, #tpu.memory_space<vmem>>
    %dma_wait3A_308 = arith.constant 0 : i32
    %dma_wait3A_309 = arith.constant 0 : i32
    %dma_wait3A_310 = tpu.memref_slice %arg3[%dma_wait3A_308, %dma_wait3A_309] : memref<9216x4096xf32, #tpu.memory_space<hbm>> -> memref<9216x4096xf32, #tpu.memory_space<hbm>>
    tpu.wait_indirect_dma semaphore(%arg8 : memref<!tpu.dma_semaphore, #tpu.memory_space<semaphore_mem>>) src(%dma_wait3A_310 : memref<9216x4096xf32, #tpu.memory_space<hbm>>) dst(%arg7 : memref<8x4096xf32, #tpu.memory_space<vmem>>)
    %add3A_311 = arith.constant 120 : i32
    %add3A_312 = arith.addi %mul3A_2, %add3A_311 : i32
    %dma_start3A_313 = arith.constant 0 : i32
    %dma_start3A_314 = tpu.memref_slice %arg4[%add3A_312, %dma_start3A_313] : memref<4096x4096xf32, #tpu.memory_space<hbm>> -> memref<8x4096xf32, #tpu.memory_space<hbm>>
    %dma_start3A_315 = arith.constant 0 : i32
    %dma_start3A_316 = tpu.memref_slice %arg4[%add3A_312, %dma_start3A_315] : memref<4096x4096xf32, #tpu.memory_space<hbm>> -> memref<8x4096xf32, #tpu.memory_space<hbm>>
    tpu.enqueue_dma source(%arg7 : memref<8x4096xf32, #tpu.memory_space<vmem>>) target(%dma_start3A_316 : memref<8x4096xf32, #tpu.memory_space<hbm>>) target_semaphore(%arg9 : memref<!tpu.dma_semaphore, #tpu.memory_space<semaphore_mem>>)
    %dma_wait3A_317 = arith.constant 0 : i32
    %dma_wait3A_318 = tpu.memref_slice %arg4[%add3A_312, %dma_wait3A_317] : memref<4096x4096xf32, #tpu.memory_space<hbm>> -> memref<8x4096xf32, #tpu.memory_space<hbm>>
    %dma_wait3A_319 = arith.constant 0 : i32
    %dma_wait3A_320 = tpu.memref_slice %arg4[%add3A_312, %dma_wait3A_319] : memref<4096x4096xf32, #tpu.memory_space<hbm>> -> memref<8x4096xf32, #tpu.memory_space<hbm>>
    tpu.wait_dma2 semaphore(%arg9 : memref<!tpu.dma_semaphore, #tpu.memory_space<semaphore_mem>>) src(%arg7 : memref<8x4096xf32, #tpu.memory_space<vmem>>) dst(%dma_wait3A_320 : memref<8x4096xf32, #tpu.memory_space<hbm>>)
    return
  }
}

module attributes {stable_mosaic.version = 14 : i64} {
  func.func @_route_kernel(%arg0: memref<32x128xi32, #tpu.memory_space<vmem>>, %arg1: memref<32x128xi32, #tpu.memory_space<vmem>>, %arg2: memref<8x128xi32, #tpu.memory_space<vmem>>) attributes {dimension_semantics = [], scalar_prefetch = 0 : i64, scratch_operands = 0 : i64, tpu.core_type = #tpu.core_type<tc>} {
    %get3A = arith.constant 0 : index
    %get3A_0 = arith.constant 0 : index
    %get3A_1 = vector.load %arg0[%get3A, %get3A_0] : memref<32x128xi32, #tpu.memory_space<vmem>>, vector<32x128xi32>
    %iota3A = tpu.iota {dimensions = array<i32: 0>} : vector<128x128xi32>
    %iota3A_2 = tpu.iota {dimensions = array<i32: 1>} : vector<128x128xi32>
    %le3A = arith.cmpi sle, %iota3A, %iota3A_2 : vector<128x128xi32>
    %convert_element_type3A = arith.extui %le3A : vector<128x128xi1> to vector<128x128xi32>
    %convert_element_type3A_3 = arith.sitofp %convert_element_type3A : vector<128x128xi32> to vector<128x128xf32>
    %iota3A_4 = tpu.iota {dimensions = array<i32: 0>} : vector<32x32xi32>
    %iota3A_5 = tpu.iota {dimensions = array<i32: 1>} : vector<32x32xi32>
    %lt3A = arith.cmpi slt, %iota3A_5, %iota3A_4 : vector<32x32xi32>
    %convert_element_type3A_6 = arith.extui %lt3A : vector<32x32xi1> to vector<32x32xi32>
    %convert_element_type3A_7 = arith.sitofp %convert_element_type3A_6 : vector<32x32xi32> to vector<32x32xf32>
    %broadcast_in_dim3A = arith.constant 0.000000e+00 : f32
    %broadcast_in_dim3A_8 = vector.broadcast %broadcast_in_dim3A : f32 to vector<32x128xf32>
    %eq3A = arith.constant 0 : i32
    %eq3A_9 = vector.broadcast %eq3A : i32 to vector<32x128xi32>
    %eq3A_10 = arith.cmpi eq, %get3A_1, %eq3A_9 : vector<32x128xi32>
    %convert_element_type3A_11 = arith.extui %eq3A_10 : vector<32x128xi1> to vector<32x128xi32>
    %convert_element_type3A_12 = arith.sitofp %convert_element_type3A_11 : vector<32x128xi32> to vector<32x128xf32>
    %dot_general3A = arith.constant dense<0.000000e+00> : vector<32x128xf32>
    %dot_general3A_13 = tpu.matmul %convert_element_type3A_12, %convert_element_type3A_3, %dot_general3A {dimension_numbers = #tpu.dot_dimension_numbers<[1], [0], [0], [1], [0, 0, 1, 1], [], []>, transpose_lhs_hint = false} : vector<32x128xf32>, vector<128x128xf32>, vector<32x128xf32> -> vector<32x128xf32>
    %reduce_sum3A = arith.constant dense<0.000000e+00> : vector<32xf32>
    %reduce_sum3A_14 = vector.multi_reduction <add>, %convert_element_type3A_12, %reduce_sum3A [1] : vector<32x128xf32> to vector<32xf32>
    %broadcast_in_dim3A_15 = vector.shape_cast %reduce_sum3A_14 : vector<32xf32> to vector<32x1xf32>
    %dot_general3A_16 = arith.constant dense<0.000000e+00> : vector<32x1xf32>
    %dot_general3A_17 = tpu.matmul %convert_element_type3A_7, %broadcast_in_dim3A_15, %dot_general3A_16 {dimension_numbers = #tpu.dot_dimension_numbers<[1], [0], [0], [1], [0, 0, 1, 1], [], []>, transpose_lhs_hint = false} : vector<32x32xf32>, vector<32x1xf32>, vector<32x1xf32> -> vector<32x1xf32>
    %add3A = vector.broadcast %dot_general3A_17 : vector<32x1xf32> to vector<32x128xf32>
    %add3A_18 = arith.addf %add3A, %dot_general3A_13 : vector<32x128xf32>
    %sub3A = arith.constant 1.000000e+00 : f32
    %sub3A_19 = vector.broadcast %sub3A : f32 to vector<32x128xf32>
    %sub3A_20 = arith.subf %add3A_18, %sub3A_19 : vector<32x128xf32>
    %convert_element_type3A_21 = arith.extui %eq3A_10 : vector<32x128xi1> to vector<32x128xi32>
    %reduce_sum3A_22 = vector.shape_cast %convert_element_type3A_21 : vector<32x128xi32> to vector<1x32x128xi32>
    %reduce_sum3A_23 = arith.constant dense<0> : vector<1xi32>
    %reduce_sum3A_24 = vector.multi_reduction <add>, %reduce_sum3A_22, %reduce_sum3A_23 [1, 2] : vector<1x32x128xi32> to vector<1xi32>
    %reduce_sum3A_25 = vector.shape_cast %reduce_sum3A_24 : vector<1xi32> to vector<1x1x1xi32>
    %reduce_sum3A_26 = vector.extract %reduce_sum3A_25[0, 0, 0] : i32 from vector<1x1x1xi32>
    %add3A_27 = arith.constant 576 : i32
    %add3A_28 = arith.addi %reduce_sum3A_26, %add3A_27 : i32
    %sub3A_29 = arith.constant 1 : i32
    %sub3A_30 = arith.subi %add3A_28, %sub3A_29 : i32
    %jit3A = arith.constant 576 : i32
    %div3A = arith.divsi %sub3A_30, %jit3A : i32
    %sign3A = arith.constant 0 : i32
    %sign3A_31 = arith.cmpi sgt, %sub3A_30, %sign3A : i32
    %sign3A_32 = arith.extui %sign3A_31 : i1 to i32
    %sign3A_33 = arith.constant 0 : i32
    %sign3A_34 = arith.cmpi slt, %sub3A_30, %sign3A_33 : i32
    %sign3A_35 = arith.extui %sign3A_34 : i1 to i32
    %sign3A_36 = arith.subi %sign3A_32, %sign3A_35 : i32
    %sign3A_37 = arith.constant 0 : i32
    %sign3A_38 = arith.cmpi sgt, %jit3A, %sign3A_37 : i32
    %sign3A_39 = arith.extui %sign3A_38 : i1 to i32
    %sign3A_40 = arith.constant 0 : i32
    %sign3A_41 = arith.cmpi slt, %jit3A, %sign3A_40 : i32
    %sign3A_42 = arith.extui %sign3A_41 : i1 to i32
    %sign3A_43 = arith.subi %sign3A_39, %sign3A_42 : i32
    %ne3A = arith.cmpi ne, %sign3A_36, %sign3A_43 : i32
    %rem3A = arith.remsi %sub3A_30, %jit3A : i32
    %ne3A_44 = arith.constant 0 : i32
    %ne3A_45 = arith.cmpi ne, %rem3A, %ne3A_44 : i32
    %and3A = arith.andi %ne3A, %ne3A_45 : i1
    %sub3A_46 = arith.constant 1 : i32
    %sub3A_47 = arith.subi %div3A, %sub3A_46 : i32
    %select_n3A = arith.select %and3A, %sub3A_47, %div3A : i32
    %mul3A = arith.constant 576 : i32
    %mul3A_48 = arith.muli %select_n3A, %mul3A : i32
    %add3A_49 = arith.constant 0.000000e+00 : f32
    %add3A_50 = vector.broadcast %add3A_49 : f32 to vector<32x128xf32>
    %add3A_51 = arith.addf %add3A_50, %sub3A_20 : vector<32x128xf32>
    %mul3A_52 = arith.mulf %convert_element_type3A_12, %add3A_51 : vector<32x128xf32>
    %add3A_53 = arith.addf %broadcast_in_dim3A_8, %mul3A_52 : vector<32x128xf32>
    %add3A_54 = arith.constant 0 : i32
    %add3A_55 = arith.addi %add3A_54, %mul3A_48 : i32
    %eq3A_56 = arith.constant 1 : i32
    %eq3A_57 = vector.broadcast %eq3A_56 : i32 to vector<32x128xi32>
    %eq3A_58 = arith.cmpi eq, %get3A_1, %eq3A_57 : vector<32x128xi32>
    %convert_element_type3A_59 = arith.extui %eq3A_58 : vector<32x128xi1> to vector<32x128xi32>
    %convert_element_type3A_60 = arith.sitofp %convert_element_type3A_59 : vector<32x128xi32> to vector<32x128xf32>
    %dot_general3A_61 = arith.constant dense<0.000000e+00> : vector<32x128xf32>
    %dot_general3A_62 = tpu.matmul %convert_element_type3A_60, %convert_element_type3A_3, %dot_general3A_61 {dimension_numbers = #tpu.dot_dimension_numbers<[1], [0], [0], [1], [0, 0, 1, 1], [], []>, transpose_lhs_hint = false} : vector<32x128xf32>, vector<128x128xf32>, vector<32x128xf32> -> vector<32x128xf32>
    %reduce_sum3A_63 = arith.constant dense<0.000000e+00> : vector<32xf32>
    %reduce_sum3A_64 = vector.multi_reduction <add>, %convert_element_type3A_60, %reduce_sum3A_63 [1] : vector<32x128xf32> to vector<32xf32>
    %broadcast_in_dim3A_65 = vector.shape_cast %reduce_sum3A_64 : vector<32xf32> to vector<32x1xf32>
    %dot_general3A_66 = arith.constant dense<0.000000e+00> : vector<32x1xf32>
    %dot_general3A_67 = tpu.matmul %convert_element_type3A_7, %broadcast_in_dim3A_65, %dot_general3A_66 {dimension_numbers = #tpu.dot_dimension_numbers<[1], [0], [0], [1], [0, 0, 1, 1], [], []>, transpose_lhs_hint = false} : vector<32x32xf32>, vector<32x1xf32>, vector<32x1xf32> -> vector<32x1xf32>
    %add3A_68 = vector.broadcast %dot_general3A_67 : vector<32x1xf32> to vector<32x128xf32>
    %add3A_69 = arith.addf %add3A_68, %dot_general3A_62 : vector<32x128xf32>
    %sub3A_70 = arith.constant 1.000000e+00 : f32
    %sub3A_71 = vector.broadcast %sub3A_70 : f32 to vector<32x128xf32>
    %sub3A_72 = arith.subf %add3A_69, %sub3A_71 : vector<32x128xf32>
    %convert_element_type3A_73 = arith.extui %eq3A_58 : vector<32x128xi1> to vector<32x128xi32>
    %reduce_sum3A_74 = vector.shape_cast %convert_element_type3A_73 : vector<32x128xi32> to vector<1x32x128xi32>
    %reduce_sum3A_75 = arith.constant dense<0> : vector<1xi32>
    %reduce_sum3A_76 = vector.multi_reduction <add>, %reduce_sum3A_74, %reduce_sum3A_75 [1, 2] : vector<1x32x128xi32> to vector<1xi32>
    %reduce_sum3A_77 = vector.shape_cast %reduce_sum3A_76 : vector<1xi32> to vector<1x1x1xi32>
    %reduce_sum3A_78 = vector.extract %reduce_sum3A_77[0, 0, 0] : i32 from vector<1x1x1xi32>
    %add3A_79 = arith.constant 576 : i32
    %add3A_80 = arith.addi %reduce_sum3A_78, %add3A_79 : i32
    %sub3A_81 = arith.constant 1 : i32
    %sub3A_82 = arith.subi %add3A_80, %sub3A_81 : i32
    %jit3A_83 = arith.constant 576 : i32
    %div3A_84 = arith.divsi %sub3A_82, %jit3A_83 : i32
    %sign3A_85 = arith.constant 0 : i32
    %sign3A_86 = arith.cmpi sgt, %sub3A_82, %sign3A_85 : i32
    %sign3A_87 = arith.extui %sign3A_86 : i1 to i32
    %sign3A_88 = arith.constant 0 : i32
    %sign3A_89 = arith.cmpi slt, %sub3A_82, %sign3A_88 : i32
    %sign3A_90 = arith.extui %sign3A_89 : i1 to i32
    %sign3A_91 = arith.subi %sign3A_87, %sign3A_90 : i32
    %sign3A_92 = arith.constant 0 : i32
    %sign3A_93 = arith.cmpi sgt, %jit3A_83, %sign3A_92 : i32
    %sign3A_94 = arith.extui %sign3A_93 : i1 to i32
    %sign3A_95 = arith.constant 0 : i32
    %sign3A_96 = arith.cmpi slt, %jit3A_83, %sign3A_95 : i32
    %sign3A_97 = arith.extui %sign3A_96 : i1 to i32
    %sign3A_98 = arith.subi %sign3A_94, %sign3A_97 : i32
    %ne3A_99 = arith.cmpi ne, %sign3A_91, %sign3A_98 : i32
    %rem3A_100 = arith.remsi %sub3A_82, %jit3A_83 : i32
    %ne3A_101 = arith.constant 0 : i32
    %ne3A_102 = arith.cmpi ne, %rem3A_100, %ne3A_101 : i32
    %and3A_103 = arith.andi %ne3A_99, %ne3A_102 : i1
    %sub3A_104 = arith.constant 1 : i32
    %sub3A_105 = arith.subi %div3A_84, %sub3A_104 : i32
    %select_n3A_106 = arith.select %and3A_103, %sub3A_105, %div3A_84 : i32
    %mul3A_107 = arith.constant 576 : i32
    %mul3A_108 = arith.muli %select_n3A_106, %mul3A_107 : i32
    %convert_element_type3A_109 = arith.sitofp %add3A_55 : i32 to f32
    %add3A_110 = vector.broadcast %convert_element_type3A_109 : f32 to vector<32x128xf32>
    %add3A_111 = arith.addf %add3A_110, %sub3A_72 : vector<32x128xf32>
    %mul3A_112 = arith.mulf %convert_element_type3A_60, %add3A_111 : vector<32x128xf32>
    %add3A_113 = arith.addf %add3A_53, %mul3A_112 : vector<32x128xf32>
    %add3A_114 = arith.addi %add3A_55, %mul3A_108 : i32
    %eq3A_115 = arith.constant 2 : i32
    %eq3A_116 = vector.broadcast %eq3A_115 : i32 to vector<32x128xi32>
    %eq3A_117 = arith.cmpi eq, %get3A_1, %eq3A_116 : vector<32x128xi32>
    %convert_element_type3A_118 = arith.extui %eq3A_117 : vector<32x128xi1> to vector<32x128xi32>
    %convert_element_type3A_119 = arith.sitofp %convert_element_type3A_118 : vector<32x128xi32> to vector<32x128xf32>
    %dot_general3A_120 = arith.constant dense<0.000000e+00> : vector<32x128xf32>
    %dot_general3A_121 = tpu.matmul %convert_element_type3A_119, %convert_element_type3A_3, %dot_general3A_120 {dimension_numbers = #tpu.dot_dimension_numbers<[1], [0], [0], [1], [0, 0, 1, 1], [], []>, transpose_lhs_hint = false} : vector<32x128xf32>, vector<128x128xf32>, vector<32x128xf32> -> vector<32x128xf32>
    %reduce_sum3A_122 = arith.constant dense<0.000000e+00> : vector<32xf32>
    %reduce_sum3A_123 = vector.multi_reduction <add>, %convert_element_type3A_119, %reduce_sum3A_122 [1] : vector<32x128xf32> to vector<32xf32>
    %broadcast_in_dim3A_124 = vector.shape_cast %reduce_sum3A_123 : vector<32xf32> to vector<32x1xf32>
    %dot_general3A_125 = arith.constant dense<0.000000e+00> : vector<32x1xf32>
    %dot_general3A_126 = tpu.matmul %convert_element_type3A_7, %broadcast_in_dim3A_124, %dot_general3A_125 {dimension_numbers = #tpu.dot_dimension_numbers<[1], [0], [0], [1], [0, 0, 1, 1], [], []>, transpose_lhs_hint = false} : vector<32x32xf32>, vector<32x1xf32>, vector<32x1xf32> -> vector<32x1xf32>
    %add3A_127 = vector.broadcast %dot_general3A_126 : vector<32x1xf32> to vector<32x128xf32>
    %add3A_128 = arith.addf %add3A_127, %dot_general3A_121 : vector<32x128xf32>
    %sub3A_129 = arith.constant 1.000000e+00 : f32
    %sub3A_130 = vector.broadcast %sub3A_129 : f32 to vector<32x128xf32>
    %sub3A_131 = arith.subf %add3A_128, %sub3A_130 : vector<32x128xf32>
    %convert_element_type3A_132 = arith.extui %eq3A_117 : vector<32x128xi1> to vector<32x128xi32>
    %reduce_sum3A_133 = vector.shape_cast %convert_element_type3A_132 : vector<32x128xi32> to vector<1x32x128xi32>
    %reduce_sum3A_134 = arith.constant dense<0> : vector<1xi32>
    %reduce_sum3A_135 = vector.multi_reduction <add>, %reduce_sum3A_133, %reduce_sum3A_134 [1, 2] : vector<1x32x128xi32> to vector<1xi32>
    %reduce_sum3A_136 = vector.shape_cast %reduce_sum3A_135 : vector<1xi32> to vector<1x1x1xi32>
    %reduce_sum3A_137 = vector.extract %reduce_sum3A_136[0, 0, 0] : i32 from vector<1x1x1xi32>
    %add3A_138 = arith.constant 576 : i32
    %add3A_139 = arith.addi %reduce_sum3A_137, %add3A_138 : i32
    %sub3A_140 = arith.constant 1 : i32
    %sub3A_141 = arith.subi %add3A_139, %sub3A_140 : i32
    %jit3A_142 = arith.constant 576 : i32
    %div3A_143 = arith.divsi %sub3A_141, %jit3A_142 : i32
    %sign3A_144 = arith.constant 0 : i32
    %sign3A_145 = arith.cmpi sgt, %sub3A_141, %sign3A_144 : i32
    %sign3A_146 = arith.extui %sign3A_145 : i1 to i32
    %sign3A_147 = arith.constant 0 : i32
    %sign3A_148 = arith.cmpi slt, %sub3A_141, %sign3A_147 : i32
    %sign3A_149 = arith.extui %sign3A_148 : i1 to i32
    %sign3A_150 = arith.subi %sign3A_146, %sign3A_149 : i32
    %sign3A_151 = arith.constant 0 : i32
    %sign3A_152 = arith.cmpi sgt, %jit3A_142, %sign3A_151 : i32
    %sign3A_153 = arith.extui %sign3A_152 : i1 to i32
    %sign3A_154 = arith.constant 0 : i32
    %sign3A_155 = arith.cmpi slt, %jit3A_142, %sign3A_154 : i32
    %sign3A_156 = arith.extui %sign3A_155 : i1 to i32
    %sign3A_157 = arith.subi %sign3A_153, %sign3A_156 : i32
    %ne3A_158 = arith.cmpi ne, %sign3A_150, %sign3A_157 : i32
    %rem3A_159 = arith.remsi %sub3A_141, %jit3A_142 : i32
    %ne3A_160 = arith.constant 0 : i32
    %ne3A_161 = arith.cmpi ne, %rem3A_159, %ne3A_160 : i32
    %and3A_162 = arith.andi %ne3A_158, %ne3A_161 : i1
    %sub3A_163 = arith.constant 1 : i32
    %sub3A_164 = arith.subi %div3A_143, %sub3A_163 : i32
    %select_n3A_165 = arith.select %and3A_162, %sub3A_164, %div3A_143 : i32
    %mul3A_166 = arith.constant 576 : i32
    %mul3A_167 = arith.muli %select_n3A_165, %mul3A_166 : i32
    %convert_element_type3A_168 = arith.sitofp %add3A_114 : i32 to f32
    %add3A_169 = vector.broadcast %convert_element_type3A_168 : f32 to vector<32x128xf32>
    %add3A_170 = arith.addf %add3A_169, %sub3A_131 : vector<32x128xf32>
    %mul3A_171 = arith.mulf %convert_element_type3A_119, %add3A_170 : vector<32x128xf32>
    %add3A_172 = arith.addf %add3A_113, %mul3A_171 : vector<32x128xf32>
    %add3A_173 = arith.addi %add3A_114, %mul3A_167 : i32
    %eq3A_174 = arith.constant 3 : i32
    %eq3A_175 = vector.broadcast %eq3A_174 : i32 to vector<32x128xi32>
    %eq3A_176 = arith.cmpi eq, %get3A_1, %eq3A_175 : vector<32x128xi32>
    %convert_element_type3A_177 = arith.extui %eq3A_176 : vector<32x128xi1> to vector<32x128xi32>
    %convert_element_type3A_178 = arith.sitofp %convert_element_type3A_177 : vector<32x128xi32> to vector<32x128xf32>
    %dot_general3A_179 = arith.constant dense<0.000000e+00> : vector<32x128xf32>
    %dot_general3A_180 = tpu.matmul %convert_element_type3A_178, %convert_element_type3A_3, %dot_general3A_179 {dimension_numbers = #tpu.dot_dimension_numbers<[1], [0], [0], [1], [0, 0, 1, 1], [], []>, transpose_lhs_hint = false} : vector<32x128xf32>, vector<128x128xf32>, vector<32x128xf32> -> vector<32x128xf32>
    %reduce_sum3A_181 = arith.constant dense<0.000000e+00> : vector<32xf32>
    %reduce_sum3A_182 = vector.multi_reduction <add>, %convert_element_type3A_178, %reduce_sum3A_181 [1] : vector<32x128xf32> to vector<32xf32>
    %broadcast_in_dim3A_183 = vector.shape_cast %reduce_sum3A_182 : vector<32xf32> to vector<32x1xf32>
    %dot_general3A_184 = arith.constant dense<0.000000e+00> : vector<32x1xf32>
    %dot_general3A_185 = tpu.matmul %convert_element_type3A_7, %broadcast_in_dim3A_183, %dot_general3A_184 {dimension_numbers = #tpu.dot_dimension_numbers<[1], [0], [0], [1], [0, 0, 1, 1], [], []>, transpose_lhs_hint = false} : vector<32x32xf32>, vector<32x1xf32>, vector<32x1xf32> -> vector<32x1xf32>
    %add3A_186 = vector.broadcast %dot_general3A_185 : vector<32x1xf32> to vector<32x128xf32>
    %add3A_187 = arith.addf %add3A_186, %dot_general3A_180 : vector<32x128xf32>
    %sub3A_188 = arith.constant 1.000000e+00 : f32
    %sub3A_189 = vector.broadcast %sub3A_188 : f32 to vector<32x128xf32>
    %sub3A_190 = arith.subf %add3A_187, %sub3A_189 : vector<32x128xf32>
    %convert_element_type3A_191 = arith.extui %eq3A_176 : vector<32x128xi1> to vector<32x128xi32>
    %reduce_sum3A_192 = vector.shape_cast %convert_element_type3A_191 : vector<32x128xi32> to vector<1x32x128xi32>
    %reduce_sum3A_193 = arith.constant dense<0> : vector<1xi32>
    %reduce_sum3A_194 = vector.multi_reduction <add>, %reduce_sum3A_192, %reduce_sum3A_193 [1, 2] : vector<1x32x128xi32> to vector<1xi32>
    %reduce_sum3A_195 = vector.shape_cast %reduce_sum3A_194 : vector<1xi32> to vector<1x1x1xi32>
    %reduce_sum3A_196 = vector.extract %reduce_sum3A_195[0, 0, 0] : i32 from vector<1x1x1xi32>
    %add3A_197 = arith.constant 576 : i32
    %add3A_198 = arith.addi %reduce_sum3A_196, %add3A_197 : i32
    %sub3A_199 = arith.constant 1 : i32
    %sub3A_200 = arith.subi %add3A_198, %sub3A_199 : i32
    %jit3A_201 = arith.constant 576 : i32
    %div3A_202 = arith.divsi %sub3A_200, %jit3A_201 : i32
    %sign3A_203 = arith.constant 0 : i32
    %sign3A_204 = arith.cmpi sgt, %sub3A_200, %sign3A_203 : i32
    %sign3A_205 = arith.extui %sign3A_204 : i1 to i32
    %sign3A_206 = arith.constant 0 : i32
    %sign3A_207 = arith.cmpi slt, %sub3A_200, %sign3A_206 : i32
    %sign3A_208 = arith.extui %sign3A_207 : i1 to i32
    %sign3A_209 = arith.subi %sign3A_205, %sign3A_208 : i32
    %sign3A_210 = arith.constant 0 : i32
    %sign3A_211 = arith.cmpi sgt, %jit3A_201, %sign3A_210 : i32
    %sign3A_212 = arith.extui %sign3A_211 : i1 to i32
    %sign3A_213 = arith.constant 0 : i32
    %sign3A_214 = arith.cmpi slt, %jit3A_201, %sign3A_213 : i32
    %sign3A_215 = arith.extui %sign3A_214 : i1 to i32
    %sign3A_216 = arith.subi %sign3A_212, %sign3A_215 : i32
    %ne3A_217 = arith.cmpi ne, %sign3A_209, %sign3A_216 : i32
    %rem3A_218 = arith.remsi %sub3A_200, %jit3A_201 : i32
    %ne3A_219 = arith.constant 0 : i32
    %ne3A_220 = arith.cmpi ne, %rem3A_218, %ne3A_219 : i32
    %and3A_221 = arith.andi %ne3A_217, %ne3A_220 : i1
    %sub3A_222 = arith.constant 1 : i32
    %sub3A_223 = arith.subi %div3A_202, %sub3A_222 : i32
    %select_n3A_224 = arith.select %and3A_221, %sub3A_223, %div3A_202 : i32
    %mul3A_225 = arith.constant 576 : i32
    %mul3A_226 = arith.muli %select_n3A_224, %mul3A_225 : i32
    %convert_element_type3A_227 = arith.sitofp %add3A_173 : i32 to f32
    %add3A_228 = vector.broadcast %convert_element_type3A_227 : f32 to vector<32x128xf32>
    %add3A_229 = arith.addf %add3A_228, %sub3A_190 : vector<32x128xf32>
    %mul3A_230 = arith.mulf %convert_element_type3A_178, %add3A_229 : vector<32x128xf32>
    %add3A_231 = arith.addf %add3A_172, %mul3A_230 : vector<32x128xf32>
    %add3A_232 = arith.addi %add3A_173, %mul3A_226 : i32
    %eq3A_233 = arith.constant 4 : i32
    %eq3A_234 = vector.broadcast %eq3A_233 : i32 to vector<32x128xi32>
    %eq3A_235 = arith.cmpi eq, %get3A_1, %eq3A_234 : vector<32x128xi32>
    %convert_element_type3A_236 = arith.extui %eq3A_235 : vector<32x128xi1> to vector<32x128xi32>
    %convert_element_type3A_237 = arith.sitofp %convert_element_type3A_236 : vector<32x128xi32> to vector<32x128xf32>
    %dot_general3A_238 = arith.constant dense<0.000000e+00> : vector<32x128xf32>
    %dot_general3A_239 = tpu.matmul %convert_element_type3A_237, %convert_element_type3A_3, %dot_general3A_238 {dimension_numbers = #tpu.dot_dimension_numbers<[1], [0], [0], [1], [0, 0, 1, 1], [], []>, transpose_lhs_hint = false} : vector<32x128xf32>, vector<128x128xf32>, vector<32x128xf32> -> vector<32x128xf32>
    %reduce_sum3A_240 = arith.constant dense<0.000000e+00> : vector<32xf32>
    %reduce_sum3A_241 = vector.multi_reduction <add>, %convert_element_type3A_237, %reduce_sum3A_240 [1] : vector<32x128xf32> to vector<32xf32>
    %broadcast_in_dim3A_242 = vector.shape_cast %reduce_sum3A_241 : vector<32xf32> to vector<32x1xf32>
    %dot_general3A_243 = arith.constant dense<0.000000e+00> : vector<32x1xf32>
    %dot_general3A_244 = tpu.matmul %convert_element_type3A_7, %broadcast_in_dim3A_242, %dot_general3A_243 {dimension_numbers = #tpu.dot_dimension_numbers<[1], [0], [0], [1], [0, 0, 1, 1], [], []>, transpose_lhs_hint = false} : vector<32x32xf32>, vector<32x1xf32>, vector<32x1xf32> -> vector<32x1xf32>
    %add3A_245 = vector.broadcast %dot_general3A_244 : vector<32x1xf32> to vector<32x128xf32>
    %add3A_246 = arith.addf %add3A_245, %dot_general3A_239 : vector<32x128xf32>
    %sub3A_247 = arith.constant 1.000000e+00 : f32
    %sub3A_248 = vector.broadcast %sub3A_247 : f32 to vector<32x128xf32>
    %sub3A_249 = arith.subf %add3A_246, %sub3A_248 : vector<32x128xf32>
    %convert_element_type3A_250 = arith.extui %eq3A_235 : vector<32x128xi1> to vector<32x128xi32>
    %reduce_sum3A_251 = vector.shape_cast %convert_element_type3A_250 : vector<32x128xi32> to vector<1x32x128xi32>
    %reduce_sum3A_252 = arith.constant dense<0> : vector<1xi32>
    %reduce_sum3A_253 = vector.multi_reduction <add>, %reduce_sum3A_251, %reduce_sum3A_252 [1, 2] : vector<1x32x128xi32> to vector<1xi32>
    %reduce_sum3A_254 = vector.shape_cast %reduce_sum3A_253 : vector<1xi32> to vector<1x1x1xi32>
    %reduce_sum3A_255 = vector.extract %reduce_sum3A_254[0, 0, 0] : i32 from vector<1x1x1xi32>
    %add3A_256 = arith.constant 576 : i32
    %add3A_257 = arith.addi %reduce_sum3A_255, %add3A_256 : i32
    %sub3A_258 = arith.constant 1 : i32
    %sub3A_259 = arith.subi %add3A_257, %sub3A_258 : i32
    %jit3A_260 = arith.constant 576 : i32
    %div3A_261 = arith.divsi %sub3A_259, %jit3A_260 : i32
    %sign3A_262 = arith.constant 0 : i32
    %sign3A_263 = arith.cmpi sgt, %sub3A_259, %sign3A_262 : i32
    %sign3A_264 = arith.extui %sign3A_263 : i1 to i32
    %sign3A_265 = arith.constant 0 : i32
    %sign3A_266 = arith.cmpi slt, %sub3A_259, %sign3A_265 : i32
    %sign3A_267 = arith.extui %sign3A_266 : i1 to i32
    %sign3A_268 = arith.subi %sign3A_264, %sign3A_267 : i32
    %sign3A_269 = arith.constant 0 : i32
    %sign3A_270 = arith.cmpi sgt, %jit3A_260, %sign3A_269 : i32
    %sign3A_271 = arith.extui %sign3A_270 : i1 to i32
    %sign3A_272 = arith.constant 0 : i32
    %sign3A_273 = arith.cmpi slt, %jit3A_260, %sign3A_272 : i32
    %sign3A_274 = arith.extui %sign3A_273 : i1 to i32
    %sign3A_275 = arith.subi %sign3A_271, %sign3A_274 : i32
    %ne3A_276 = arith.cmpi ne, %sign3A_268, %sign3A_275 : i32
    %rem3A_277 = arith.remsi %sub3A_259, %jit3A_260 : i32
    %ne3A_278 = arith.constant 0 : i32
    %ne3A_279 = arith.cmpi ne, %rem3A_277, %ne3A_278 : i32
    %and3A_280 = arith.andi %ne3A_276, %ne3A_279 : i1
    %sub3A_281 = arith.constant 1 : i32
    %sub3A_282 = arith.subi %div3A_261, %sub3A_281 : i32
    %select_n3A_283 = arith.select %and3A_280, %sub3A_282, %div3A_261 : i32
    %mul3A_284 = arith.constant 576 : i32
    %mul3A_285 = arith.muli %select_n3A_283, %mul3A_284 : i32
    %convert_element_type3A_286 = arith.sitofp %add3A_232 : i32 to f32
    %add3A_287 = vector.broadcast %convert_element_type3A_286 : f32 to vector<32x128xf32>
    %add3A_288 = arith.addf %add3A_287, %sub3A_249 : vector<32x128xf32>
    %mul3A_289 = arith.mulf %convert_element_type3A_237, %add3A_288 : vector<32x128xf32>
    %add3A_290 = arith.addf %add3A_231, %mul3A_289 : vector<32x128xf32>
    %add3A_291 = arith.addi %add3A_232, %mul3A_285 : i32
    %eq3A_292 = arith.constant 5 : i32
    %eq3A_293 = vector.broadcast %eq3A_292 : i32 to vector<32x128xi32>
    %eq3A_294 = arith.cmpi eq, %get3A_1, %eq3A_293 : vector<32x128xi32>
    %convert_element_type3A_295 = arith.extui %eq3A_294 : vector<32x128xi1> to vector<32x128xi32>
    %convert_element_type3A_296 = arith.sitofp %convert_element_type3A_295 : vector<32x128xi32> to vector<32x128xf32>
    %dot_general3A_297 = arith.constant dense<0.000000e+00> : vector<32x128xf32>
    %dot_general3A_298 = tpu.matmul %convert_element_type3A_296, %convert_element_type3A_3, %dot_general3A_297 {dimension_numbers = #tpu.dot_dimension_numbers<[1], [0], [0], [1], [0, 0, 1, 1], [], []>, transpose_lhs_hint = false} : vector<32x128xf32>, vector<128x128xf32>, vector<32x128xf32> -> vector<32x128xf32>
    %reduce_sum3A_299 = arith.constant dense<0.000000e+00> : vector<32xf32>
    %reduce_sum3A_300 = vector.multi_reduction <add>, %convert_element_type3A_296, %reduce_sum3A_299 [1] : vector<32x128xf32> to vector<32xf32>
    %broadcast_in_dim3A_301 = vector.shape_cast %reduce_sum3A_300 : vector<32xf32> to vector<32x1xf32>
    %dot_general3A_302 = arith.constant dense<0.000000e+00> : vector<32x1xf32>
    %dot_general3A_303 = tpu.matmul %convert_element_type3A_7, %broadcast_in_dim3A_301, %dot_general3A_302 {dimension_numbers = #tpu.dot_dimension_numbers<[1], [0], [0], [1], [0, 0, 1, 1], [], []>, transpose_lhs_hint = false} : vector<32x32xf32>, vector<32x1xf32>, vector<32x1xf32> -> vector<32x1xf32>
    %add3A_304 = vector.broadcast %dot_general3A_303 : vector<32x1xf32> to vector<32x128xf32>
    %add3A_305 = arith.addf %add3A_304, %dot_general3A_298 : vector<32x128xf32>
    %sub3A_306 = arith.constant 1.000000e+00 : f32
    %sub3A_307 = vector.broadcast %sub3A_306 : f32 to vector<32x128xf32>
    %sub3A_308 = arith.subf %add3A_305, %sub3A_307 : vector<32x128xf32>
    %convert_element_type3A_309 = arith.extui %eq3A_294 : vector<32x128xi1> to vector<32x128xi32>
    %reduce_sum3A_310 = vector.shape_cast %convert_element_type3A_309 : vector<32x128xi32> to vector<1x32x128xi32>
    %reduce_sum3A_311 = arith.constant dense<0> : vector<1xi32>
    %reduce_sum3A_312 = vector.multi_reduction <add>, %reduce_sum3A_310, %reduce_sum3A_311 [1, 2] : vector<1x32x128xi32> to vector<1xi32>
    %reduce_sum3A_313 = vector.shape_cast %reduce_sum3A_312 : vector<1xi32> to vector<1x1x1xi32>
    %reduce_sum3A_314 = vector.extract %reduce_sum3A_313[0, 0, 0] : i32 from vector<1x1x1xi32>
    %add3A_315 = arith.constant 576 : i32
    %add3A_316 = arith.addi %reduce_sum3A_314, %add3A_315 : i32
    %sub3A_317 = arith.constant 1 : i32
    %sub3A_318 = arith.subi %add3A_316, %sub3A_317 : i32
    %jit3A_319 = arith.constant 576 : i32
    %div3A_320 = arith.divsi %sub3A_318, %jit3A_319 : i32
    %sign3A_321 = arith.constant 0 : i32
    %sign3A_322 = arith.cmpi sgt, %sub3A_318, %sign3A_321 : i32
    %sign3A_323 = arith.extui %sign3A_322 : i1 to i32
    %sign3A_324 = arith.constant 0 : i32
    %sign3A_325 = arith.cmpi slt, %sub3A_318, %sign3A_324 : i32
    %sign3A_326 = arith.extui %sign3A_325 : i1 to i32
    %sign3A_327 = arith.subi %sign3A_323, %sign3A_326 : i32
    %sign3A_328 = arith.constant 0 : i32
    %sign3A_329 = arith.cmpi sgt, %jit3A_319, %sign3A_328 : i32
    %sign3A_330 = arith.extui %sign3A_329 : i1 to i32
    %sign3A_331 = arith.constant 0 : i32
    %sign3A_332 = arith.cmpi slt, %jit3A_319, %sign3A_331 : i32
    %sign3A_333 = arith.extui %sign3A_332 : i1 to i32
    %sign3A_334 = arith.subi %sign3A_330, %sign3A_333 : i32
    %ne3A_335 = arith.cmpi ne, %sign3A_327, %sign3A_334 : i32
    %rem3A_336 = arith.remsi %sub3A_318, %jit3A_319 : i32
    %ne3A_337 = arith.constant 0 : i32
    %ne3A_338 = arith.cmpi ne, %rem3A_336, %ne3A_337 : i32
    %and3A_339 = arith.andi %ne3A_335, %ne3A_338 : i1
    %sub3A_340 = arith.constant 1 : i32
    %sub3A_341 = arith.subi %div3A_320, %sub3A_340 : i32
    %select_n3A_342 = arith.select %and3A_339, %sub3A_341, %div3A_320 : i32
    %mul3A_343 = arith.constant 576 : i32
    %mul3A_344 = arith.muli %select_n3A_342, %mul3A_343 : i32
    %convert_element_type3A_345 = arith.sitofp %add3A_291 : i32 to f32
    %add3A_346 = vector.broadcast %convert_element_type3A_345 : f32 to vector<32x128xf32>
    %add3A_347 = arith.addf %add3A_346, %sub3A_308 : vector<32x128xf32>
    %mul3A_348 = arith.mulf %convert_element_type3A_296, %add3A_347 : vector<32x128xf32>
    %add3A_349 = arith.addf %add3A_290, %mul3A_348 : vector<32x128xf32>
    %add3A_350 = arith.addi %add3A_291, %mul3A_344 : i32
    %eq3A_351 = arith.constant 6 : i32
    %eq3A_352 = vector.broadcast %eq3A_351 : i32 to vector<32x128xi32>
    %eq3A_353 = arith.cmpi eq, %get3A_1, %eq3A_352 : vector<32x128xi32>
    %convert_element_type3A_354 = arith.extui %eq3A_353 : vector<32x128xi1> to vector<32x128xi32>
    %convert_element_type3A_355 = arith.sitofp %convert_element_type3A_354 : vector<32x128xi32> to vector<32x128xf32>
    %dot_general3A_356 = arith.constant dense<0.000000e+00> : vector<32x128xf32>
    %dot_general3A_357 = tpu.matmul %convert_element_type3A_355, %convert_element_type3A_3, %dot_general3A_356 {dimension_numbers = #tpu.dot_dimension_numbers<[1], [0], [0], [1], [0, 0, 1, 1], [], []>, transpose_lhs_hint = false} : vector<32x128xf32>, vector<128x128xf32>, vector<32x128xf32> -> vector<32x128xf32>
    %reduce_sum3A_358 = arith.constant dense<0.000000e+00> : vector<32xf32>
    %reduce_sum3A_359 = vector.multi_reduction <add>, %convert_element_type3A_355, %reduce_sum3A_358 [1] : vector<32x128xf32> to vector<32xf32>
    %broadcast_in_dim3A_360 = vector.shape_cast %reduce_sum3A_359 : vector<32xf32> to vector<32x1xf32>
    %dot_general3A_361 = arith.constant dense<0.000000e+00> : vector<32x1xf32>
    %dot_general3A_362 = tpu.matmul %convert_element_type3A_7, %broadcast_in_dim3A_360, %dot_general3A_361 {dimension_numbers = #tpu.dot_dimension_numbers<[1], [0], [0], [1], [0, 0, 1, 1], [], []>, transpose_lhs_hint = false} : vector<32x32xf32>, vector<32x1xf32>, vector<32x1xf32> -> vector<32x1xf32>
    %add3A_363 = vector.broadcast %dot_general3A_362 : vector<32x1xf32> to vector<32x128xf32>
    %add3A_364 = arith.addf %add3A_363, %dot_general3A_357 : vector<32x128xf32>
    %sub3A_365 = arith.constant 1.000000e+00 : f32
    %sub3A_366 = vector.broadcast %sub3A_365 : f32 to vector<32x128xf32>
    %sub3A_367 = arith.subf %add3A_364, %sub3A_366 : vector<32x128xf32>
    %convert_element_type3A_368 = arith.extui %eq3A_353 : vector<32x128xi1> to vector<32x128xi32>
    %reduce_sum3A_369 = vector.shape_cast %convert_element_type3A_368 : vector<32x128xi32> to vector<1x32x128xi32>
    %reduce_sum3A_370 = arith.constant dense<0> : vector<1xi32>
    %reduce_sum3A_371 = vector.multi_reduction <add>, %reduce_sum3A_369, %reduce_sum3A_370 [1, 2] : vector<1x32x128xi32> to vector<1xi32>
    %reduce_sum3A_372 = vector.shape_cast %reduce_sum3A_371 : vector<1xi32> to vector<1x1x1xi32>
    %reduce_sum3A_373 = vector.extract %reduce_sum3A_372[0, 0, 0] : i32 from vector<1x1x1xi32>
    %add3A_374 = arith.constant 576 : i32
    %add3A_375 = arith.addi %reduce_sum3A_373, %add3A_374 : i32
    %sub3A_376 = arith.constant 1 : i32
    %sub3A_377 = arith.subi %add3A_375, %sub3A_376 : i32
    %jit3A_378 = arith.constant 576 : i32
    %div3A_379 = arith.divsi %sub3A_377, %jit3A_378 : i32
    %sign3A_380 = arith.constant 0 : i32
    %sign3A_381 = arith.cmpi sgt, %sub3A_377, %sign3A_380 : i32
    %sign3A_382 = arith.extui %sign3A_381 : i1 to i32
    %sign3A_383 = arith.constant 0 : i32
    %sign3A_384 = arith.cmpi slt, %sub3A_377, %sign3A_383 : i32
    %sign3A_385 = arith.extui %sign3A_384 : i1 to i32
    %sign3A_386 = arith.subi %sign3A_382, %sign3A_385 : i32
    %sign3A_387 = arith.constant 0 : i32
    %sign3A_388 = arith.cmpi sgt, %jit3A_378, %sign3A_387 : i32
    %sign3A_389 = arith.extui %sign3A_388 : i1 to i32
    %sign3A_390 = arith.constant 0 : i32
    %sign3A_391 = arith.cmpi slt, %jit3A_378, %sign3A_390 : i32
    %sign3A_392 = arith.extui %sign3A_391 : i1 to i32
    %sign3A_393 = arith.subi %sign3A_389, %sign3A_392 : i32
    %ne3A_394 = arith.cmpi ne, %sign3A_386, %sign3A_393 : i32
    %rem3A_395 = arith.remsi %sub3A_377, %jit3A_378 : i32
    %ne3A_396 = arith.constant 0 : i32
    %ne3A_397 = arith.cmpi ne, %rem3A_395, %ne3A_396 : i32
    %and3A_398 = arith.andi %ne3A_394, %ne3A_397 : i1
    %sub3A_399 = arith.constant 1 : i32
    %sub3A_400 = arith.subi %div3A_379, %sub3A_399 : i32
    %select_n3A_401 = arith.select %and3A_398, %sub3A_400, %div3A_379 : i32
    %mul3A_402 = arith.constant 576 : i32
    %mul3A_403 = arith.muli %select_n3A_401, %mul3A_402 : i32
    %convert_element_type3A_404 = arith.sitofp %add3A_350 : i32 to f32
    %add3A_405 = vector.broadcast %convert_element_type3A_404 : f32 to vector<32x128xf32>
    %add3A_406 = arith.addf %add3A_405, %sub3A_367 : vector<32x128xf32>
    %mul3A_407 = arith.mulf %convert_element_type3A_355, %add3A_406 : vector<32x128xf32>
    %add3A_408 = arith.addf %add3A_349, %mul3A_407 : vector<32x128xf32>
    %add3A_409 = arith.addi %add3A_350, %mul3A_403 : i32
    %eq3A_410 = arith.constant 7 : i32
    %eq3A_411 = vector.broadcast %eq3A_410 : i32 to vector<32x128xi32>
    %eq3A_412 = arith.cmpi eq, %get3A_1, %eq3A_411 : vector<32x128xi32>
    %convert_element_type3A_413 = arith.extui %eq3A_412 : vector<32x128xi1> to vector<32x128xi32>
    %convert_element_type3A_414 = arith.sitofp %convert_element_type3A_413 : vector<32x128xi32> to vector<32x128xf32>
    %dot_general3A_415 = arith.constant dense<0.000000e+00> : vector<32x128xf32>
    %dot_general3A_416 = tpu.matmul %convert_element_type3A_414, %convert_element_type3A_3, %dot_general3A_415 {dimension_numbers = #tpu.dot_dimension_numbers<[1], [0], [0], [1], [0, 0, 1, 1], [], []>, transpose_lhs_hint = false} : vector<32x128xf32>, vector<128x128xf32>, vector<32x128xf32> -> vector<32x128xf32>
    %reduce_sum3A_417 = arith.constant dense<0.000000e+00> : vector<32xf32>
    %reduce_sum3A_418 = vector.multi_reduction <add>, %convert_element_type3A_414, %reduce_sum3A_417 [1] : vector<32x128xf32> to vector<32xf32>
    %broadcast_in_dim3A_419 = vector.shape_cast %reduce_sum3A_418 : vector<32xf32> to vector<32x1xf32>
    %dot_general3A_420 = arith.constant dense<0.000000e+00> : vector<32x1xf32>
    %dot_general3A_421 = tpu.matmul %convert_element_type3A_7, %broadcast_in_dim3A_419, %dot_general3A_420 {dimension_numbers = #tpu.dot_dimension_numbers<[1], [0], [0], [1], [0, 0, 1, 1], [], []>, transpose_lhs_hint = false} : vector<32x32xf32>, vector<32x1xf32>, vector<32x1xf32> -> vector<32x1xf32>
    %add3A_422 = vector.broadcast %dot_general3A_421 : vector<32x1xf32> to vector<32x128xf32>
    %add3A_423 = arith.addf %add3A_422, %dot_general3A_416 : vector<32x128xf32>
    %sub3A_424 = arith.constant 1.000000e+00 : f32
    %sub3A_425 = vector.broadcast %sub3A_424 : f32 to vector<32x128xf32>
    %sub3A_426 = arith.subf %add3A_423, %sub3A_425 : vector<32x128xf32>
    %convert_element_type3A_427 = arith.extui %eq3A_412 : vector<32x128xi1> to vector<32x128xi32>
    %reduce_sum3A_428 = vector.shape_cast %convert_element_type3A_427 : vector<32x128xi32> to vector<1x32x128xi32>
    %reduce_sum3A_429 = arith.constant dense<0> : vector<1xi32>
    %reduce_sum3A_430 = vector.multi_reduction <add>, %reduce_sum3A_428, %reduce_sum3A_429 [1, 2] : vector<1x32x128xi32> to vector<1xi32>
    %reduce_sum3A_431 = vector.shape_cast %reduce_sum3A_430 : vector<1xi32> to vector<1x1x1xi32>
    %reduce_sum3A_432 = vector.extract %reduce_sum3A_431[0, 0, 0] : i32 from vector<1x1x1xi32>
    %add3A_433 = arith.constant 576 : i32
    %add3A_434 = arith.addi %reduce_sum3A_432, %add3A_433 : i32
    %sub3A_435 = arith.constant 1 : i32
    %sub3A_436 = arith.subi %add3A_434, %sub3A_435 : i32
    %jit3A_437 = arith.constant 576 : i32
    %div3A_438 = arith.divsi %sub3A_436, %jit3A_437 : i32
    %sign3A_439 = arith.constant 0 : i32
    %sign3A_440 = arith.cmpi sgt, %sub3A_436, %sign3A_439 : i32
    %sign3A_441 = arith.extui %sign3A_440 : i1 to i32
    %sign3A_442 = arith.constant 0 : i32
    %sign3A_443 = arith.cmpi slt, %sub3A_436, %sign3A_442 : i32
    %sign3A_444 = arith.extui %sign3A_443 : i1 to i32
    %sign3A_445 = arith.subi %sign3A_441, %sign3A_444 : i32
    %sign3A_446 = arith.constant 0 : i32
    %sign3A_447 = arith.cmpi sgt, %jit3A_437, %sign3A_446 : i32
    %sign3A_448 = arith.extui %sign3A_447 : i1 to i32
    %sign3A_449 = arith.constant 0 : i32
    %sign3A_450 = arith.cmpi slt, %jit3A_437, %sign3A_449 : i32
    %sign3A_451 = arith.extui %sign3A_450 : i1 to i32
    %sign3A_452 = arith.subi %sign3A_448, %sign3A_451 : i32
    %ne3A_453 = arith.cmpi ne, %sign3A_445, %sign3A_452 : i32
    %rem3A_454 = arith.remsi %sub3A_436, %jit3A_437 : i32
    %ne3A_455 = arith.constant 0 : i32
    %ne3A_456 = arith.cmpi ne, %rem3A_454, %ne3A_455 : i32
    %and3A_457 = arith.andi %ne3A_453, %ne3A_456 : i1
    %sub3A_458 = arith.constant 1 : i32
    %sub3A_459 = arith.subi %div3A_438, %sub3A_458 : i32
    %select_n3A_460 = arith.select %and3A_457, %sub3A_459, %div3A_438 : i32
    %mul3A_461 = arith.constant 576 : i32
    %mul3A_462 = arith.muli %select_n3A_460, %mul3A_461 : i32
    %convert_element_type3A_463 = arith.sitofp %add3A_409 : i32 to f32
    %add3A_464 = vector.broadcast %convert_element_type3A_463 : f32 to vector<32x128xf32>
    %add3A_465 = arith.addf %add3A_464, %sub3A_426 : vector<32x128xf32>
    %mul3A_466 = arith.mulf %convert_element_type3A_414, %add3A_465 : vector<32x128xf32>
    %add3A_467 = arith.addf %add3A_408, %mul3A_466 : vector<32x128xf32>
    %add3A_468 = arith.addi %add3A_409, %mul3A_462 : i32
    %convert_element_type3A_469 = arith.fptosi %add3A_467 : vector<32x128xf32> to vector<32x128xi32>
    %swap3A = arith.constant 0 : index
    %swap3A_470 = arith.constant 0 : index
    %swap3A_471 = vector.load %arg1[%swap3A, %swap3A_470] : memref<32x128xi32, #tpu.memory_space<vmem>>, vector<32x128xi32>
    tpu.vector_store %arg1[%swap3A, %swap3A_470], %convert_element_type3A_469 {strides = array<i32>} : memref<32x128xi32, #tpu.memory_space<vmem>>, vector<32x128xi32>,
    %jit3A_472 = arith.constant 576 : i32
    %div3A_473 = arith.divsi %add3A_468, %jit3A_472 : i32
    %sign3A_474 = arith.constant 0 : i32
    %sign3A_475 = arith.cmpi sgt, %add3A_468, %sign3A_474 : i32
    %sign3A_476 = arith.extui %sign3A_475 : i1 to i32
    %sign3A_477 = arith.constant 0 : i32
    %sign3A_478 = arith.cmpi slt, %add3A_468, %sign3A_477 : i32
    %sign3A_479 = arith.extui %sign3A_478 : i1 to i32
    %sign3A_480 = arith.subi %sign3A_476, %sign3A_479 : i32
    %sign3A_481 = arith.constant 0 : i32
    %sign3A_482 = arith.cmpi sgt, %jit3A_472, %sign3A_481 : i32
    %sign3A_483 = arith.extui %sign3A_482 : i1 to i32
    %sign3A_484 = arith.constant 0 : i32
    %sign3A_485 = arith.cmpi slt, %jit3A_472, %sign3A_484 : i32
    %sign3A_486 = arith.extui %sign3A_485 : i1 to i32
    %sign3A_487 = arith.subi %sign3A_483, %sign3A_486 : i32
    %ne3A_488 = arith.cmpi ne, %sign3A_480, %sign3A_487 : i32
    %rem3A_489 = arith.remsi %add3A_468, %jit3A_472 : i32
    %ne3A_490 = arith.constant 0 : i32
    %ne3A_491 = arith.cmpi ne, %rem3A_489, %ne3A_490 : i32
    %and3A_492 = arith.andi %ne3A_488, %ne3A_491 : i1
    %sub3A_493 = arith.constant 1 : i32
    %sub3A_494 = arith.subi %div3A_473, %sub3A_493 : i32
    %select_n3A_495 = arith.select %and3A_492, %sub3A_494, %div3A_473 : i32
    %iota3A_496 = tpu.iota {dimensions = array<i32: 1>} : vector<8x128xi32>
    %sub3A_497 = arith.constant 1 : i32
    %sub3A_498 = arith.subi %select_n3A_495, %sub3A_497 : i32
    %min3A = vector.broadcast %sub3A_498 : i32 to vector<8x128xi32>
    %min3A_499 = arith.minsi %iota3A_496, %min3A : vector<8x128xi32>
    %broadcast_in_dim3A_500 = arith.constant 0 : i32
    %broadcast_in_dim3A_501 = vector.broadcast %broadcast_in_dim3A_500 : i32 to vector<8x128xi32>
    %jit3A_502 = arith.constant 0 : i32
    %jit3A_503 = arith.constant 576 : i32
    %div3A_504 = arith.divsi %jit3A_502, %jit3A_503 : i32
    %sign3A_505 = arith.constant 0 : i32
    %sign3A_506 = arith.cmpi sgt, %jit3A_502, %sign3A_505 : i32
    %sign3A_507 = arith.extui %sign3A_506 : i1 to i32
    %sign3A_508 = arith.constant 0 : i32
    %sign3A_509 = arith.cmpi slt, %jit3A_502, %sign3A_508 : i32
    %sign3A_510 = arith.extui %sign3A_509 : i1 to i32
    %sign3A_511 = arith.subi %sign3A_507, %sign3A_510 : i32
    %sign3A_512 = arith.constant 0 : i32
    %sign3A_513 = arith.cmpi sgt, %jit3A_503, %sign3A_512 : i32
    %sign3A_514 = arith.extui %sign3A_513 : i1 to i32
    %sign3A_515 = arith.constant 0 : i32
    %sign3A_516 = arith.cmpi slt, %jit3A_503, %sign3A_515 : i32
    %sign3A_517 = arith.extui %sign3A_516 : i1 to i32
    %sign3A_518 = arith.subi %sign3A_514, %sign3A_517 : i32
    %ne3A_519 = arith.cmpi ne, %sign3A_511, %sign3A_518 : i32
    %rem3A_520 = arith.remsi %jit3A_502, %jit3A_503 : i32
    %ne3A_521 = arith.constant 0 : i32
    %ne3A_522 = arith.cmpi ne, %rem3A_520, %ne3A_521 : i32
    %and3A_523 = arith.andi %ne3A_519, %ne3A_522 : i1
    %sub3A_524 = arith.constant 1 : i32
    %sub3A_525 = arith.subi %div3A_504, %sub3A_524 : i32
    %select_n3A_526 = arith.select %and3A_523, %sub3A_525, %div3A_504 : i32
    %add3A_527 = arith.constant 0 : i32
    %add3A_528 = arith.addi %add3A_527, %mul3A_48 : i32
    %jit3A_529 = arith.constant 576 : i32
    %div3A_530 = arith.divsi %add3A_528, %jit3A_529 : i32
    %sign3A_531 = arith.constant 0 : i32
    %sign3A_532 = arith.cmpi sgt, %add3A_528, %sign3A_531 : i32
    %sign3A_533 = arith.extui %sign3A_532 : i1 to i32
    %sign3A_534 = arith.constant 0 : i32
    %sign3A_535 = arith.cmpi slt, %add3A_528, %sign3A_534 : i32
    %sign3A_536 = arith.extui %sign3A_535 : i1 to i32
    %sign3A_537 = arith.subi %sign3A_533, %sign3A_536 : i32
    %sign3A_538 = arith.constant 0 : i32
    %sign3A_539 = arith.cmpi sgt, %jit3A_529, %sign3A_538 : i32
    %sign3A_540 = arith.extui %sign3A_539 : i1 to i32
    %sign3A_541 = arith.constant 0 : i32
    %sign3A_542 = arith.cmpi slt, %jit3A_529, %sign3A_541 : i32
    %sign3A_543 = arith.extui %sign3A_542 : i1 to i32
    %sign3A_544 = arith.subi %sign3A_540, %sign3A_543 : i32
    %ne3A_545 = arith.cmpi ne, %sign3A_537, %sign3A_544 : i32
    %rem3A_546 = arith.remsi %add3A_528, %jit3A_529 : i32
    %ne3A_547 = arith.constant 0 : i32
    %ne3A_548 = arith.cmpi ne, %rem3A_546, %ne3A_547 : i32
    %and3A_549 = arith.andi %ne3A_545, %ne3A_548 : i1
    %sub3A_550 = arith.constant 1 : i32
    %sub3A_551 = arith.subi %div3A_530, %sub3A_550 : i32
    %select_n3A_552 = arith.select %and3A_549, %sub3A_551, %div3A_530 : i32
    %ge3A = vector.broadcast %select_n3A_526 : i32 to vector<8x128xi32>
    %ge3A_553 = arith.cmpi sge, %min3A_499, %ge3A : vector<8x128xi32>
    %lt3A_554 = vector.broadcast %select_n3A_552 : i32 to vector<8x128xi32>
    %lt3A_555 = arith.cmpi slt, %min3A_499, %lt3A_554 : vector<8x128xi32>
    %and3A_556 = arith.andi %ge3A_553, %lt3A_555 : vector<8x128xi1>
    %convert_element_type3A_557 = arith.extui %and3A_556 : vector<8x128xi1> to vector<8x128xi32>
    %mul3A_558 = arith.constant 0 : i32
    %mul3A_559 = vector.broadcast %mul3A_558 : i32 to vector<8x128xi32>
    %mul3A_560 = arith.muli %mul3A_559, %convert_element_type3A_557 : vector<8x128xi32>
    %add3A_561 = arith.addi %broadcast_in_dim3A_501, %mul3A_560 : vector<8x128xi32>
    %jit3A_562 = arith.constant 576 : i32
    %div3A_563 = arith.divsi %add3A_55, %jit3A_562 : i32
    %sign3A_564 = arith.constant 0 : i32
    %sign3A_565 = arith.cmpi sgt, %add3A_55, %sign3A_564 : i32
    %sign3A_566 = arith.extui %sign3A_565 : i1 to i32
    %sign3A_567 = arith.constant 0 : i32
    %sign3A_568 = arith.cmpi slt, %add3A_55, %sign3A_567 : i32
    %sign3A_569 = arith.extui %sign3A_568 : i1 to i32
    %sign3A_570 = arith.subi %sign3A_566, %sign3A_569 : i32
    %sign3A_571 = arith.constant 0 : i32
    %sign3A_572 = arith.cmpi sgt, %jit3A_562, %sign3A_571 : i32
    %sign3A_573 = arith.extui %sign3A_572 : i1 to i32
    %sign3A_574 = arith.constant 0 : i32
    %sign3A_575 = arith.cmpi slt, %jit3A_562, %sign3A_574 : i32
    %sign3A_576 = arith.extui %sign3A_575 : i1 to i32
    %sign3A_577 = arith.subi %sign3A_573, %sign3A_576 : i32
    %ne3A_578 = arith.cmpi ne, %sign3A_570, %sign3A_577 : i32
    %rem3A_579 = arith.remsi %add3A_55, %jit3A_562 : i32
    %ne3A_580 = arith.constant 0 : i32
    %ne3A_581 = arith.cmpi ne, %rem3A_579, %ne3A_580 : i32
    %and3A_582 = arith.andi %ne3A_578, %ne3A_581 : i1
    %sub3A_583 = arith.constant 1 : i32
    %sub3A_584 = arith.subi %div3A_563, %sub3A_583 : i32
    %select_n3A_585 = arith.select %and3A_582, %sub3A_584, %div3A_563 : i32
    %add3A_586 = arith.addi %add3A_55, %mul3A_108 : i32
    %jit3A_587 = arith.constant 576 : i32
    %div3A_588 = arith.divsi %add3A_586, %jit3A_587 : i32
    %sign3A_589 = arith.constant 0 : i32
    %sign3A_590 = arith.cmpi sgt, %add3A_586, %sign3A_589 : i32
    %sign3A_591 = arith.extui %sign3A_590 : i1 to i32
    %sign3A_592 = arith.constant 0 : i32
    %sign3A_593 = arith.cmpi slt, %add3A_586, %sign3A_592 : i32
    %sign3A_594 = arith.extui %sign3A_593 : i1 to i32
    %sign3A_595 = arith.subi %sign3A_591, %sign3A_594 : i32
    %sign3A_596 = arith.constant 0 : i32
    %sign3A_597 = arith.cmpi sgt, %jit3A_587, %sign3A_596 : i32
    %sign3A_598 = arith.extui %sign3A_597 : i1 to i32
    %sign3A_599 = arith.constant 0 : i32
    %sign3A_600 = arith.cmpi slt, %jit3A_587, %sign3A_599 : i32
    %sign3A_601 = arith.extui %sign3A_600 : i1 to i32
    %sign3A_602 = arith.subi %sign3A_598, %sign3A_601 : i32
    %ne3A_603 = arith.cmpi ne, %sign3A_595, %sign3A_602 : i32
    %rem3A_604 = arith.remsi %add3A_586, %jit3A_587 : i32
    %ne3A_605 = arith.constant 0 : i32
    %ne3A_606 = arith.cmpi ne, %rem3A_604, %ne3A_605 : i32
    %and3A_607 = arith.andi %ne3A_603, %ne3A_606 : i1
    %sub3A_608 = arith.constant 1 : i32
    %sub3A_609 = arith.subi %div3A_588, %sub3A_608 : i32
    %select_n3A_610 = arith.select %and3A_607, %sub3A_609, %div3A_588 : i32
    %ge3A_611 = vector.broadcast %select_n3A_585 : i32 to vector<8x128xi32>
    %ge3A_612 = arith.cmpi sge, %min3A_499, %ge3A_611 : vector<8x128xi32>
    %lt3A_613 = vector.broadcast %select_n3A_610 : i32 to vector<8x128xi32>
    %lt3A_614 = arith.cmpi slt, %min3A_499, %lt3A_613 : vector<8x128xi32>
    %and3A_615 = arith.andi %ge3A_612, %lt3A_614 : vector<8x128xi1>
    %convert_element_type3A_616 = arith.extui %and3A_615 : vector<8x128xi1> to vector<8x128xi32>
    %mul3A_617 = arith.constant 1 : i32
    %mul3A_618 = vector.broadcast %mul3A_617 : i32 to vector<8x128xi32>
    %mul3A_619 = arith.muli %mul3A_618, %convert_element_type3A_616 : vector<8x128xi32>
    %add3A_620 = arith.addi %add3A_561, %mul3A_619 : vector<8x128xi32>
    %jit3A_621 = arith.constant 576 : i32
    %div3A_622 = arith.divsi %add3A_114, %jit3A_621 : i32
    %sign3A_623 = arith.constant 0 : i32
    %sign3A_624 = arith.cmpi sgt, %add3A_114, %sign3A_623 : i32
    %sign3A_625 = arith.extui %sign3A_624 : i1 to i32
    %sign3A_626 = arith.constant 0 : i32
    %sign3A_627 = arith.cmpi slt, %add3A_114, %sign3A_626 : i32
    %sign3A_628 = arith.extui %sign3A_627 : i1 to i32
    %sign3A_629 = arith.subi %sign3A_625, %sign3A_628 : i32
    %sign3A_630 = arith.constant 0 : i32
    %sign3A_631 = arith.cmpi sgt, %jit3A_621, %sign3A_630 : i32
    %sign3A_632 = arith.extui %sign3A_631 : i1 to i32
    %sign3A_633 = arith.constant 0 : i32
    %sign3A_634 = arith.cmpi slt, %jit3A_621, %sign3A_633 : i32
    %sign3A_635 = arith.extui %sign3A_634 : i1 to i32
    %sign3A_636 = arith.subi %sign3A_632, %sign3A_635 : i32
    %ne3A_637 = arith.cmpi ne, %sign3A_629, %sign3A_636 : i32
    %rem3A_638 = arith.remsi %add3A_114, %jit3A_621 : i32
    %ne3A_639 = arith.constant 0 : i32
    %ne3A_640 = arith.cmpi ne, %rem3A_638, %ne3A_639 : i32
    %and3A_641 = arith.andi %ne3A_637, %ne3A_640 : i1
    %sub3A_642 = arith.constant 1 : i32
    %sub3A_643 = arith.subi %div3A_622, %sub3A_642 : i32
    %select_n3A_644 = arith.select %and3A_641, %sub3A_643, %div3A_622 : i32
    %add3A_645 = arith.addi %add3A_114, %mul3A_167 : i32
    %jit3A_646 = arith.constant 576 : i32
    %div3A_647 = arith.divsi %add3A_645, %jit3A_646 : i32
    %sign3A_648 = arith.constant 0 : i32
    %sign3A_649 = arith.cmpi sgt, %add3A_645, %sign3A_648 : i32
    %sign3A_650 = arith.extui %sign3A_649 : i1 to i32
    %sign3A_651 = arith.constant 0 : i32
    %sign3A_652 = arith.cmpi slt, %add3A_645, %sign3A_651 : i32
    %sign3A_653 = arith.extui %sign3A_652 : i1 to i32
    %sign3A_654 = arith.subi %sign3A_650, %sign3A_653 : i32
    %sign3A_655 = arith.constant 0 : i32
    %sign3A_656 = arith.cmpi sgt, %jit3A_646, %sign3A_655 : i32
    %sign3A_657 = arith.extui %sign3A_656 : i1 to i32
    %sign3A_658 = arith.constant 0 : i32
    %sign3A_659 = arith.cmpi slt, %jit3A_646, %sign3A_658 : i32
    %sign3A_660 = arith.extui %sign3A_659 : i1 to i32
    %sign3A_661 = arith.subi %sign3A_657, %sign3A_660 : i32
    %ne3A_662 = arith.cmpi ne, %sign3A_654, %sign3A_661 : i32
    %rem3A_663 = arith.remsi %add3A_645, %jit3A_646 : i32
    %ne3A_664 = arith.constant 0 : i32
    %ne3A_665 = arith.cmpi ne, %rem3A_663, %ne3A_664 : i32
    %and3A_666 = arith.andi %ne3A_662, %ne3A_665 : i1
    %sub3A_667 = arith.constant 1 : i32
    %sub3A_668 = arith.subi %div3A_647, %sub3A_667 : i32
    %select_n3A_669 = arith.select %and3A_666, %sub3A_668, %div3A_647 : i32
    %ge3A_670 = vector.broadcast %select_n3A_644 : i32 to vector<8x128xi32>
    %ge3A_671 = arith.cmpi sge, %min3A_499, %ge3A_670 : vector<8x128xi32>
    %lt3A_672 = vector.broadcast %select_n3A_669 : i32 to vector<8x128xi32>
    %lt3A_673 = arith.cmpi slt, %min3A_499, %lt3A_672 : vector<8x128xi32>
    %and3A_674 = arith.andi %ge3A_671, %lt3A_673 : vector<8x128xi1>
    %convert_element_type3A_675 = arith.extui %and3A_674 : vector<8x128xi1> to vector<8x128xi32>
    %mul3A_676 = arith.constant 2 : i32
    %mul3A_677 = vector.broadcast %mul3A_676 : i32 to vector<8x128xi32>
    %mul3A_678 = arith.muli %mul3A_677, %convert_element_type3A_675 : vector<8x128xi32>
    %add3A_679 = arith.addi %add3A_620, %mul3A_678 : vector<8x128xi32>
    %jit3A_680 = arith.constant 576 : i32
    %div3A_681 = arith.divsi %add3A_173, %jit3A_680 : i32
    %sign3A_682 = arith.constant 0 : i32
    %sign3A_683 = arith.cmpi sgt, %add3A_173, %sign3A_682 : i32
    %sign3A_684 = arith.extui %sign3A_683 : i1 to i32
    %sign3A_685 = arith.constant 0 : i32
    %sign3A_686 = arith.cmpi slt, %add3A_173, %sign3A_685 : i32
    %sign3A_687 = arith.extui %sign3A_686 : i1 to i32
    %sign3A_688 = arith.subi %sign3A_684, %sign3A_687 : i32
    %sign3A_689 = arith.constant 0 : i32
    %sign3A_690 = arith.cmpi sgt, %jit3A_680, %sign3A_689 : i32
    %sign3A_691 = arith.extui %sign3A_690 : i1 to i32
    %sign3A_692 = arith.constant 0 : i32
    %sign3A_693 = arith.cmpi slt, %jit3A_680, %sign3A_692 : i32
    %sign3A_694 = arith.extui %sign3A_693 : i1 to i32
    %sign3A_695 = arith.subi %sign3A_691, %sign3A_694 : i32
    %ne3A_696 = arith.cmpi ne, %sign3A_688, %sign3A_695 : i32
    %rem3A_697 = arith.remsi %add3A_173, %jit3A_680 : i32
    %ne3A_698 = arith.constant 0 : i32
    %ne3A_699 = arith.cmpi ne, %rem3A_697, %ne3A_698 : i32
    %and3A_700 = arith.andi %ne3A_696, %ne3A_699 : i1
    %sub3A_701 = arith.constant 1 : i32
    %sub3A_702 = arith.subi %div3A_681, %sub3A_701 : i32
    %select_n3A_703 = arith.select %and3A_700, %sub3A_702, %div3A_681 : i32
    %add3A_704 = arith.addi %add3A_173, %mul3A_226 : i32
    %jit3A_705 = arith.constant 576 : i32
    %div3A_706 = arith.divsi %add3A_704, %jit3A_705 : i32
    %sign3A_707 = arith.constant 0 : i32
    %sign3A_708 = arith.cmpi sgt, %add3A_704, %sign3A_707 : i32
    %sign3A_709 = arith.extui %sign3A_708 : i1 to i32
    %sign3A_710 = arith.constant 0 : i32
    %sign3A_711 = arith.cmpi slt, %add3A_704, %sign3A_710 : i32
    %sign3A_712 = arith.extui %sign3A_711 : i1 to i32
    %sign3A_713 = arith.subi %sign3A_709, %sign3A_712 : i32
    %sign3A_714 = arith.constant 0 : i32
    %sign3A_715 = arith.cmpi sgt, %jit3A_705, %sign3A_714 : i32
    %sign3A_716 = arith.extui %sign3A_715 : i1 to i32
    %sign3A_717 = arith.constant 0 : i32
    %sign3A_718 = arith.cmpi slt, %jit3A_705, %sign3A_717 : i32
    %sign3A_719 = arith.extui %sign3A_718 : i1 to i32
    %sign3A_720 = arith.subi %sign3A_716, %sign3A_719 : i32
    %ne3A_721 = arith.cmpi ne, %sign3A_713, %sign3A_720 : i32
    %rem3A_722 = arith.remsi %add3A_704, %jit3A_705 : i32
    %ne3A_723 = arith.constant 0 : i32
    %ne3A_724 = arith.cmpi ne, %rem3A_722, %ne3A_723 : i32
    %and3A_725 = arith.andi %ne3A_721, %ne3A_724 : i1
    %sub3A_726 = arith.constant 1 : i32
    %sub3A_727 = arith.subi %div3A_706, %sub3A_726 : i32
    %select_n3A_728 = arith.select %and3A_725, %sub3A_727, %div3A_706 : i32
    %ge3A_729 = vector.broadcast %select_n3A_703 : i32 to vector<8x128xi32>
    %ge3A_730 = arith.cmpi sge, %min3A_499, %ge3A_729 : vector<8x128xi32>
    %lt3A_731 = vector.broadcast %select_n3A_728 : i32 to vector<8x128xi32>
    %lt3A_732 = arith.cmpi slt, %min3A_499, %lt3A_731 : vector<8x128xi32>
    %and3A_733 = arith.andi %ge3A_730, %lt3A_732 : vector<8x128xi1>
    %convert_element_type3A_734 = arith.extui %and3A_733 : vector<8x128xi1> to vector<8x128xi32>
    %mul3A_735 = arith.constant 3 : i32
    %mul3A_736 = vector.broadcast %mul3A_735 : i32 to vector<8x128xi32>
    %mul3A_737 = arith.muli %mul3A_736, %convert_element_type3A_734 : vector<8x128xi32>
    %add3A_738 = arith.addi %add3A_679, %mul3A_737 : vector<8x128xi32>
    %jit3A_739 = arith.constant 576 : i32
    %div3A_740 = arith.divsi %add3A_232, %jit3A_739 : i32
    %sign3A_741 = arith.constant 0 : i32
    %sign3A_742 = arith.cmpi sgt, %add3A_232, %sign3A_741 : i32
    %sign3A_743 = arith.extui %sign3A_742 : i1 to i32
    %sign3A_744 = arith.constant 0 : i32
    %sign3A_745 = arith.cmpi slt, %add3A_232, %sign3A_744 : i32
    %sign3A_746 = arith.extui %sign3A_745 : i1 to i32
    %sign3A_747 = arith.subi %sign3A_743, %sign3A_746 : i32
    %sign3A_748 = arith.constant 0 : i32
    %sign3A_749 = arith.cmpi sgt, %jit3A_739, %sign3A_748 : i32
    %sign3A_750 = arith.extui %sign3A_749 : i1 to i32
    %sign3A_751 = arith.constant 0 : i32
    %sign3A_752 = arith.cmpi slt, %jit3A_739, %sign3A_751 : i32
    %sign3A_753 = arith.extui %sign3A_752 : i1 to i32
    %sign3A_754 = arith.subi %sign3A_750, %sign3A_753 : i32
    %ne3A_755 = arith.cmpi ne, %sign3A_747, %sign3A_754 : i32
    %rem3A_756 = arith.remsi %add3A_232, %jit3A_739 : i32
    %ne3A_757 = arith.constant 0 : i32
    %ne3A_758 = arith.cmpi ne, %rem3A_756, %ne3A_757 : i32
    %and3A_759 = arith.andi %ne3A_755, %ne3A_758 : i1
    %sub3A_760 = arith.constant 1 : i32
    %sub3A_761 = arith.subi %div3A_740, %sub3A_760 : i32
    %select_n3A_762 = arith.select %and3A_759, %sub3A_761, %div3A_740 : i32
    %add3A_763 = arith.addi %add3A_232, %mul3A_285 : i32
    %jit3A_764 = arith.constant 576 : i32
    %div3A_765 = arith.divsi %add3A_763, %jit3A_764 : i32
    %sign3A_766 = arith.constant 0 : i32
    %sign3A_767 = arith.cmpi sgt, %add3A_763, %sign3A_766 : i32
    %sign3A_768 = arith.extui %sign3A_767 : i1 to i32
    %sign3A_769 = arith.constant 0 : i32
    %sign3A_770 = arith.cmpi slt, %add3A_763, %sign3A_769 : i32
    %sign3A_771 = arith.extui %sign3A_770 : i1 to i32
    %sign3A_772 = arith.subi %sign3A_768, %sign3A_771 : i32
    %sign3A_773 = arith.constant 0 : i32
    %sign3A_774 = arith.cmpi sgt, %jit3A_764, %sign3A_773 : i32
    %sign3A_775 = arith.extui %sign3A_774 : i1 to i32
    %sign3A_776 = arith.constant 0 : i32
    %sign3A_777 = arith.cmpi slt, %jit3A_764, %sign3A_776 : i32
    %sign3A_778 = arith.extui %sign3A_777 : i1 to i32
    %sign3A_779 = arith.subi %sign3A_775, %sign3A_778 : i32
    %ne3A_780 = arith.cmpi ne, %sign3A_772, %sign3A_779 : i32
    %rem3A_781 = arith.remsi %add3A_763, %jit3A_764 : i32
    %ne3A_782 = arith.constant 0 : i32
    %ne3A_783 = arith.cmpi ne, %rem3A_781, %ne3A_782 : i32
    %and3A_784 = arith.andi %ne3A_780, %ne3A_783 : i1
    %sub3A_785 = arith.constant 1 : i32
    %sub3A_786 = arith.subi %div3A_765, %sub3A_785 : i32
    %select_n3A_787 = arith.select %and3A_784, %sub3A_786, %div3A_765 : i32
    %ge3A_788 = vector.broadcast %select_n3A_762 : i32 to vector<8x128xi32>
    %ge3A_789 = arith.cmpi sge, %min3A_499, %ge3A_788 : vector<8x128xi32>
    %lt3A_790 = vector.broadcast %select_n3A_787 : i32 to vector<8x128xi32>
    %lt3A_791 = arith.cmpi slt, %min3A_499, %lt3A_790 : vector<8x128xi32>
    %and3A_792 = arith.andi %ge3A_789, %lt3A_791 : vector<8x128xi1>
    %convert_element_type3A_793 = arith.extui %and3A_792 : vector<8x128xi1> to vector<8x128xi32>
    %mul3A_794 = arith.constant 4 : i32
    %mul3A_795 = vector.broadcast %mul3A_794 : i32 to vector<8x128xi32>
    %mul3A_796 = arith.muli %mul3A_795, %convert_element_type3A_793 : vector<8x128xi32>
    %add3A_797 = arith.addi %add3A_738, %mul3A_796 : vector<8x128xi32>
    %jit3A_798 = arith.constant 576 : i32
    %div3A_799 = arith.divsi %add3A_291, %jit3A_798 : i32
    %sign3A_800 = arith.constant 0 : i32
    %sign3A_801 = arith.cmpi sgt, %add3A_291, %sign3A_800 : i32
    %sign3A_802 = arith.extui %sign3A_801 : i1 to i32
    %sign3A_803 = arith.constant 0 : i32
    %sign3A_804 = arith.cmpi slt, %add3A_291, %sign3A_803 : i32
    %sign3A_805 = arith.extui %sign3A_804 : i1 to i32
    %sign3A_806 = arith.subi %sign3A_802, %sign3A_805 : i32
    %sign3A_807 = arith.constant 0 : i32
    %sign3A_808 = arith.cmpi sgt, %jit3A_798, %sign3A_807 : i32
    %sign3A_809 = arith.extui %sign3A_808 : i1 to i32
    %sign3A_810 = arith.constant 0 : i32
    %sign3A_811 = arith.cmpi slt, %jit3A_798, %sign3A_810 : i32
    %sign3A_812 = arith.extui %sign3A_811 : i1 to i32
    %sign3A_813 = arith.subi %sign3A_809, %sign3A_812 : i32
    %ne3A_814 = arith.cmpi ne, %sign3A_806, %sign3A_813 : i32
    %rem3A_815 = arith.remsi %add3A_291, %jit3A_798 : i32
    %ne3A_816 = arith.constant 0 : i32
    %ne3A_817 = arith.cmpi ne, %rem3A_815, %ne3A_816 : i32
    %and3A_818 = arith.andi %ne3A_814, %ne3A_817 : i1
    %sub3A_819 = arith.constant 1 : i32
    %sub3A_820 = arith.subi %div3A_799, %sub3A_819 : i32
    %select_n3A_821 = arith.select %and3A_818, %sub3A_820, %div3A_799 : i32
    %add3A_822 = arith.addi %add3A_291, %mul3A_344 : i32
    %jit3A_823 = arith.constant 576 : i32
    %div3A_824 = arith.divsi %add3A_822, %jit3A_823 : i32
    %sign3A_825 = arith.constant 0 : i32
    %sign3A_826 = arith.cmpi sgt, %add3A_822, %sign3A_825 : i32
    %sign3A_827 = arith.extui %sign3A_826 : i1 to i32
    %sign3A_828 = arith.constant 0 : i32
    %sign3A_829 = arith.cmpi slt, %add3A_822, %sign3A_828 : i32
    %sign3A_830 = arith.extui %sign3A_829 : i1 to i32
    %sign3A_831 = arith.subi %sign3A_827, %sign3A_830 : i32
    %sign3A_832 = arith.constant 0 : i32
    %sign3A_833 = arith.cmpi sgt, %jit3A_823, %sign3A_832 : i32
    %sign3A_834 = arith.extui %sign3A_833 : i1 to i32
    %sign3A_835 = arith.constant 0 : i32
    %sign3A_836 = arith.cmpi slt, %jit3A_823, %sign3A_835 : i32
    %sign3A_837 = arith.extui %sign3A_836 : i1 to i32
    %sign3A_838 = arith.subi %sign3A_834, %sign3A_837 : i32
    %ne3A_839 = arith.cmpi ne, %sign3A_831, %sign3A_838 : i32
    %rem3A_840 = arith.remsi %add3A_822, %jit3A_823 : i32
    %ne3A_841 = arith.constant 0 : i32
    %ne3A_842 = arith.cmpi ne, %rem3A_840, %ne3A_841 : i32
    %and3A_843 = arith.andi %ne3A_839, %ne3A_842 : i1
    %sub3A_844 = arith.constant 1 : i32
    %sub3A_845 = arith.subi %div3A_824, %sub3A_844 : i32
    %select_n3A_846 = arith.select %and3A_843, %sub3A_845, %div3A_824 : i32
    %ge3A_847 = vector.broadcast %select_n3A_821 : i32 to vector<8x128xi32>
    %ge3A_848 = arith.cmpi sge, %min3A_499, %ge3A_847 : vector<8x128xi32>
    %lt3A_849 = vector.broadcast %select_n3A_846 : i32 to vector<8x128xi32>
    %lt3A_850 = arith.cmpi slt, %min3A_499, %lt3A_849 : vector<8x128xi32>
    %and3A_851 = arith.andi %ge3A_848, %lt3A_850 : vector<8x128xi1>
    %convert_element_type3A_852 = arith.extui %and3A_851 : vector<8x128xi1> to vector<8x128xi32>
    %mul3A_853 = arith.constant 5 : i32
    %mul3A_854 = vector.broadcast %mul3A_853 : i32 to vector<8x128xi32>
    %mul3A_855 = arith.muli %mul3A_854, %convert_element_type3A_852 : vector<8x128xi32>
    %add3A_856 = arith.addi %add3A_797, %mul3A_855 : vector<8x128xi32>
    %jit3A_857 = arith.constant 576 : i32
    %div3A_858 = arith.divsi %add3A_350, %jit3A_857 : i32
    %sign3A_859 = arith.constant 0 : i32
    %sign3A_860 = arith.cmpi sgt, %add3A_350, %sign3A_859 : i32
    %sign3A_861 = arith.extui %sign3A_860 : i1 to i32
    %sign3A_862 = arith.constant 0 : i32
    %sign3A_863 = arith.cmpi slt, %add3A_350, %sign3A_862 : i32
    %sign3A_864 = arith.extui %sign3A_863 : i1 to i32
    %sign3A_865 = arith.subi %sign3A_861, %sign3A_864 : i32
    %sign3A_866 = arith.constant 0 : i32
    %sign3A_867 = arith.cmpi sgt, %jit3A_857, %sign3A_866 : i32
    %sign3A_868 = arith.extui %sign3A_867 : i1 to i32
    %sign3A_869 = arith.constant 0 : i32
    %sign3A_870 = arith.cmpi slt, %jit3A_857, %sign3A_869 : i32
    %sign3A_871 = arith.extui %sign3A_870 : i1 to i32
    %sign3A_872 = arith.subi %sign3A_868, %sign3A_871 : i32
    %ne3A_873 = arith.cmpi ne, %sign3A_865, %sign3A_872 : i32
    %rem3A_874 = arith.remsi %add3A_350, %jit3A_857 : i32
    %ne3A_875 = arith.constant 0 : i32
    %ne3A_876 = arith.cmpi ne, %rem3A_874, %ne3A_875 : i32
    %and3A_877 = arith.andi %ne3A_873, %ne3A_876 : i1
    %sub3A_878 = arith.constant 1 : i32
    %sub3A_879 = arith.subi %div3A_858, %sub3A_878 : i32
    %select_n3A_880 = arith.select %and3A_877, %sub3A_879, %div3A_858 : i32
    %add3A_881 = arith.addi %add3A_350, %mul3A_403 : i32
    %jit3A_882 = arith.constant 576 : i32
    %div3A_883 = arith.divsi %add3A_881, %jit3A_882 : i32
    %sign3A_884 = arith.constant 0 : i32
    %sign3A_885 = arith.cmpi sgt, %add3A_881, %sign3A_884 : i32
    %sign3A_886 = arith.extui %sign3A_885 : i1 to i32
    %sign3A_887 = arith.constant 0 : i32
    %sign3A_888 = arith.cmpi slt, %add3A_881, %sign3A_887 : i32
    %sign3A_889 = arith.extui %sign3A_888 : i1 to i32
    %sign3A_890 = arith.subi %sign3A_886, %sign3A_889 : i32
    %sign3A_891 = arith.constant 0 : i32
    %sign3A_892 = arith.cmpi sgt, %jit3A_882, %sign3A_891 : i32
    %sign3A_893 = arith.extui %sign3A_892 : i1 to i32
    %sign3A_894 = arith.constant 0 : i32
    %sign3A_895 = arith.cmpi slt, %jit3A_882, %sign3A_894 : i32
    %sign3A_896 = arith.extui %sign3A_895 : i1 to i32
    %sign3A_897 = arith.subi %sign3A_893, %sign3A_896 : i32
    %ne3A_898 = arith.cmpi ne, %sign3A_890, %sign3A_897 : i32
    %rem3A_899 = arith.remsi %add3A_881, %jit3A_882 : i32
    %ne3A_900 = arith.constant 0 : i32
    %ne3A_901 = arith.cmpi ne, %rem3A_899, %ne3A_900 : i32
    %and3A_902 = arith.andi %ne3A_898, %ne3A_901 : i1
    %sub3A_903 = arith.constant 1 : i32
    %sub3A_904 = arith.subi %div3A_883, %sub3A_903 : i32
    %select_n3A_905 = arith.select %and3A_902, %sub3A_904, %div3A_883 : i32
    %ge3A_906 = vector.broadcast %select_n3A_880 : i32 to vector<8x128xi32>
    %ge3A_907 = arith.cmpi sge, %min3A_499, %ge3A_906 : vector<8x128xi32>
    %lt3A_908 = vector.broadcast %select_n3A_905 : i32 to vector<8x128xi32>
    %lt3A_909 = arith.cmpi slt, %min3A_499, %lt3A_908 : vector<8x128xi32>
    %and3A_910 = arith.andi %ge3A_907, %lt3A_909 : vector<8x128xi1>
    %convert_element_type3A_911 = arith.extui %and3A_910 : vector<8x128xi1> to vector<8x128xi32>
    %mul3A_912 = arith.constant 6 : i32
    %mul3A_913 = vector.broadcast %mul3A_912 : i32 to vector<8x128xi32>
    %mul3A_914 = arith.muli %mul3A_913, %convert_element_type3A_911 : vector<8x128xi32>
    %add3A_915 = arith.addi %add3A_856, %mul3A_914 : vector<8x128xi32>
    %jit3A_916 = arith.constant 576 : i32
    %div3A_917 = arith.divsi %add3A_409, %jit3A_916 : i32
    %sign3A_918 = arith.constant 0 : i32
    %sign3A_919 = arith.cmpi sgt, %add3A_409, %sign3A_918 : i32
    %sign3A_920 = arith.extui %sign3A_919 : i1 to i32
    %sign3A_921 = arith.constant 0 : i32
    %sign3A_922 = arith.cmpi slt, %add3A_409, %sign3A_921 : i32
    %sign3A_923 = arith.extui %sign3A_922 : i1 to i32
    %sign3A_924 = arith.subi %sign3A_920, %sign3A_923 : i32
    %sign3A_925 = arith.constant 0 : i32
    %sign3A_926 = arith.cmpi sgt, %jit3A_916, %sign3A_925 : i32
    %sign3A_927 = arith.extui %sign3A_926 : i1 to i32
    %sign3A_928 = arith.constant 0 : i32
    %sign3A_929 = arith.cmpi slt, %jit3A_916, %sign3A_928 : i32
    %sign3A_930 = arith.extui %sign3A_929 : i1 to i32
    %sign3A_931 = arith.subi %sign3A_927, %sign3A_930 : i32
    %ne3A_932 = arith.cmpi ne, %sign3A_924, %sign3A_931 : i32
    %rem3A_933 = arith.remsi %add3A_409, %jit3A_916 : i32
    %ne3A_934 = arith.constant 0 : i32
    %ne3A_935 = arith.cmpi ne, %rem3A_933, %ne3A_934 : i32
    %and3A_936 = arith.andi %ne3A_932, %ne3A_935 : i1
    %sub3A_937 = arith.constant 1 : i32
    %sub3A_938 = arith.subi %div3A_917, %sub3A_937 : i32
    %select_n3A_939 = arith.select %and3A_936, %sub3A_938, %div3A_917 : i32
    %add3A_940 = arith.addi %add3A_409, %mul3A_462 : i32
    %jit3A_941 = arith.constant 576 : i32
    %div3A_942 = arith.divsi %add3A_940, %jit3A_941 : i32
    %sign3A_943 = arith.constant 0 : i32
    %sign3A_944 = arith.cmpi sgt, %add3A_940, %sign3A_943 : i32
    %sign3A_945 = arith.extui %sign3A_944 : i1 to i32
    %sign3A_946 = arith.constant 0 : i32
    %sign3A_947 = arith.cmpi slt, %add3A_940, %sign3A_946 : i32
    %sign3A_948 = arith.extui %sign3A_947 : i1 to i32
    %sign3A_949 = arith.subi %sign3A_945, %sign3A_948 : i32
    %sign3A_950 = arith.constant 0 : i32
    %sign3A_951 = arith.cmpi sgt, %jit3A_941, %sign3A_950 : i32
    %sign3A_952 = arith.extui %sign3A_951 : i1 to i32
    %sign3A_953 = arith.constant 0 : i32
    %sign3A_954 = arith.cmpi slt, %jit3A_941, %sign3A_953 : i32
    %sign3A_955 = arith.extui %sign3A_954 : i1 to i32
    %sign3A_956 = arith.subi %sign3A_952, %sign3A_955 : i32
    %ne3A_957 = arith.cmpi ne, %sign3A_949, %sign3A_956 : i32
    %rem3A_958 = arith.remsi %add3A_940, %jit3A_941 : i32
    %ne3A_959 = arith.constant 0 : i32
    %ne3A_960 = arith.cmpi ne, %rem3A_958, %ne3A_959 : i32
    %and3A_961 = arith.andi %ne3A_957, %ne3A_960 : i1
    %sub3A_962 = arith.constant 1 : i32
    %sub3A_963 = arith.subi %div3A_942, %sub3A_962 : i32
    %select_n3A_964 = arith.select %and3A_961, %sub3A_963, %div3A_942 : i32
    %ge3A_965 = vector.broadcast %select_n3A_939 : i32 to vector<8x128xi32>
    %ge3A_966 = arith.cmpi sge, %min3A_499, %ge3A_965 : vector<8x128xi32>
    %lt3A_967 = vector.broadcast %select_n3A_964 : i32 to vector<8x128xi32>
    %lt3A_968 = arith.cmpi slt, %min3A_499, %lt3A_967 : vector<8x128xi32>
    %and3A_969 = arith.andi %ge3A_966, %lt3A_968 : vector<8x128xi1>
    %convert_element_type3A_970 = arith.extui %and3A_969 : vector<8x128xi1> to vector<8x128xi32>
    %mul3A_971 = arith.constant 7 : i32
    %mul3A_972 = vector.broadcast %mul3A_971 : i32 to vector<8x128xi32>
    %mul3A_973 = arith.muli %mul3A_972, %convert_element_type3A_970 : vector<8x128xi32>
    %add3A_974 = arith.addi %add3A_915, %mul3A_973 : vector<8x128xi32>
    %lt3A_975 = vector.broadcast %select_n3A_495 : i32 to vector<8x128xi32>
    %lt3A_976 = arith.cmpi slt, %iota3A_496, %lt3A_975 : vector<8x128xi32>
    %convert_element_type3A_977 = arith.extui %lt3A_976 : vector<8x128xi1> to vector<8x128xi32>
    %iota3A_978 = tpu.iota {dimensions = array<i32: 0>} : vector<8x128xi32>
    %eq3A_979 = arith.constant 0 : i32
    %eq3A_980 = vector.broadcast %eq3A_979 : i32 to vector<8x128xi32>
    %eq3A_981 = arith.cmpi eq, %iota3A_978, %eq3A_980 : vector<8x128xi32>
    %eq3A_982 = arith.constant 1 : i32
    %eq3A_983 = vector.broadcast %eq3A_982 : i32 to vector<8x128xi32>
    %eq3A_984 = arith.cmpi eq, %iota3A_978, %eq3A_983 : vector<8x128xi32>
    %jit3A_985 = arith.constant 0 : i32
    %broadcast_in_dim3A_986 = vector.broadcast %jit3A_985 : i32 to vector<8x128xi32>
    %select_n3A_987 = arith.select %eq3A_984, %convert_element_type3A_977, %broadcast_in_dim3A_986 : vector<8x128xi1>, vector<8x128xi32>
    %select_n3A_988 = arith.select %eq3A_981, %add3A_974, %select_n3A_987 : vector<8x128xi1>, vector<8x128xi32>
    %swap3A_989 = arith.constant 0 : index
    %swap3A_990 = arith.constant 0 : index
    %swap3A_991 = vector.load %arg2[%swap3A_989, %swap3A_990] : memref<8x128xi32, #tpu.memory_space<vmem>>, vector<8x128xi32>
    tpu.vector_store %arg2[%swap3A_989, %swap3A_990], %select_n3A_988 {strides = array<i32>} : memref<8x128xi32, #tpu.memory_space<vmem>>, vector<8x128xi32>,
    return
  }
}

module attributes {stable_mosaic.version = 14 : i64} {
  func.func @_gemm_kernel(%arg0: i32, %arg1: i32, %arg2: memref<15xi32, #tpu.memory_space<smem>>, %arg3: memref<15xi32, #tpu.memory_space<smem>>, %arg4: memref<576x2048xf32, #tpu.memory_space<vmem>>, %arg5: memref<1x1024x2048xf32, #tpu.memory_space<vmem>>, %arg6: memref<576x1024xf32, #tpu.memory_space<vmem>>) attributes {dimension_semantics = [#tpu.dimension_semantics<arbitrary>, #tpu.dimension_semantics<arbitrary>], iteration_bounds = array<i64: 15, 4>, scalar_prefetch = 2 : i64, scratch_operands = 0 : i64, tpu.core_type = #tpu.core_type<tc>, window_params = [{transform_indices = @transform_0, window_bounds = array<i64: 576, 2048>}, {transform_indices = @transform_1, window_bounds = array<i64: 1, 1024, 2048>}, {transform_indices = @transform_2, window_bounds = array<i64: 576, 1024>}]} {
    %get3A = arith.index_cast %arg0 : i32 to index
    %get3A_0 = memref.load %arg3[%get3A] : memref<15xi32, #tpu.memory_space<smem>>
    %eq3A = arith.constant 1 : i32
    %eq3A_1 = arith.cmpi eq, %get3A_0, %eq3A : i32
    %convert_element_type3A = arith.extui %eq3A_1 : i1 to i32
    %cond3A = arith.constant 0 : i32
    %cond3A_2 = arith.cmpi ne, %convert_element_type3A, %cond3A : i32
    scf.if %cond3A_2 {
      %get3A_3 = arith.constant 0 : index
      %get3A_4 = arith.constant 0 : index
      %get3A_5 = vector.load %arg4[%get3A_3, %get3A_4] : memref<576x2048xf32, #tpu.memory_space<vmem>>, vector<576x2048xf32>
      %get3A_6 = arith.constant 0 : index
      %get3A_7 = arith.constant 0 : index
      %get3A_8 = arith.constant 0 : index
      %get3A_9 = vector.load %arg5[%get3A_6, %get3A_7, %get3A_8] : memref<1x1024x2048xf32, #tpu.memory_space<vmem>>, vector<1x1024x2048xf32>
      %get3A_10 = vector.shape_cast %get3A_9 : vector<1x1024x2048xf32> to vector<1024x2048xf32>
      %dot_general3A = arith.constant dense<0.000000e+00> : vector<576x1024xf32>
      %dot_general3A_11 = tpu.matmul %get3A_5, %get3A_10, %dot_general3A {dimension_numbers = #tpu.dot_dimension_numbers<[1], [1], [0], [0], [0, 0, 1, 0], [], []>, transpose_lhs_hint = false} : vector<576x2048xf32>, vector<1024x2048xf32>, vector<576x1024xf32> -> vector<576x1024xf32>
      %swap3A = arith.constant 0 : index
      %swap3A_12 = arith.constant 0 : index
      %swap3A_13 = vector.load %arg6[%swap3A, %swap3A_12] : memref<576x1024xf32, #tpu.memory_space<vmem>>, vector<576x1024xf32>
      tpu.vector_store %arg6[%swap3A, %swap3A_12], %dot_general3A_11 {strides = array<i32>} : memref<576x1024xf32, #tpu.memory_space<vmem>>, vector<576x1024xf32>,
    } else {
    }
    return
  }
  func.func @transform_0(%arg0: i32, %arg1: i32, %arg2: memref<15xi32, #tpu.memory_space<smem>>, %arg3: memref<15xi32, #tpu.memory_space<smem>>) -> (i32, i32) {
    %get3A = arith.index_cast %arg0 : i32 to index
    %get3A_0 = memref.load %arg3[%get3A] : memref<15xi32, #tpu.memory_space<smem>>
    %mul3A = arith.muli %arg0, %get3A_0 : i32
    %c0_i32 = arith.constant 0 : i32
    %c0_i32_1 = arith.constant 0 : i32
    return %mul3A, %c0_i32 : i32, i32
  }
  func.func @transform_1(%arg0: i32, %arg1: i32, %arg2: memref<15xi32, #tpu.memory_space<smem>>, %arg3: memref<15xi32, #tpu.memory_space<smem>>) -> (i32, i32, i32) {
    %get3A = arith.index_cast %arg0 : i32 to index
    %get3A_0 = memref.load %arg2[%get3A] : memref<15xi32, #tpu.memory_space<smem>>
    %jit3A = arith.constant 2 : i32
    %eq3A = arith.constant 0 : i32
    %eq3A_1 = arith.cmpi eq, %jit3A, %eq3A : i32
    %jit3A_2 = arith.constant 1 : i32
    %select_n3A = arith.select %eq3A_1, %jit3A_2, %jit3A : i32
    %rem3A = arith.remsi %arg0, %select_n3A : i32
    %ne3A = arith.constant 0 : i32
    %ne3A_3 = arith.cmpi ne, %rem3A, %ne3A : i32
    %lt3A = arith.constant 0 : i32
    %lt3A_4 = arith.cmpi slt, %rem3A, %lt3A : i32
    %lt3A_5 = arith.constant 0 : i32
    %lt3A_6 = arith.cmpi slt, %select_n3A, %lt3A_5 : i32
    %ne3A_7 = arith.xori %lt3A_4, %lt3A_6 : i1
    %and3A = arith.andi %ne3A_7, %ne3A_3 : i1
    %add3A = arith.addi %rem3A, %select_n3A : i32
    %select_n3A_8 = arith.select %and3A, %add3A, %rem3A : i32
    %eq3A_9 = arith.constant 0 : i32
    %eq3A_10 = arith.cmpi eq, %select_n3A_8, %eq3A_9 : i32
    %sub3A = arith.constant 3 : i32
    %sub3A_11 = arith.subi %sub3A, %arg1 : i32
    %select_n3A_12 = arith.select %eq3A_10, %arg1, %sub3A_11 : i32
    %get3A_13 = arith.index_cast %arg0 : i32 to index
    %get3A_14 = memref.load %arg3[%get3A_13] : memref<15xi32, #tpu.memory_space<smem>>
    %mul3A = arith.muli %select_n3A_12, %get3A_14 : i32
    %c0_i32 = arith.constant 0 : i32
    %c0_i32_15 = arith.constant 0 : i32
    return %get3A_0, %mul3A, %c0_i32 : i32, i32, i32
  }
  func.func @transform_2(%arg0: i32, %arg1: i32, %arg2: memref<15xi32, #tpu.memory_space<smem>>, %arg3: memref<15xi32, #tpu.memory_space<smem>>) -> (i32, i32) {
    %get3A = arith.index_cast %arg0 : i32 to index
    %get3A_0 = memref.load %arg3[%get3A] : memref<15xi32, #tpu.memory_space<smem>>
    %eq3A = arith.constant 1 : i32
    %eq3A_1 = arith.cmpi eq, %get3A_0, %eq3A : i32
    %jit3A = arith.constant 15 : i32
    %select_n3A = arith.select %eq3A_1, %arg0, %jit3A : i32
    %jit3A_2 = arith.constant 2 : i32
    %eq3A_3 = arith.constant 0 : i32
    %eq3A_4 = arith.cmpi eq, %jit3A_2, %eq3A_3 : i32
    %jit3A_5 = arith.constant 1 : i32
    %select_n3A_6 = arith.select %eq3A_4, %jit3A_5, %jit3A_2 : i32
    %rem3A = arith.remsi %arg0, %select_n3A_6 : i32
    %ne3A = arith.constant 0 : i32
    %ne3A_7 = arith.cmpi ne, %rem3A, %ne3A : i32
    %lt3A = arith.constant 0 : i32
    %lt3A_8 = arith.cmpi slt, %rem3A, %lt3A : i32
    %lt3A_9 = arith.constant 0 : i32
    %lt3A_10 = arith.cmpi slt, %select_n3A_6, %lt3A_9 : i32
    %ne3A_11 = arith.xori %lt3A_8, %lt3A_10 : i1
    %and3A = arith.andi %ne3A_11, %ne3A_7 : i1
    %add3A = arith.addi %rem3A, %select_n3A_6 : i32
    %select_n3A_12 = arith.select %and3A, %add3A, %rem3A : i32
    %eq3A_13 = arith.constant 0 : i32
    %eq3A_14 = arith.cmpi eq, %select_n3A_12, %eq3A_13 : i32
    %sub3A = arith.constant 3 : i32
    %sub3A_15 = arith.subi %sub3A, %arg1 : i32
    %select_n3A_16 = arith.select %eq3A_14, %arg1, %sub3A_15 : i32
    %get3A_17 = arith.index_cast %arg0 : i32 to index
    %get3A_18 = memref.load %arg3[%get3A_17] : memref<15xi32, #tpu.memory_space<smem>>
    %mul3A = arith.muli %select_n3A_16, %get3A_18 : i32
    %c0_i32 = arith.constant 0 : i32
    return %select_n3A, %mul3A : i32, i32
  }
}

</mosaic_0001>

<sc_bundles>
// kernel: kernel.6.cloned.1.call-start
scs
__scs_entry_jumppad:
0x0: {  	(pc) =	sbr.rel $0x88, $3  }
0x1: {  	(tag) =	ssettag $0x0;
	lr =	simm.s32 $0x1  }
0x2: {  	[smem:$0x3F9E] =	sst lr;
	_ =	strace $0xD0000000  }
0x3: {  	_ = 	snop  }
0x4: {  	_ = 	snop  }
0x5: {  	_ = 	snop  }
0x6: {  	_ = 	snop  }
0x7: {  	_ = 	snop  }
__scs_overlays_trampoline_lowered:
0x8: {  	[smem:$0x3FAD] =	sst s0  }
0x9: {  	[smem:$0x3FAE] =	sst s1  }
0xa: {  	[smem:$0x3FAF] =	sst s2  }
0xb: {  	[smem:$0x3FB0] =	sst s3  }
0xc: {  	[smem:$0x3FB1] =	sst s4  }
0xd: {  	[smem:$0x3FB2] =	sst s5  }
0xe: {  	[smem:$0x3FB3] =	sst s6  }
0xf: {  	[smem:$0x3FB4] =	sst s7  }
0x10: {  	[smem:$0x3FB5] =	sst s8  }
0x11: {  	[smem:$0x3FB6] =	sst s9;
	s0 =	simm.s32 @!p0 $0x0  }
0x12: {  	s1 =	sld [smem:$0x3F9C];
	s0 =	simm.s32 @p0 $0x1  }
0x13: {  	[smem:$0x3FB7] =	sst s0;
	s0 =	simm.s32 @!p1 $0x0  }
0x14: {  	s2 =	sld [smem:$0x3F9B];
	s0 =	simm.s32 @p1 $0x1  }
0x15: {  	[smem:$0x3FB8] =	sst s0;
	s0 =	simm.s32 @!p2 $0x0  }
0x16: {  	s3 =	sld [smem:$0x3FDB];
	s0 =	simm.s32 @p2 $0x1  }
0x17: {  	s4 =	simm.s32 $0x1BF5;
	[smem:$0x3FBA] =	sst s0  }
0x18: {  	s0 =	sld [smem:$0x3F9D];
	_ =	swait.ge [sflag:s4], $0x0  }
0x19: {  	s7 =	sld [smem:$0x3F9E]  }
0x1a: {  	s8 =	sadd.s32 $0xFFFFE003, lr  }
0x1b: {  	s9 =	sadd.s32 $0xFFFFFEF7, lr;
	s5 =	simm.s32 $0xFFFFFFFF;
	p2 =	slt.u32 s8, $0xFFFFF086  }
0x1c: {  	p1 =	slt.u32 s9, $0xF7A;
	s5 =	simm.s32 @!p2 $0x0  }
0x1d: {  	s5 =	simm.s32 @p1 $0x1;
	p0 =	seq.s32 s7, s2  }
0x1e: {  	s7 =	smul.u32 @!p0 $0xF7A, s2;
	p2 =	seq.s32 @!p0 s5, $0x0  }
0x1f: {  	s9 =	smul.u32 $0xF7A, s1;
	s8 =	simm.s32 @!p0 $0x1BF5;
	p2 =	por !p2, p0  }
0x20: {  	[sflag:s8] =	ssyncset.s32 @!p0 $0xFFFFF086;
	s6 =	sadd.s32 @!p0 s3, s7;
	s7 =	simm.s32 @!p0 $0x108  }
0x21: {  	s3 =	sadd.s32 s3, s9;
	s6 =	sadd.s32 @!p0 $0x88, s6;
	s7 =	simm.s32 @p2 $0x1082  }
0x22: {  	[simem:s7], [sflag:s8] =	dma.local @!p0 [hbm:s6], $0xF7A  }
0x23: {  	s9 =	sor.u32 $0xD0000000, s2;
	s6 =	simm.s32 $0x108;
	_ =	swait.ge @!p0 [sflag:s8], $0x0  }
0x24: {  	s3 =	sadd.s32 $0x88, s3;
	s6 =	simm.s32 @!p1 $0x1082;
	[sflag:s4] =	ssyncset.s32 $0xFFFFF086  }
0x25: {  	[simem:s6], [sflag:s4] =	dma.local [hbm:s3], $0xF7A  }
0x26: {  	[smem:$0x3F9E] =	sst s1;
	(tag) =	ssettag s2;
	_ =	strace s9  }
0x27: {  	s1 =	sld [smem:$0x3FAE]  }
0x28: {  	s2 =	sld [smem:$0x3FAF]  }
0x29: {  	s4 =	sld [smem:$0x3FB1]  }
0x2a: {  	p0 =	seq.s32 s5, $0x0;
	s5 =	sld [smem:$0x3FB2]  }
0x2b: {  	s6 =	sld [smem:$0x3FB3]  }
0x2c: {  	s7 =	sld [smem:$0x3FB4]  }
0x2d: {  	s3 =	simm.s32 $0x108;
	s8 =	sld [smem:$0x3FB5]  }
0x2e: {  	s3 =	simm.s32 @!p0 $0x1082;
	s9 =	sld [smem:$0x3FB6]  }
0x2f: {  	lr =	sadd.s32 s0, s3;
	s0 =	sld [smem:$0x3FAD]  }
0x30: {  	s3 =	sld [smem:$0x3FB0]  }
0x31: {  	[smem:$0x3FB9] =	sst s10  }
0x32: {  	s10 =	sld [smem:$0x3FB7];
	_ =	sdelay $0x3  }
0x33: {  	p0 =	seq.s32 s10, $0x1;
	s10 =	sld [smem:$0x3FB9];
	_ =	sdelay $0x3  }
0x34: {  	[smem:$0x3FB9] =	sst s10  }
0x35: {  	s10 =	sld [smem:$0x3FB8];
	_ =	sdelay $0x3  }
0x36: {  	p1 =	seq.s32 s10, $0x1;
	s10 =	sld [smem:$0x3FB9];
	_ =	sdelay $0x3  }
0x37: {  	[smem:$0x3FB9] =	sst s10  }
0x38: {  	s10 =	sld [smem:$0x3FBA]  }
0x39: {  	_ = 	snop;
	(pc) =	sbr.ind lr, $3  }
0x3a: {  	_ = 	snop  }
0x3b: {  	_ = 	snop  }
0x3c: {  	p2 =	seq.s32 s10, $0x1;
	s10 =	sld [smem:$0x3FB9]  }
0x3d: {  	_ =	shalt  }
0x3e: {  	_ =	shalt  }
0x3f: {  	_ =	shalt  }
0x40: {  	_ =	shalt  }
0x41: {  	_ =	shalt  }
0x42: {  	_ =	shalt  }
0x43: {  	_ =	shalt  }
0x44: {  	_ =	shalt  }
0x45: {  	_ =	shalt  }
0x46: {  	_ =	shalt  }
0x47: {  	_ =	shalt  }
0x48: {  	_ =	shalt  }
0x49: {  	_ =	shalt  }
0x4a: {  	_ =	shalt  }
0x4b: {  	_ =	shalt  }
0x4c: {  	_ =	shalt  }
0x4d: {  	_ =	shalt  }
0x4e: {  	_ =	shalt  }
0x4f: {  	_ =	shalt  }
0x50: {  	_ =	shalt  }
0x51: {  	_ =	shalt  }
0x52: {  	_ =	shalt  }
0x53: {  	_ =	shalt  }
0x54: {  	_ =	shalt  }
0x55: {  	_ =	shalt  }
0x56: {  	_ =	shalt  }
0x57: {  	_ =	shalt  }
0x58: {  	_ =	shalt  }
0x59: {  	_ =	shalt  }
0x5a: {  	_ =	shalt  }
0x5b: {  	_ =	shalt  }
0x5c: {  	_ =	shalt  }
0x5d: {  	_ =	shalt  }
0x5e: {  	_ =	shalt  }
0x5f: {  	_ =	shalt  }
0x60: {  	_ =	shalt  }
0x61: {  	_ =	shalt  }
0x62: {  	_ =	shalt  }
0x63: {  	_ =	shalt  }
0x64: {  	_ =	shalt  }
0x65: {  	_ =	shalt  }
0x66: {  	_ =	shalt  }
0x67: {  	_ =	shalt  }
0x68: {  	_ =	shalt  }
0x69: {  	_ =	shalt  }
0x6a: {  	_ =	shalt  }
0x6b: {  	_ =	shalt  }
0x6c: {  	_ =	shalt  }
0x6d: {  	_ =	shalt  }
0x6e: {  	_ =	shalt  }
0x6f: {  	_ =	shalt  }
0x70: {  	_ =	shalt  }
0x71: {  	_ =	shalt  }
0x72: {  	_ =	shalt  }
0x73: {  	_ =	shalt  }
0x74: {  	_ =	shalt  }
0x75: {  	_ =	shalt  }
0x76: {  	_ =	shalt  }
0x77: {  	_ =	shalt  }
0x78: {  	_ =	shalt  }
0x79: {  	_ =	shalt  }
0x7a: {  	_ =	shalt  }
0x7b: {  	_ =	shalt  }
0x7c: {  	_ =	shalt  }
0x7d: {  	_ =	shalt  }
0x7e: {  	_ =	shalt  }
0x7f: {  	_ =	shalt  }
0x80: {  	_ =	shalt  }
0x81: {  	_ =	shalt  }
0x82: {  	_ =	shalt  }
0x83: {  	_ =	shalt  }
0x84: {  	_ =	shalt  }
0x85: {  	_ =	shalt  }
0x86: {  	_ =	shalt  }
0x87: {  	_ =	shalt  }
.Lfunc_end0:
.L_simem_size_0:
called_computation_lowered:
.L_overlay_start_0:
0x88: {  	s2 =	sld [smem:$0x3FD9]  }
0x89: {  	s3 =	sld [smem:$0x3FFE];
	_ =	sdelay $0x1  }
0x8a: {  	s1 =	srdreg.scid  }
0x8b: {  	s0 =	sand.u32 $0x1, s1  }
0x8c: {  	s17 =	sshll.u32 s0, $0xA;
	s2 =	sadd.s32 s3, s2  }
0x8d: {  	s2 =	sadd.s32 s2, s17  }
0x8e: {  	[smem:$0x3FC5] =	sst s2  }
0x8f: {  	_ = 	snop  }
0x90: {  	s2 =	sld [smem:$0x3FC9]  }
0x91: {  	s18 =	sld [smem:$0x3FD0];
	(tm) =	ssettm $0x1  }
0x92: {  	s4 =	sld [smem:$0x3FFB];
	_ =	sdelay $0x3  }
0x93: {  	_ =	strace s4  }
0x94: {  	s4 =	sld [smem:$0x3FFC];
	_ =	sdelay $0x3  }
0x95: {  	_ =	strace s4  }
0x96: {  	s4 =	sld [smem:$0x3FFD];
	_ =	sdelay $0x3  }
0x97: {  	_ =	strace s4  }
0x98: {  	_ =	strace $0x8FFFFFFF  }
0x99: {  	s19 =	sld [smem:$0x3FDB];
	_ =	sdelay $0x1  }
0x9a: {  	s5 =	simm.s32 $_scs_section_size  }
0x9b: {  	s6 =	simm.s32 $_size__tile_overlayer_lowered;
	s7 =	simm.s32 $_tile_overlayer_lowered  }
0x9c: {  	s22 =	simm.s32 $0x1BFF;
	s21 =	sshll.u32 s7, $0x1;
	s4 =	sadd.s32 s5, s19  }
0x9d: {  	s8 =	simm.s32 $0x0;
	s20 =	sshll.u32 s6, $0x1;
	s6 =	sadd.s32 s21, s4  }
0x9e: {  	[timem:s8], [sflag:s22] =	dma.local [hbm:s6], s20  }
0x9f: {  	_ =	swait.ge [sflag:s22], s20  }
0xa0: {  	s5 =	ssub.s32 $0x0, s20;
	[sflag:s22] =	ssyncset.done $0x0  }
0xa1: {  	[sflag:s22] =	ssyncadd.s32 s5;
	_ =	sdelay $0x1  }
0xa2: {  	s23 =	simm.s32 $0x1B8B  }
0xa3: {  	_ =	swait.ge [sflag:s23], $0x1  }
0xa4: {  	[sflag:s23] =	ssyncset.done $0x0  }
0xa5: {  	s25 =	simm.s32 $0x1B8E;
	s24 =	sld [smem:$0x3FFE];
	[sflag:s23] =	ssyncadd.s32 $0xFFFFFFFF  }
0xa6: {  	s26 =	simm.s32 $execute0_lowered;
	[smem:$0x3FD2] =	sst s25  }
0xa7: {  	s6 =	sshll.u32 s26, $0x1;
	_ =	strace $0x80000046;
	[dreg:$0x1] =	wrdreg $0xFFFFFFFF  }
0xa8: {  	s28 =	simm.s32 $_size_execute0_lowered;
	s4 =	sadd.s32 s4, s6;
	[dreg:$0x0] =	wrdreg $0x0  }
0xa9: {  	s6 =	sshll.u32 s28, $0x1;
	[dreg:$0x2] =	wrdreg s4  }
0xaa: {  	[dreg:$0x3] =	wrdreg s6  }
0xab: {  	[dreg:$0x4] =	wrdreg $0xC0  }
0xac: {  	_ =	task [dreg:s8], $0x5FFFF  }
0xad: {  	[dreg:$0x1] =	wrdreg $0xFFFFFFFF  }
0xae: {  	[dreg:$0x0] =	wrdreg $0x60  }
0xaf: {  	[dreg:$0x2] =	wrdreg s18  }
0xb0: {  	[dreg:$0x3] =	wrdreg s2  }
0xb1: {  	[dreg:$0x4] =	wrdreg s24  }
0xb2: {  	[dreg:$0x5] =	wrdreg $0x9  }
0xb3: {  	_ =	task.clear_ibuf [dreg:s8], $0x6FFFF;
	_ =	strace $0x90000046  }
0xb4: {  	s29 =	simm.s32 $0x9;
	_ =	strace $0x80000048  }
0xb5: {  	_ =	swait.ge [sflag:s29], $0x1  }
0xb6: {  	[sflag:s29] =	ssyncadd.s32 $0xFFFFFFFF  }
0xb7: {  	_ =	strace $0x90000048  }
0xb8: {  	_ =	sfence  }
0xb9: {  	s30 =	sld [smem:$0x0];
	_ =	sdelay $0x2  }
0xba: {  	s31 =	sshll.u32 s1, $0xD;
	s1 =	sshrl.u32 s1, $0x2  }
0xbb: {  	s3 =	sand.u32 $0x4000, s31;
	s1 =	sadd.s32 s1, s30  }
0xbc: {  	s0 =	sor.u32 s3, s0;
	s1 =	sshll.u32 s1, $0x11  }
0xbd: {  	s0 =	sor.u32 s1, s0  }
0xbe: {  	s0 =	sadd.s32 $0x8F2B, s0  }
0xbf: {  	[sflag:s0] =	ssyncadd.remote.s32 $0x1  }
0xc0: {  	_ =	sfence.sel $0xFFFF  }
0xc1: {  	[dreg:$0x0] =	wrdreg $0xFFFFFFFF;
	(pc) =	sbr.abs _section_cstart, $3  }
0xc2: {  	[dreg:$0x1] =	wrdreg $0xFFFFFFFF  }
0xc3: {  	_ =	task.clear_ibuf [dreg:s8], $0x2FFFF;
	_ =	strace $0x9FFFFFFF  }
0xc4: {  	(tm) =	ssettm $0x7FFFFFFF  }
0xc5: {  	_ =	shalt  }
tec
execute0_lowered:
.L_overlay_start_1:
0x0: {  	(tag) =	ssettag $0x1  }
0x1: {  	s0 =	rddreg [dreg:$0x0]  }
0x2: {  	s1 =	rddreg [dreg:$0x1]  }
0x3: {  	s4 =	rddreg [dreg:$0x2];
	s2 =	simm.s32 $0x0  }
0x4: {  	s3 =	srdreg.scid;
	s6 =	stileid.u32;
	s16 =	simm.s32 $0x1  }
0x5: {  	[smem:$0x7FF] =	sst s2;
	s5 =	sand.u32 $0x1, s3;
	s22 =	sshll.u32 s6, $0x1  }
0x6: {  	s3 =	sadd.s32 $0x1200, s4;
	s8 =	sadd.s32 $0x1600, s4;
	s6 =	sor.u32 s5, s22  }
0x7: {  	s9 =	sadd.s32 $0x1700, s4;
	s11 =	sadd.s32 $0x1900, s4;
	s7 =	sshll.u32 s6, $0x7  }
0x8: {  	_ =	strace $0x80000047;
	s6 =	sshll.u32 s6, $0xF;
	s0 =	sadd.s32 s0, s7  }
0x9: {  	s5 =	ssub.s32 $0x2, s5;
	s10 =	sadd.s32 s1, s6;
	[dreg:$0x4] =	wrdreg s0  }
0xa: {  	s23 =	sshrl.u32 s5, $0x1;
	s24 =	sadd.s32 $0x1000, s10;
	[dreg:$0xc] =	wrdreg s10  }
0xb: {  	s1 =	ssub.s32 s5, s23;
	s25 =	sadd.s32 $0x2000, s10;
	[dreg:$0x5] =	wrdreg s24  }
0xc: {  	s5 =	sadd.s32 $0x1300, s4;
	s26 =	sadd.s32 $0x3000, s10;
	[dreg:$0x6] =	wrdreg s25  }
0xd: {  	s6 =	sadd.s32 $0x1400, s4;
	s28 =	sadd.s32 $0x4000, s10;
	[dreg:$0x7] =	wrdreg s26  }
0xe: {  	s7 =	sadd.s32 $0x1500, s4;
	s29 =	sadd.s32 $0x5000, s10;
	[dreg:$0x8] =	wrdreg s28  }
0xf: {  	v2 =	vlaneseq.u32;
	s30 =	sadd.s32 $0x6000, s10;
	s31 =	sadd.s32 $0x7000, s10;
	[dreg:$0x9] =	wrdreg s29  }
0x10: {  	vm0 =	vmmov $0xffff;
	v1 =	vshrl.u32 v2, $0x3;
	s10 =	sadd.s32 $0x1800, s4;
	s12 =	smax.u32 s1, $0x1;
	[dreg:$0xa] =	wrdreg s30  }
0x11: {  	v0 =	vand.u32 $0x7, v2;
	v2 =	vor.u32 $0x8, v2;
	v1 =	vmul.u32 $0x8, v1;
	s1 =	simm.s32 $0x2;
	s4 =	simm.s32 $0x8400;
	[dreg:$0xb] =	wrdreg s31  }
.LBB2_1:
0x12: {  	s31 =	rddreg [dreg:$0x4];
	s0 =	simm.s32 $0x3  }
0x13: {  	[tilespmem:s2], [sflag:$0x3] =	stream.linear.gather [hbm4b:s31+s2], $0x400, $0x38;
	[tilespmem:$0x10400] =	vst v63  }
0x14: {  	_ =	swait.ge [sflag:s0], $0x400  }
0x15: {  	[sflag:s0] =	ssyncset.done $0x0  }
0x16: {  	s15 =	simm.s32 $0x400;
	s13 =	rddreg [dreg:$0xc];
	[sflag:s0] =	ssyncadd.s32 $0xFFFFFC00  }
0x17: {  	[tilespmem:s15], [sflag:$0x1] =	stream.linear.gather [hbm4b:s13+s2], $0x8000, $0x38;
	[tilespmem:$0x10400] =	vst v63  }
0x18: {  	s30 =	rddreg [dreg:$0x5]  }
0x19: {  	[tilespmem:s4], [sflag:$0x1] =	stream.linear.gather [hbm4b:s30+s2], $0x8000, $0x38;
	[tilespmem:$0x10400] =	vst v63  }
0x1a: {  	_ =	swait.ge [sflag:s16], $0x8000  }
0x1b: {  	[sflag:s16] =	ssyncset.done $0x0  }
0x1c: {  	[sflag:s16] =	ssyncadd.s32 $0xFFFF8000  }
0x1d: {  	v3 =	vld [tilespmem:$0x0];
	_ =	sdelay $0x4  }
0x1e: {  	v4 =	vshll.u32 v3, $0x4  }
0x1f: {  	v3 =	vand.u32 $0x7, v3;
	v4 =	vand.u32 $0xFFFFFF80, v4  }
0x20: {  	v3 =	vor.u32 v3, v4  }
0x21: {  	v4 =	vperm.xlane v3, v0;
	_ =	sdelay $0x1  }
0x22: {  	v4 =	vadd.s32 v1, v4;
	_ =	sdelay $0x4  }
0x23: {  	[hbm4b:s3+s2] =	stream.indirect_vreg.scatter [tilespmem:s15], [sflag:$0x2], $0x80, v4, vm0, $0xb8;
	[tilespmem:$0x10400] =	vst v63  }
0x24: {  	s14 =	simm.s32 $0xC00  }
0x25: {  	[hbm4b:s5+s2] =	stream.indirect_vreg.scatter [tilespmem:s14], [sflag:$0x2], $0x80, v4, vm0, $0xb8;
	[tilespmem:$0x10400] =	vst v63  }
0x26: {  	s17 =	simm.s32 $0x1400  }
0x27: {  	[hbm4b:s6+s2] =	stream.indirect_vreg.scatter [tilespmem:s17], [sflag:$0x2], $0x80, v4, vm0, $0xb8;
	[tilespmem:$0x10400] =	vst v63  }
0x28: {  	s18 =	simm.s32 $0x1C00  }
0x29: {  	[hbm4b:s7+s2] =	stream.indirect_vreg.scatter [tilespmem:s18], [sflag:$0x2], $0x80, v4, vm0, $0xb8;
	[tilespmem:$0x10400] =	vst v63  }
0x2a: {  	s19 =	simm.s32 $0x2400  }
0x2b: {  	[hbm4b:s8+s2] =	stream.indirect_vreg.scatter [tilespmem:s19], [sflag:$0x2], $0x80, v4, vm0, $0xb8;
	[tilespmem:$0x10400] =	vst v63  }
0x2c: {  	s20 =	simm.s32 $0x2C00;
	v3 =	vperm.xlane v3, v2  }
0x2d: {  	[hbm4b:s9+s2] =	stream.indirect_vreg.scatter [tilespmem:s20], [sflag:$0x2], $0x80, v4, vm0, $0xb8;
	[tilespmem:$0x10400] =	vst v63  }
0x2e: {  	s21 =	simm.s32 $0x3400;
	v3 =	vadd.s32 v1, v3  }
0x2f: {  	[hbm4b:s10+s2] =	stream.indirect_vreg.scatter [tilespmem:s21], [sflag:$0x2], $0x80, v4, vm0, $0xb8;
	[tilespmem:$0x10400] =	vst v63  }
0x30: {  	s22 =	simm.s32 $0x3C00  }
0x31: {  	[hbm4b:s11+s2] =	stream.indirect_vreg.scatter [tilespmem:s22], [sflag:$0x2], $0x80, v4, vm0, $0xb8;
	[tilespmem:$0x10400] =	vst v63  }
0x32: {  	s23 =	simm.s32 $0x4400  }
0x33: {  	[hbm4b:s3+s2] =	stream.indirect_vreg.scatter [tilespmem:s23], [sflag:$0x2], $0x80, v3, vm0, $0xb8;
	[tilespmem:$0x10400] =	vst v63  }
0x34: {  	s24 =	simm.s32 $0x4C00  }
0x35: {  	[hbm4b:s5+s2] =	stream.indirect_vreg.scatter [tilespmem:s24], [sflag:$0x2], $0x80, v3, vm0, $0xb8;
	[tilespmem:$0x10400] =	vst v63  }
0x36: {  	s25 =	simm.s32 $0x5400  }
0x37: {  	[hbm4b:s6+s2] =	stream.indirect_vreg.scatter [tilespmem:s25], [sflag:$0x2], $0x80, v3, vm0, $0xb8;
	[tilespmem:$0x10400] =	vst v63  }
0x38: {  	s26 =	simm.s32 $0x5C00  }
0x39: {  	[hbm4b:s7+s2] =	stream.indirect_vreg.scatter [tilespmem:s26], [sflag:$0x2], $0x80, v3, vm0, $0xb8;
	[tilespmem:$0x10400] =	vst v63  }
0x3a: {  	s28 =	simm.s32 $0x6400  }
0x3b: {  	[hbm4b:s8+s2] =	stream.indirect_vreg.scatter [tilespmem:s28], [sflag:$0x2], $0x80, v3, vm0, $0xb8;
	[tilespmem:$0x10400] =	vst v63  }
0x3c: {  	s29 =	simm.s32 $0x6C00  }
0x3d: {  	[hbm4b:s9+s2] =	stream.indirect_vreg.scatter [tilespmem:s29], [sflag:$0x2], $0x80, v3, vm0, $0xb8;
	[tilespmem:$0x10400] =	vst v63  }
0x3e: {  	s30 =	simm.s32 $0x7400  }
0x3f: {  	[hbm4b:s10+s2] =	stream.indirect_vreg.scatter [tilespmem:s30], [sflag:$0x2], $0x80, v3, vm0, $0xb8;
	[tilespmem:$0x10400] =	vst v63  }
0x40: {  	s31 =	simm.s32 $0x7C00  }
0x41: {  	[hbm4b:s11+s2] =	stream.indirect_vreg.scatter [tilespmem:s31], [sflag:$0x2], $0x80, v3, vm0, $0xb8;
	[tilespmem:$0x10400] =	vst v63  }
0x42: {  	_ =	swait.ge [sflag:s1], $0x8000  }
0x43: {  	[sflag:s1] =	ssyncset.done $0x0  }
0x44: {  	s13 =	rddreg [dreg:$0x6];
	[sflag:s1] =	ssyncadd.s32 $0xFFFF8000  }
0x45: {  	[tilespmem:s15], [sflag:$0x1] =	stream.linear.gather [hbm4b:s13+s2], $0x8000, $0x38;
	[tilespmem:$0x10400] =	vst v63  }
0x46: {  	_ =	swait.ge [sflag:s16], $0x8000  }
0x47: {  	[sflag:s16] =	ssyncset.done $0x0  }
0x48: {  	[sflag:s16] =	ssyncadd.s32 $0xFFFF8000  }
0x49: {  	v3 =	vld [tilespmem:$0x80];
	_ =	sdelay $0x4  }
0x4a: {  	v57 =	vshll.u32 v3, $0x4  }
0x4b: {  	v3 =	vand.u32 $0x7, v3;
	v4 =	vand.u32 $0xFFFFFF80, v57  }
0x4c: {  	v3 =	vor.u32 v3, v4  }
0x4d: {  	v4 =	vperm.xlane v3, v0;
	_ =	sdelay $0x1  }
0x4e: {  	v4 =	vadd.s32 v1, v4;
	_ =	sdelay $0x4  }
0x4f: {  	[hbm4b:s3+s2] =	stream.indirect_vreg.scatter [tilespmem:s4], [sflag:$0x2], $0x80, v4, vm0, $0xb8;
	[tilespmem:$0x10400] =	vst v63  }
0x50: {  	s18 =	simm.s32 $0x8C00  }
0x51: {  	[hbm4b:s5+s2] =	stream.indirect_vreg.scatter [tilespmem:s18], [sflag:$0x2], $0x80, v4, vm0, $0xb8;
	[tilespmem:$0x10400] =	vst v63  }
0x52: {  	s19 =	simm.s32 $0x9400  }
0x53: {  	[hbm4b:s6+s2] =	stream.indirect_vreg.scatter [tilespmem:s19], [sflag:$0x2], $0x80, v4, vm0, $0xb8;
	[tilespmem:$0x10400] =	vst v63  }
0x54: {  	s20 =	simm.s32 $0x9C00  }
0x55: {  	[hbm4b:s7+s2] =	stream.indirect_vreg.scatter [tilespmem:s20], [sflag:$0x2], $0x80, v4, vm0, $0xb8;
	[tilespmem:$0x10400] =	vst v63  }
0x56: {  	s21 =	simm.s32 $0xA400  }
0x57: {  	[hbm4b:s8+s2] =	stream.indirect_vreg.scatter [tilespmem:s21], [sflag:$0x2], $0x80, v4, vm0, $0xb8;
	[tilespmem:$0x10400] =	vst v63  }
0x58: {  	s22 =	simm.s32 $0xAC00;
	v3 =	vperm.xlane v3, v2  }
0x59: {  	[hbm4b:s9+s2] =	stream.indirect_vreg.scatter [tilespmem:s22], [sflag:$0x2], $0x80, v4, vm0, $0xb8;
	[tilespmem:$0x10400] =	vst v63  }
0x5a: {  	s23 =	simm.s32 $0xB400;
	v3 =	vadd.s32 v1, v3  }
0x5b: {  	[hbm4b:s10+s2] =	stream.indirect_vreg.scatter [tilespmem:s23], [sflag:$0x2], $0x80, v4, vm0, $0xb8;
	[tilespmem:$0x10400] =	vst v63  }
0x5c: {  	s24 =	simm.s32 $0xBC00  }
0x5d: {  	[hbm4b:s11+s2] =	stream.indirect_vreg.scatter [tilespmem:s24], [sflag:$0x2], $0x80, v4, vm0, $0xb8;
	[tilespmem:$0x10400] =	vst v63  }
0x5e: {  	s31 =	simm.s32 $0xC400  }
0x5f: {  	[hbm4b:s3+s2] =	stream.indirect_vreg.scatter [tilespmem:s31], [sflag:$0x2], $0x80, v3, vm0, $0xb8;
	[tilespmem:$0x10400] =	vst v63  }
0x60: {  	s13 =	simm.s32 $0xCC00  }
0x61: {  	[hbm4b:s5+s2] =	stream.indirect_vreg.scatter [tilespmem:s13], [sflag:$0x2], $0x80, v3, vm0, $0xb8;
	[tilespmem:$0x10400] =	vst v63  }
0x62: {  	s18 =	simm.s32 $0xD400  }
0x63: {  	[hbm4b:s6+s2] =	stream.indirect_vreg.scatter [tilespmem:s18], [sflag:$0x2], $0x80, v3, vm0, $0xb8;
	[tilespmem:$0x10400] =	vst v63  }
0x64: {  	s19 =	simm.s32 $0xDC00  }
0x65: {  	[hbm4b:s7+s2] =	stream.indirect_vreg.scatter [tilespmem:s19], [sflag:$0x2], $0x80, v3, vm0, $0xb8;
	[tilespmem:$0x10400] =	vst v63  }
0x66: {  	s20 =	simm.s32 $0xE400  }
0x67: {  	[hbm4b:s8+s2] =	stream.indirect_vreg.scatter [tilespmem:s20], [sflag:$0x2], $0x80, v3, vm0, $0xb8;
	[tilespmem:$0x10400] =	vst v63  }
0x68: {  	s21 =	simm.s32 $0xEC00  }
0x69: {  	[hbm4b:s9+s2] =	stream.indirect_vreg.scatter [tilespmem:s21], [sflag:$0x2], $0x80, v3, vm0, $0xb8;
	[tilespmem:$0x10400] =	vst v63  }
0x6a: {  	s22 =	simm.s32 $0xF400  }
0x6b: {  	[hbm4b:s10+s2] =	stream.indirect_vreg.scatter [tilespmem:s22], [sflag:$0x2], $0x80, v3, vm0, $0xb8;
	[tilespmem:$0x10400] =	vst v63  }
0x6c: {  	s23 =	simm.s32 $0xFC00  }
0x6d: {  	[hbm4b:s11+s2] =	stream.indirect_vreg.scatter [tilespmem:s23], [sflag:$0x2], $0x80, v3, vm0, $0xb8;
	[tilespmem:$0x10400] =	vst v63  }
0x6e: {  	_ =	swait.ge [sflag:s1], $0x8000  }
0x6f: {  	[sflag:s1] =	ssyncset.done $0x0  }
0x70: {  	s24 =	rddreg [dreg:$0x7];
	[sflag:s1] =	ssyncadd.s32 $0xFFFF8000  }
0x71: {  	[tilespmem:s4], [sflag:$0x1] =	stream.linear.gather [hbm4b:s24+s2], $0x8000, $0x38;
	[tilespmem:$0x10400] =	vst v63  }
0x72: {  	_ =	swait.ge [sflag:s16], $0x8000  }
0x73: {  	[sflag:s16] =	ssyncset.done $0x0  }
0x74: {  	[sflag:s16] =	ssyncadd.s32 $0xFFFF8000  }
0x75: {  	v3 =	vld [tilespmem:$0x100];
	_ =	sdelay $0x4  }
0x76: {  	v58 =	vshll.u32 v3, $0x4  }
0x77: {  	v3 =	vand.u32 $0x7, v3;
	v4 =	vand.u32 $0xFFFFFF80, v58  }
0x78: {  	v3 =	vor.u32 v3, v4  }
0x79: {  	v4 =	vperm.xlane v3, v0;
	_ =	sdelay $0x1  }
0x7a: {  	v4 =	vadd.s32 v1, v4;
	_ =	sdelay $0x4  }
0x7b: {  	[hbm4b:s3+s2] =	stream.indirect_vreg.scatter [tilespmem:s15], [sflag:$0x2], $0x80, v4, vm0, $0xb8;
	[tilespmem:$0x10400] =	vst v63  }
0x7c: {  	s0 =	simm.s32 $0xC00  }
0x7d: {  	[hbm4b:s5+s2] =	stream.indirect_vreg.scatter [tilespmem:s0], [sflag:$0x2], $0x80, v4, vm0, $0xb8;
	[tilespmem:$0x10400] =	vst v63  }
0x7e: {  	s13 =	simm.s32 $0x1400  }
0x7f: {  	[hbm4b:s6+s2] =	stream.indirect_vreg.scatter [tilespmem:s13], [sflag:$0x2], $0x80, v4, vm0, $0xb8;
	[tilespmem:$0x10400] =	vst v63  }
0x80: {  	s13 =	simm.s32 $0x1C00  }
0x81: {  	[hbm4b:s7+s2] =	stream.indirect_vreg.scatter [tilespmem:s13], [sflag:$0x2], $0x80, v4, vm0, $0xb8;
	[tilespmem:$0x10400] =	vst v63  }
0x82: {  	s14 =	simm.s32 $0x2400  }
0x83: {  	[hbm4b:s8+s2] =	stream.indirect_vreg.scatter [tilespmem:s14], [sflag:$0x2], $0x80, v4, vm0, $0xb8;
	[tilespmem:$0x10400] =	vst v63  }
0x84: {  	s17 =	simm.s32 $0x2C00;
	v3 =	vperm.xlane v3, v2  }
0x85: {  	[hbm4b:s9+s2] =	stream.indirect_vreg.scatter [tilespmem:s17], [sflag:$0x2], $0x80, v4, vm0, $0xb8;
	[tilespmem:$0x10400] =	vst v63  }
0x86: {  	v3 =	vadd.s32 v1, v3;
	s14 =	simm.s32 $0x3400  }
0x87: {  	[hbm4b:s10+s2] =	stream.indirect_vreg.scatter [tilespmem:s14], [sflag:$0x2], $0x80, v4, vm0, $0xb8;
	[tilespmem:$0x10400] =	vst v63  }
0x88: {  	s17 =	simm.s32 $0x3C00  }
0x89: {  	[hbm4b:s11+s2] =	stream.indirect_vreg.scatter [tilespmem:s17], [sflag:$0x2], $0x80, v4, vm0, $0xb8;
	[tilespmem:$0x10400] =	vst v63  }
0x8a: {  	s18 =	simm.s32 $0x4400  }
0x8b: {  	[hbm4b:s3+s2] =	stream.indirect_vreg.scatter [tilespmem:s18], [sflag:$0x2], $0x80, v3, vm0, $0xb8;
	[tilespmem:$0x10400] =	vst v63  }
0x8c: {  	s19 =	simm.s32 $0x4C00  }
0x8d: {  	[hbm4b:s5+s2] =	stream.indirect_vreg.scatter [tilespmem:s19], [sflag:$0x2], $0x80, v3, vm0, $0xb8;
	[tilespmem:$0x10400] =	vst v63  }
0x8e: {  	s20 =	simm.s32 $0x5400  }
0x8f: {  	[hbm4b:s6+s2] =	stream.indirect_vreg.scatter [tilespmem:s20], [sflag:$0x2], $0x80, v3, vm0, $0xb8;
	[tilespmem:$0x10400] =	vst v63  }
0x90: {  	s21 =	simm.s32 $0x5C00  }
0x91: {  	[hbm4b:s7+s2] =	stream.indirect_vreg.scatter [tilespmem:s21], [sflag:$0x2], $0x80, v3, vm0, $0xb8;
	[tilespmem:$0x10400] =	vst v63  }
0x92: {  	s22 =	simm.s32 $0x6400  }
0x93: {  	[hbm4b:s8+s2] =	stream.indirect_vreg.scatter [tilespmem:s22], [sflag:$0x2], $0x80, v3, vm0, $0xb8;
	[tilespmem:$0x10400] =	vst v63  }
0x94: {  	s23 =	simm.s32 $0x6C00  }
0x95: {  	[hbm4b:s9+s2] =	stream.indirect_vreg.scatter [tilespmem:s23], [sflag:$0x2], $0x80, v3, vm0, $0xb8;
	[tilespmem:$0x10400] =	vst v63  }
0x96: {  	s24 =	simm.s32 $0x7400  }
0x97: {  	[hbm4b:s10+s2] =	stream.indirect_vreg.scatter [tilespmem:s24], [sflag:$0x2], $0x80, v3, vm0, $0xb8;
	[tilespmem:$0x10400] =	vst v63  }
0x98: {  	s30 =	simm.s32 $0x7C00  }
0x99: {  	[hbm4b:s11+s2] =	stream.indirect_vreg.scatter [tilespmem:s30], [sflag:$0x2], $0x80, v3, vm0, $0xb8;
	[tilespmem:$0x10400] =	vst v63  }
0x9a: {  	_ =	swait.ge [sflag:s1], $0x8000  }
0x9b: {  	[sflag:s1] =	ssyncset.done $0x0  }
0x9c: {  	s30 =	rddreg [dreg:$0x8];
	[sflag:s1] =	ssyncadd.s32 $0xFFFF8000  }
0x9d: {  	[tilespmem:s15], [sflag:$0x1] =	stream.linear.gather [hbm4b:s30+s2], $0x8000, $0x38;
	[tilespmem:$0x10400] =	vst v63  }
0x9e: {  	_ =	swait.ge [sflag:s16], $0x8000  }
0x9f: {  	[sflag:s16] =	ssyncset.done $0x0  }
0xa0: {  	[sflag:s16] =	ssyncadd.s32 $0xFFFF8000  }
0xa1: {  	v3 =	vld [tilespmem:$0x180];
	_ =	sdelay $0x4  }
0xa2: {  	v59 =	vshll.u32 v3, $0x4  }
0xa3: {  	v3 =	vand.u32 $0x7, v3;
	v4 =	vand.u32 $0xFFFFFF80, v59  }
0xa4: {  	v3 =	vor.u32 v3, v4  }
0xa5: {  	v4 =	vperm.xlane v3, v0;
	_ =	sdelay $0x1  }
0xa6: {  	v4 =	vadd.s32 v1, v4;
	_ =	sdelay $0x4  }
0xa7: {  	[hbm4b:s3+s2] =	stream.indirect_vreg.scatter [tilespmem:s4], [sflag:$0x2], $0x80, v4, vm0, $0xb8;
	[tilespmem:$0x10400] =	vst v63  }
0xa8: {  	s26 =	simm.s32 $0x8C00  }
0xa9: {  	[hbm4b:s5+s2] =	stream.indirect_vreg.scatter [tilespmem:s26], [sflag:$0x2], $0x80, v4, vm0, $0xb8;
	[tilespmem:$0x10400] =	vst v63  }
0xaa: {  	s25 =	simm.s32 $0x9400  }
0xab: {  	[hbm4b:s6+s2] =	stream.indirect_vreg.scatter [tilespmem:s25], [sflag:$0x2], $0x80, v4, vm0, $0xb8;
	[tilespmem:$0x10400] =	vst v63  }
0xac: {  	s25 =	simm.s32 $0x9C00  }
0xad: {  	[hbm4b:s7+s2] =	stream.indirect_vreg.scatter [tilespmem:s25], [sflag:$0x2], $0x80, v4, vm0, $0xb8;
	[tilespmem:$0x10400] =	vst v63  }
0xae: {  	s28 =	simm.s32 $0xA400  }
0xaf: {  	[hbm4b:s8+s2] =	stream.indirect_vreg.scatter [tilespmem:s28], [sflag:$0x2], $0x80, v4, vm0, $0xb8;
	[tilespmem:$0x10400] =	vst v63  }
0xb0: {  	s29 =	simm.s32 $0xAC00;
	v3 =	vperm.xlane v3, v2  }
0xb1: {  	[hbm4b:s9+s2] =	stream.indirect_vreg.scatter [tilespmem:s29], [sflag:$0x2], $0x80, v4, vm0, $0xb8;
	[tilespmem:$0x10400] =	vst v63  }
0xb2: {  	v3 =	vadd.s32 v1, v3;
	s26 =	simm.s32 $0xB400  }
0xb3: {  	[hbm4b:s10+s2] =	stream.indirect_vreg.scatter [tilespmem:s26], [sflag:$0x2], $0x80, v4, vm0, $0xb8;
	[tilespmem:$0x10400] =	vst v63  }
0xb4: {  	s28 =	simm.s32 $0xBC00  }
0xb5: {  	[hbm4b:s11+s2] =	stream.indirect_vreg.scatter [tilespmem:s28], [sflag:$0x2], $0x80, v4, vm0, $0xb8;
	[tilespmem:$0x10400] =	vst v63  }
0xb6: {  	s29 =	simm.s32 $0xC400  }
0xb7: {  	[hbm4b:s3+s2] =	stream.indirect_vreg.scatter [tilespmem:s29], [sflag:$0x2], $0x80, v3, vm0, $0xb8;
	[tilespmem:$0x10400] =	vst v63  }
0xb8: {  	s30 =	simm.s32 $0xCC00  }
0xb9: {  	[hbm4b:s5+s2] =	stream.indirect_vreg.scatter [tilespmem:s30], [sflag:$0x2], $0x80, v3, vm0, $0xb8;
	[tilespmem:$0x10400] =	vst v63  }
0xba: {  	s31 =	simm.s32 $0xD400  }
0xbb: {  	[hbm4b:s6+s2] =	stream.indirect_vreg.scatter [tilespmem:s31], [sflag:$0x2], $0x80, v3, vm0, $0xb8;
	[tilespmem:$0x10400] =	vst v63  }
0xbc: {  	s31 =	simm.s32 $0xDC00  }
0xbd: {  	[hbm4b:s7+s2] =	stream.indirect_vreg.scatter [tilespmem:s31], [sflag:$0x2], $0x80, v3, vm0, $0xb8;
	[tilespmem:$0x10400] =	vst v63  }
0xbe: {  	s31 =	simm.s32 $0xE400  }
0xbf: {  	[hbm4b:s8+s2] =	stream.indirect_vreg.scatter [tilespmem:s31], [sflag:$0x2], $0x80, v3, vm0, $0xb8;
	[tilespmem:$0x10400] =	vst v63  }
0xc0: {  	s31 =	simm.s32 $0xEC00  }
0xc1: {  	[hbm4b:s9+s2] =	stream.indirect_vreg.scatter [tilespmem:s31], [sflag:$0x2], $0x80, v3, vm0, $0xb8;
	[tilespmem:$0x10400] =	vst v63  }
0xc2: {  	s31 =	simm.s32 $0xF400  }
0xc3: {  	[hbm4b:s10+s2] =	stream.indirect_vreg.scatter [tilespmem:s31], [sflag:$0x2], $0x80, v3, vm0, $0xb8;
	[tilespmem:$0x10400] =	vst v63  }
0xc4: {  	s31 =	simm.s32 $0xFC00  }
0xc5: {  	[hbm4b:s11+s2] =	stream.indirect_vreg.scatter [tilespmem:s31], [sflag:$0x2], $0x80, v3, vm0, $0xb8;
	[tilespmem:$0x10400] =	vst v63  }
0xc6: {  	_ =	swait.ge [sflag:s1], $0x8000  }
0xc7: {  	[sflag:s1] =	ssyncset.done $0x0  }
0xc8: {  	s31 =	rddreg [dreg:$0x9];
	[sflag:s1] =	ssyncadd.s32 $0xFFFF8000  }
0xc9: {  	[tilespmem:s4], [sflag:$0x1] =	stream.linear.gather [hbm4b:s31+s2], $0x8000, $0x38;
	[tilespmem:$0x10400] =	vst v63  }
0xca: {  	_ =	swait.ge [sflag:s16], $0x8000  }
0xcb: {  	[sflag:s16] =	ssyncset.done $0x0  }
0xcc: {  	[sflag:s16] =	ssyncadd.s32 $0xFFFF8000  }
0xcd: {  	v3 =	vld [tilespmem:$0x200];
	_ =	sdelay $0x4  }
0xce: {  	v60 =	vshll.u32 v3, $0x4  }
0xcf: {  	v3 =	vand.u32 $0x7, v3;
	v4 =	vand.u32 $0xFFFFFF80, v60  }
0xd0: {  	v3 =	vor.u32 v3, v4  }
0xd1: {  	v4 =	vperm.xlane v3, v0;
	_ =	sdelay $0x1  }
0xd2: {  	v4 =	vadd.s32 v1, v4;
	_ =	sdelay $0x4  }
0xd3: {  	[hbm4b:s3+s2] =	stream.indirect_vreg.scatter [tilespmem:s15], [sflag:$0x2], $0x80, v4, vm0, $0xb8;
	[tilespmem:$0x10400] =	vst v63  }
0xd4: {  	_ = 	snop  }
0xd5: {  	[hbm4b:s5+s2] =	stream.indirect_vreg.scatter [tilespmem:s0], [sflag:$0x2], $0x80, v4, vm0, $0xb8;
	[tilespmem:$0x10400] =	vst v63  }
0xd6: {  	s0 =	simm.s32 $0x1400  }
0xd7: {  	[hbm4b:s6+s2] =	stream.indirect_vreg.scatter [tilespmem:s0], [sflag:$0x2], $0x80, v4, vm0, $0xb8;
	[tilespmem:$0x10400] =	vst v63  }
0xd8: {  	_ = 	snop  }
0xd9: {  	[hbm4b:s7+s2] =	stream.indirect_vreg.scatter [tilespmem:s13], [sflag:$0x2], $0x80, v4, vm0, $0xb8;
	[tilespmem:$0x10400] =	vst v63  }
0xda: {  	s31 =	simm.s32 $0x2400  }
0xdb: {  	[hbm4b:s8+s2] =	stream.indirect_vreg.scatter [tilespmem:s31], [sflag:$0x2], $0x80, v4, vm0, $0xb8;
	[tilespmem:$0x10400] =	vst v63  }
0xdc: {  	v3 =	vperm.xlane v3, v2;
	s13 =	simm.s32 $0x2C00  }
0xdd: {  	[hbm4b:s9+s2] =	stream.indirect_vreg.scatter [tilespmem:s13], [sflag:$0x2], $0x80, v4, vm0, $0xb8;
	[tilespmem:$0x10400] =	vst v63  }
0xde: {  	v3 =	vadd.s32 v1, v3  }
0xdf: {  	[hbm4b:s10+s2] =	stream.indirect_vreg.scatter [tilespmem:s14], [sflag:$0x2], $0x80, v4, vm0, $0xb8;
	[tilespmem:$0x10400] =	vst v63  }
0xe0: {  	_ = 	snop  }
0xe1: {  	[hbm4b:s11+s2] =	stream.indirect_vreg.scatter [tilespmem:s17], [sflag:$0x2], $0x80, v4, vm0, $0xb8;
	[tilespmem:$0x10400] =	vst v63  }
0xe2: {  	_ = 	snop  }
0xe3: {  	[hbm4b:s3+s2] =	stream.indirect_vreg.scatter [tilespmem:s18], [sflag:$0x2], $0x80, v3, vm0, $0xb8;
	[tilespmem:$0x10400] =	vst v63  }
0xe4: {  	_ = 	snop  }
0xe5: {  	[hbm4b:s5+s2] =	stream.indirect_vreg.scatter [tilespmem:s19], [sflag:$0x2], $0x80, v3, vm0, $0xb8;
	[tilespmem:$0x10400] =	vst v63  }
0xe6: {  	_ = 	snop  }
0xe7: {  	[hbm4b:s6+s2] =	stream.indirect_vreg.scatter [tilespmem:s20], [sflag:$0x2], $0x80, v3, vm0, $0xb8;
	[tilespmem:$0x10400] =	vst v63  }
0xe8: {  	_ = 	snop  }
0xe9: {  	[hbm4b:s7+s2] =	stream.indirect_vreg.scatter [tilespmem:s21], [sflag:$0x2], $0x80, v3, vm0, $0xb8;
	[tilespmem:$0x10400] =	vst v63  }
0xea: {  	_ = 	snop  }
0xeb: {  	[hbm4b:s8+s2] =	stream.indirect_vreg.scatter [tilespmem:s22], [sflag:$0x2], $0x80, v3, vm0, $0xb8;
	[tilespmem:$0x10400] =	vst v63  }
0xec: {  	_ = 	snop  }
0xed: {  	[hbm4b:s9+s2] =	stream.indirect_vreg.scatter [tilespmem:s23], [sflag:$0x2], $0x80, v3, vm0, $0xb8;
	[tilespmem:$0x10400] =	vst v63  }
0xee: {  	_ = 	snop  }
0xef: {  	[hbm4b:s10+s2] =	stream.indirect_vreg.scatter [tilespmem:s24], [sflag:$0x2], $0x80, v3, vm0, $0xb8;
	[tilespmem:$0x10400] =	vst v63  }
0xf0: {  	s17 =	simm.s32 $0x7C00  }
0xf1: {  	[hbm4b:s11+s2] =	stream.indirect_vreg.scatter [tilespmem:s17], [sflag:$0x2], $0x80, v3, vm0, $0xb8;
	[tilespmem:$0x10400] =	vst v63  }
0xf2: {  	_ =	swait.ge [sflag:s1], $0x8000  }
0xf3: {  	[sflag:s1] =	ssyncset.done $0x0  }
0xf4: {  	s18 =	rddreg [dreg:$0xa];
	[sflag:s1] =	ssyncadd.s32 $0xFFFF8000  }
0xf5: {  	[tilespmem:s15], [sflag:$0x1] =	stream.linear.gather [hbm4b:s18+s2], $0x8000, $0x38;
	[tilespmem:$0x10400] =	vst v63  }
0xf6: {  	_ =	swait.ge [sflag:s16], $0x8000  }
0xf7: {  	[sflag:s16] =	ssyncset.done $0x0  }
0xf8: {  	[sflag:s16] =	ssyncadd.s32 $0xFFFF8000  }
0xf9: {  	v3 =	vld [tilespmem:$0x280];
	_ =	sdelay $0x4  }
0xfa: {  	v61 =	vshll.u32 v3, $0x4  }
0xfb: {  	v3 =	vand.u32 $0x7, v3;
	v4 =	vand.u32 $0xFFFFFF80, v61  }
0xfc: {  	v3 =	vor.u32 v3, v4  }
0xfd: {  	v4 =	vperm.xlane v3, v0;
	_ =	sdelay $0x1  }
0xfe: {  	v4 =	vadd.s32 v1, v4;
	_ =	sdelay $0x4  }
0xff: {  	[hbm4b:s3+s2] =	stream.indirect_vreg.scatter [tilespmem:s4], [sflag:$0x2], $0x80, v4, vm0, $0xb8;
	[tilespmem:$0x10400] =	vst v63  }
0x100: {  	s19 =	simm.s32 $0x8C00  }
0x101: {  	[hbm4b:s5+s2] =	stream.indirect_vreg.scatter [tilespmem:s19], [sflag:$0x2], $0x80, v4, vm0, $0xb8;
	[tilespmem:$0x10400] =	vst v63  }
0x102: {  	s20 =	simm.s32 $0x9400  }
0x103: {  	[hbm4b:s6+s2] =	stream.indirect_vreg.scatter [tilespmem:s20], [sflag:$0x2], $0x80, v4, vm0, $0xb8;
	[tilespmem:$0x10400] =	vst v63  }
0x104: {  	_ = 	snop  }
0x105: {  	[hbm4b:s7+s2] =	stream.indirect_vreg.scatter [tilespmem:s25], [sflag:$0x2], $0x80, v4, vm0, $0xb8;
	[tilespmem:$0x10400] =	vst v63  }
0x106: {  	s21 =	simm.s32 $0xA400  }
0x107: {  	[hbm4b:s8+s2] =	stream.indirect_vreg.scatter [tilespmem:s21], [sflag:$0x2], $0x80, v4, vm0, $0xb8;
	[tilespmem:$0x10400] =	vst v63  }
0x108: {  	s22 =	simm.s32 $0xAC00;
	v3 =	vperm.xlane v3, v2  }
0x109: {  	[hbm4b:s9+s2] =	stream.indirect_vreg.scatter [tilespmem:s22], [sflag:$0x2], $0x80, v4, vm0, $0xb8;
	[tilespmem:$0x10400] =	vst v63  }
0x10a: {  	v3 =	vadd.s32 v1, v3  }
0x10b: {  	[hbm4b:s10+s2] =	stream.indirect_vreg.scatter [tilespmem:s26], [sflag:$0x2], $0x80, v4, vm0, $0xb8;
	[tilespmem:$0x10400] =	vst v63  }
0x10c: {  	_ = 	snop  }
0x10d: {  	[hbm4b:s11+s2] =	stream.indirect_vreg.scatter [tilespmem:s28], [sflag:$0x2], $0x80, v4, vm0, $0xb8;
	[tilespmem:$0x10400] =	vst v63  }
0x10e: {  	_ = 	snop  }
0x10f: {  	[hbm4b:s3+s2] =	stream.indirect_vreg.scatter [tilespmem:s29], [sflag:$0x2], $0x80, v3, vm0, $0xb8;
	[tilespmem:$0x10400] =	vst v63  }
0x110: {  	_ = 	snop  }
0x111: {  	[hbm4b:s5+s2] =	stream.indirect_vreg.scatter [tilespmem:s30], [sflag:$0x2], $0x80, v3, vm0, $0xb8;
	[tilespmem:$0x10400] =	vst v63  }
0x112: {  	s31 =	simm.s32 $0xD400  }
0x113: {  	[hbm4b:s6+s2] =	stream.indirect_vreg.scatter [tilespmem:s31], [sflag:$0x2], $0x80, v3, vm0, $0xb8;
	[tilespmem:$0x10400] =	vst v63  }
0x114: {  	s0 =	simm.s32 $0xDC00  }
0x115: {  	[hbm4b:s7+s2] =	stream.indirect_vreg.scatter [tilespmem:s0], [sflag:$0x2], $0x80, v3, vm0, $0xb8;
	[tilespmem:$0x10400] =	vst v63  }
0x116: {  	s0 =	simm.s32 $0xE400  }
0x117: {  	[hbm4b:s8+s2] =	stream.indirect_vreg.scatter [tilespmem:s0], [sflag:$0x2], $0x80, v3, vm0, $0xb8;
	[tilespmem:$0x10400] =	vst v63  }
0x118: {  	s14 =	simm.s32 $0xEC00  }
0x119: {  	[hbm4b:s9+s2] =	stream.indirect_vreg.scatter [tilespmem:s14], [sflag:$0x2], $0x80, v3, vm0, $0xb8;
	[tilespmem:$0x10400] =	vst v63  }
0x11a: {  	s13 =	simm.s32 $0xF400  }
0x11b: {  	[hbm4b:s10+s2] =	stream.indirect_vreg.scatter [tilespmem:s13], [sflag:$0x2], $0x80, v3, vm0, $0xb8;
	[tilespmem:$0x10400] =	vst v63  }
0x11c: {  	s13 =	simm.s32 $0xFC00  }
0x11d: {  	[hbm4b:s11+s2] =	stream.indirect_vreg.scatter [tilespmem:s13], [sflag:$0x2], $0x80, v3, vm0, $0xb8;
	[tilespmem:$0x10400] =	vst v63  }
0x11e: {  	_ =	swait.ge [sflag:s1], $0x8000  }
0x11f: {  	[sflag:s1] =	ssyncset.done $0x0  }
0x120: {  	s31 =	rddreg [dreg:$0xb];
	[sflag:s1] =	ssyncadd.s32 $0xFFFF8000  }
0x121: {  	[tilespmem:s4], [sflag:$0x1] =	stream.linear.gather [hbm4b:s31+s2], $0x8000, $0x38;
	[tilespmem:$0x10400] =	vst v63  }
0x122: {  	_ =	swait.ge [sflag:s16], $0x8000  }
0x123: {  	[sflag:s16] =	ssyncset.done $0x0  }
0x124: {  	[sflag:s16] =	ssyncadd.s32 $0xFFFF8000  }
0x125: {  	v3 =	vld [tilespmem:$0x300];
	_ =	sdelay $0x4  }
0x126: {  	v62 =	vshll.u32 v3, $0x4  }
0x127: {  	v3 =	vand.u32 $0x7, v3;
	v4 =	vand.u32 $0xFFFFFF80, v62  }
0x128: {  	v3 =	vor.u32 v3, v4  }
0x129: {  	v4 =	vperm.xlane v3, v0;
	_ =	sdelay $0x1  }
0x12a: {  	v4 =	vadd.s32 v1, v4;
	_ =	sdelay $0x4  }
0x12b: {  	[hbm4b:s3+s2] =	stream.indirect_vreg.scatter [tilespmem:s15], [sflag:$0x2], $0x80, v4, vm0, $0xb8;
	[tilespmem:$0x10400] =	vst v63  }
0x12c: {  	s31 =	simm.s32 $0xC00  }
0x12d: {  	[hbm4b:s5+s2] =	stream.indirect_vreg.scatter [tilespmem:s31], [sflag:$0x2], $0x80, v4, vm0, $0xb8;
	[tilespmem:$0x10400] =	vst v63  }
0x12e: {  	s31 =	simm.s32 $0x1400  }
0x12f: {  	[hbm4b:s6+s2] =	stream.indirect_vreg.scatter [tilespmem:s31], [sflag:$0x2], $0x80, v4, vm0, $0xb8;
	[tilespmem:$0x10400] =	vst v63  }
0x130: {  	s31 =	simm.s32 $0x1C00  }
0x131: {  	[hbm4b:s7+s2] =	stream.indirect_vreg.scatter [tilespmem:s31], [sflag:$0x2], $0x80, v4, vm0, $0xb8;
	[tilespmem:$0x10400] =	vst v63  }
0x132: {  	s31 =	simm.s32 $0x2400  }
0x133: {  	[hbm4b:s8+s2] =	stream.indirect_vreg.scatter [tilespmem:s31], [sflag:$0x2], $0x80, v4, vm0, $0xb8;
	[tilespmem:$0x10400] =	vst v63  }
0x134: {  	v3 =	vperm.xlane v3, v2;
	s31 =	simm.s32 $0x2C00  }
0x135: {  	[hbm4b:s9+s2] =	stream.indirect_vreg.scatter [tilespmem:s31], [sflag:$0x2], $0x80, v4, vm0, $0xb8;
	[tilespmem:$0x10400] =	vst v63  }
0x136: {  	v3 =	vadd.s32 v1, v3;
	s31 =	simm.s32 $0x3400  }
0x137: {  	[hbm4b:s10+s2] =	stream.indirect_vreg.scatter [tilespmem:s31], [sflag:$0x2], $0x80, v4, vm0, $0xb8;
	[tilespmem:$0x10400] =	vst v63  }
0x138: {  	s31 =	simm.s32 $0x3C00  }
0x139: {  	[hbm4b:s11+s2] =	stream.indirect_vreg.scatter [tilespmem:s31], [sflag:$0x2], $0x80, v4, vm0, $0xb8;
	[tilespmem:$0x10400] =	vst v63  }
0x13a: {  	s31 =	simm.s32 $0x4400  }
0x13b: {  	[hbm4b:s3+s2] =	stream.indirect_vreg.scatter [tilespmem:s31], [sflag:$0x2], $0x80, v3, vm0, $0xb8;
	[tilespmem:$0x10400] =	vst v63  }
0x13c: {  	s31 =	simm.s32 $0x4C00  }
0x13d: {  	[hbm4b:s5+s2] =	stream.indirect_vreg.scatter [tilespmem:s31], [sflag:$0x2], $0x80, v3, vm0, $0xb8;
	[tilespmem:$0x10400] =	vst v63  }
0x13e: {  	s31 =	simm.s32 $0x5400  }
0x13f: {  	[hbm4b:s6+s2] =	stream.indirect_vreg.scatter [tilespmem:s31], [sflag:$0x2], $0x80, v3, vm0, $0xb8;
	[tilespmem:$0x10400] =	vst v63  }
0x140: {  	s31 =	simm.s32 $0x5C00  }
0x141: {  	[hbm4b:s7+s2] =	stream.indirect_vreg.scatter [tilespmem:s31], [sflag:$0x2], $0x80, v3, vm0, $0xb8;
	[tilespmem:$0x10400] =	vst v63  }
0x142: {  	s31 =	simm.s32 $0x6400  }
0x143: {  	[hbm4b:s8+s2] =	stream.indirect_vreg.scatter [tilespmem:s31], [sflag:$0x2], $0x80, v3, vm0, $0xb8;
	[tilespmem:$0x10400] =	vst v63  }
0x144: {  	s31 =	simm.s32 $0x6C00  }
0x145: {  	[hbm4b:s9+s2] =	stream.indirect_vreg.scatter [tilespmem:s31], [sflag:$0x2], $0x80, v3, vm0, $0xb8;
	[tilespmem:$0x10400] =	vst v63  }
0x146: {  	s24 =	simm.s32 $0x7400  }
0x147: {  	[hbm4b:s10+s2] =	stream.indirect_vreg.scatter [tilespmem:s24], [sflag:$0x2], $0x80, v3, vm0, $0xb8;
	[tilespmem:$0x10400] =	vst v63  }
0x148: {  	s31 =	simm.s32 $0x7C00  }
0x149: {  	[hbm4b:s11+s2] =	stream.indirect_vreg.scatter [tilespmem:s31], [sflag:$0x2], $0x80, v3, vm0, $0xb8;
	[tilespmem:$0x10400] =	vst v63  }
0x14a: {  	_ =	swait.ge [sflag:s1], $0x8000  }
0x14b: {  	[sflag:s1] =	ssyncset.done $0x0  }
0x14c: {  	[sflag:s1] =	ssyncadd.s32 $0xFFFF8000  }
0x14d: {  	_ =	swait.ge [sflag:s16], $0x8000  }
0x14e: {  	[sflag:s16] =	ssyncset.done $0x0  }
0x14f: {  	[sflag:s16] =	ssyncadd.s32 $0xFFFF8000  }
0x150: {  	v3 =	vld [tilespmem:$0x380];
	_ =	sdelay $0x4  }
0x151: {  	v63 =	vshll.u32 v3, $0x4  }
0x152: {  	v3 =	vand.u32 $0x7, v3;
	v4 =	vand.u32 $0xFFFFFF80, v63  }
0x153: {  	v3 =	vor.u32 v3, v4  }
0x154: {  	v4 =	vperm.xlane v3, v0;
	_ =	sdelay $0x1  }
0x155: {  	v4 =	vadd.s32 v1, v4;
	_ =	sdelay $0x4  }
0x156: {  	[hbm4b:s3+s2] =	stream.indirect_vreg.scatter [tilespmem:s4], [sflag:$0x2], $0x80, v4, vm0, $0xb8;
	[tilespmem:$0x10400] =	vst v63  }
0x157: {  	s23 =	simm.s32 $0x8C00  }
0x158: {  	[hbm4b:s5+s2] =	stream.indirect_vreg.scatter [tilespmem:s23], [sflag:$0x2], $0x80, v4, vm0, $0xb8;
	[tilespmem:$0x10400] =	vst v63  }
0x159: {  	s18 =	simm.s32 $0x9400  }
0x15a: {  	[hbm4b:s6+s2] =	stream.indirect_vreg.scatter [tilespmem:s18], [sflag:$0x2], $0x80, v4, vm0, $0xb8;
	[tilespmem:$0x10400] =	vst v63  }
0x15b: {  	s25 =	simm.s32 $0x9C00  }
0x15c: {  	[hbm4b:s7+s2] =	stream.indirect_vreg.scatter [tilespmem:s25], [sflag:$0x2], $0x80, v4, vm0, $0xb8;
	[tilespmem:$0x10400] =	vst v63  }
0x15d: {  	s20 =	simm.s32 $0xA400  }
0x15e: {  	[hbm4b:s8+s2] =	stream.indirect_vreg.scatter [tilespmem:s20], [sflag:$0x2], $0x80, v4, vm0, $0xb8;
	[tilespmem:$0x10400] =	vst v63  }
0x15f: {  	s21 =	simm.s32 $0xAC00;
	v3 =	vperm.xlane v3, v2  }
0x160: {  	[hbm4b:s9+s2] =	stream.indirect_vreg.scatter [tilespmem:s21], [sflag:$0x2], $0x80, v4, vm0, $0xb8;
	[tilespmem:$0x10400] =	vst v63  }
0x161: {  	s26 =	simm.s32 $0xB400;
	v3 =	vadd.s32 v1, v3  }
0x162: {  	[hbm4b:s10+s2] =	stream.indirect_vreg.scatter [tilespmem:s26], [sflag:$0x2], $0x80, v4, vm0, $0xb8;
	[tilespmem:$0x10400] =	vst v63  }
0x163: {  	s28 =	simm.s32 $0xBC00  }
0x164: {  	[hbm4b:s11+s2] =	stream.indirect_vreg.scatter [tilespmem:s28], [sflag:$0x2], $0x80, v4, vm0, $0xb8;
	[tilespmem:$0x10400] =	vst v63  }
0x165: {  	s29 =	simm.s32 $0xC400  }
0x166: {  	[hbm4b:s3+s2] =	stream.indirect_vreg.scatter [tilespmem:s29], [sflag:$0x2], $0x80, v3, vm0, $0xb8;
	[tilespmem:$0x10400] =	vst v63  }
0x167: {  	s30 =	simm.s32 $0xCC00  }
0x168: {  	[hbm4b:s5+s2] =	stream.indirect_vreg.scatter [tilespmem:s30], [sflag:$0x2], $0x80, v3, vm0, $0xb8;
	[tilespmem:$0x10400] =	vst v63  }
0x169: {  	s22 =	simm.s32 $0xD400  }
0x16a: {  	[hbm4b:s6+s2] =	stream.indirect_vreg.scatter [tilespmem:s22], [sflag:$0x2], $0x80, v3, vm0, $0xb8;
	[tilespmem:$0x10400] =	vst v63  }
0x16b: {  	s17 =	simm.s32 $0xDC00  }
0x16c: {  	[hbm4b:s7+s2] =	stream.indirect_vreg.scatter [tilespmem:s17], [sflag:$0x2], $0x80, v3, vm0, $0xb8;
	[tilespmem:$0x10400] =	vst v63  }
0x16d: {  	_ = 	snop  }
0x16e: {  	[hbm4b:s8+s2] =	stream.indirect_vreg.scatter [tilespmem:s0], [sflag:$0x2], $0x80, v3, vm0, $0xb8;
	[tilespmem:$0x10400] =	vst v63  }
0x16f: {  	_ = 	snop  }
0x170: {  	[hbm4b:s9+s2] =	stream.indirect_vreg.scatter [tilespmem:s14], [sflag:$0x2], $0x80, v3, vm0, $0xb8;
	[tilespmem:$0x10400] =	vst v63  }
0x171: {  	p0 =	sne.s32 s12, $0x1;
	s19 =	simm.s32 $0xF400  }
0x172: {  	[hbm4b:s10+s2] =	stream.indirect_vreg.scatter [tilespmem:s19], [sflag:$0x2], $0x80, v3, vm0, $0xb8;
	[tilespmem:$0x10400] =	vst v63  }
.Ltmp0:
0x173: {  	_ = 	snop;
	(pc) =	sbr.rel @p0 .LBB2_1-.Ltmp0, $4  }
0x174: {  	[hbm4b:s11+s2] =	stream.indirect_vreg.scatter [tilespmem:s13], [sflag:$0x2], $0x80, v3, vm0, $0xb8;
	[tilespmem:$0x10400] =	vst v63  }
0x175: {  	_ =	swait.ge [sflag:s1], $0x8000  }
0x176: {  	[sflag:s1] =	ssyncset.done $0x0  }
0x177: {  	s12 =	sadd.s32 $0xFFFFFFFF, s12;
	[sflag:s1] =	ssyncadd.s32 $0xFFFF8000  }
0x178: {  	_ =	sfence.sel $0x180000  }
0x179: {  	[bflag:$0x0] =	sbarrier.arrive $0xFFFF  }
0x17a: {  	_ =	strace $0x90000047  }
0x17b: {  	s0 =	stileid.u32;
	[bflag:$0x2] =	sbarrier.arrive $0xFFFF  }
0x17c: {  	p0 =	sne.s32 s0, $0x0;
	s0 =	rddreg [dreg:$0x3]  }
0x17d: {  	s0 =	sadd.s32 @!p0 $0x100000, s0  }
0x17e: {  	[sflag:s0] =	ssyncadd.tile.s32 @!p0 $0x1;
	_ =	shalt  }
.Lfunc_end2:
_tile_overlayer_lowered:
.L_overlay_start_2:
0x17f: {  	(tag) =	ssettag $0x2  }
0x180: {  	s0 =	rddreg [dreg:$0x0];
	s2 =	stileid.u32  }
0x181: {  	s1 =	rddreg [dreg:$0x1];
	p0 =	sne.s32 s2, $0x0  }
0x182: {  	s3 =	rddreg [dreg:$0x2];
	[bflag:$0x3] =	sbarrier.arrive $0xFFFF;
	s2 =	simm.s32 @!p0 $0x1C03  }
0x183: {  	[timem:s3], [sflag:s2] =	dma.local @!p0 [hbm:s0], s1  }
0x184: {  	s0 =	simm.s32 @!p0 $0x3  }
0x185: {  	_ =	swait.ge @!p0 [sflag:s0], s1  }
0x186: {  	s1 =	ssub.s32 @!p0 $0x0, s1;
	[sflag:s0] =	ssyncset.done @!p0 $0x0  }
0x187: {  	[sflag:s0] =	ssyncadd.s32 @!p0 s1  }
0x188: {  	[bflag:$0x3] =	sbarrier.arrive $0xFFFF  }
0x189: {  	_ =	shalt  }

// kernel: kernel.9.cloned.1.call-start
scs
__scs_entry_jumppad:
0x0: {  	(pc) =	sbr.rel $0x88, $3  }
0x1: {  	(tag) =	ssettag $0x0;
	lr =	simm.s32 $0x1  }
0x2: {  	[smem:$0x3F9E] =	sst lr;
	_ =	strace $0xD0000000  }
0x3: {  	_ = 	snop  }
0x4: {  	_ = 	snop  }
0x5: {  	_ = 	snop  }
0x6: {  	_ = 	snop  }
0x7: {  	_ = 	snop  }
__scs_overlays_trampoline_lowered:
0x8: {  	[smem:$0x3FAD] =	sst s0  }
0x9: {  	[smem:$0x3FAE] =	sst s1  }
0xa: {  	[smem:$0x3FAF] =	sst s2  }
0xb: {  	[smem:$0x3FB0] =	sst s3  }
0xc: {  	[smem:$0x3FB1] =	sst s4  }
0xd: {  	[smem:$0x3FB2] =	sst s5  }
0xe: {  	[smem:$0x3FB3] =	sst s6  }
0xf: {  	[smem:$0x3FB4] =	sst s7  }
0x10: {  	[smem:$0x3FB5] =	sst s8  }
0x11: {  	[smem:$0x3FB6] =	sst s9;
	s0 =	simm.s32 @!p0 $0x0  }
0x12: {  	s1 =	sld [smem:$0x3F9C];
	s0 =	simm.s32 @p0 $0x1  }
0x13: {  	[smem:$0x3FB7] =	sst s0;
	s0 =	simm.s32 @!p1 $0x0  }
0x14: {  	s2 =	sld [smem:$0x3F9B];
	s0 =	simm.s32 @p1 $0x1  }
0x15: {  	[smem:$0x3FB8] =	sst s0;
	s0 =	simm.s32 @!p2 $0x0  }
0x16: {  	s3 =	sld [smem:$0x3FDB];
	s0 =	simm.s32 @p2 $0x1  }
0x17: {  	s4 =	simm.s32 $0x1BF5;
	[smem:$0x3FBA] =	sst s0  }
0x18: {  	s0 =	sld [smem:$0x3F9D];
	_ =	swait.ge [sflag:s4], $0x0  }
0x19: {  	s7 =	sld [smem:$0x3F9E]  }
0x1a: {  	s8 =	sadd.s32 $0xFFFFE003, lr  }
0x1b: {  	s9 =	sadd.s32 $0xFFFFFEF7, lr;
	s5 =	simm.s32 $0xFFFFFFFF;
	p2 =	slt.u32 s8, $0xFFFFF086  }
0x1c: {  	p1 =	slt.u32 s9, $0xF7A;
	s5 =	simm.s32 @!p2 $0x0  }
0x1d: {  	s5 =	simm.s32 @p1 $0x1;
	p0 =	seq.s32 s7, s2  }
0x1e: {  	s7 =	smul.u32 @!p0 $0xF7A, s2;
	p2 =	seq.s32 @!p0 s5, $0x0  }
0x1f: {  	s9 =	smul.u32 $0xF7A, s1;
	s8 =	simm.s32 @!p0 $0x1BF5;
	p2 =	por !p2, p0  }
0x20: {  	[sflag:s8] =	ssyncset.s32 @!p0 $0xFFFFF086;
	s6 =	sadd.s32 @!p0 s3, s7;
	s7 =	simm.s32 @!p0 $0x108  }
0x21: {  	s3 =	sadd.s32 s3, s9;
	s6 =	sadd.s32 @!p0 $0x88, s6;
	s7 =	simm.s32 @p2 $0x1082  }
0x22: {  	[simem:s7], [sflag:s8] =	dma.local @!p0 [hbm:s6], $0xF7A  }
0x23: {  	s9 =	sor.u32 $0xD0000000, s2;
	s6 =	simm.s32 $0x108;
	_ =	swait.ge @!p0 [sflag:s8], $0x0  }
0x24: {  	s3 =	sadd.s32 $0x88, s3;
	s6 =	simm.s32 @!p1 $0x1082;
	[sflag:s4] =	ssyncset.s32 $0xFFFFF086  }
0x25: {  	[simem:s6], [sflag:s4] =	dma.local [hbm:s3], $0xF7A  }
0x26: {  	[smem:$0x3F9E] =	sst s1;
	(tag) =	ssettag s2;
	_ =	strace s9  }
0x27: {  	s1 =	sld [smem:$0x3FAE]  }
0x28: {  	s2 =	sld [smem:$0x3FAF]  }
0x29: {  	s4 =	sld [smem:$0x3FB1]  }
0x2a: {  	p0 =	seq.s32 s5, $0x0;
	s5 =	sld [smem:$0x3FB2]  }
0x2b: {  	s6 =	sld [smem:$0x3FB3]  }
0x2c: {  	s7 =	sld [smem:$0x3FB4]  }
0x2d: {  	s3 =	simm.s32 $0x108;
	s8 =	sld [smem:$0x3FB5]  }
0x2e: {  	s3 =	simm.s32 @!p0 $0x1082;
	s9 =	sld [smem:$0x3FB6]  }
0x2f: {  	lr =	sadd.s32 s0, s3;
	s0 =	sld [smem:$0x3FAD]  }
0x30: {  	s3 =	sld [smem:$0x3FB0]  }
0x31: {  	[smem:$0x3FB9] =	sst s10  }
0x32: {  	s10 =	sld [smem:$0x3FB7];
	_ =	sdelay $0x3  }
0x33: {  	p0 =	seq.s32 s10, $0x1;
	s10 =	sld [smem:$0x3FB9];
	_ =	sdelay $0x3  }
0x34: {  	[smem:$0x3FB9] =	sst s10  }
0x35: {  	s10 =	sld [smem:$0x3FB8];
	_ =	sdelay $0x3  }
0x36: {  	p1 =	seq.s32 s10, $0x1;
	s10 =	sld [smem:$0x3FB9];
	_ =	sdelay $0x3  }
0x37: {  	[smem:$0x3FB9] =	sst s10  }
0x38: {  	s10 =	sld [smem:$0x3FBA]  }
0x39: {  	_ = 	snop;
	(pc) =	sbr.ind lr, $3  }
0x3a: {  	_ = 	snop  }
0x3b: {  	_ = 	snop  }
0x3c: {  	p2 =	seq.s32 s10, $0x1;
	s10 =	sld [smem:$0x3FB9]  }
0x3d: {  	_ =	shalt  }
0x3e: {  	_ =	shalt  }
0x3f: {  	_ =	shalt  }
0x40: {  	_ =	shalt  }
0x41: {  	_ =	shalt  }
0x42: {  	_ =	shalt  }
0x43: {  	_ =	shalt  }
0x44: {  	_ =	shalt  }
0x45: {  	_ =	shalt  }
0x46: {  	_ =	shalt  }
0x47: {  	_ =	shalt  }
0x48: {  	_ =	shalt  }
0x49: {  	_ =	shalt  }
0x4a: {  	_ =	shalt  }
0x4b: {  	_ =	shalt  }
0x4c: {  	_ =	shalt  }
0x4d: {  	_ =	shalt  }
0x4e: {  	_ =	shalt  }
0x4f: {  	_ =	shalt  }
0x50: {  	_ =	shalt  }
0x51: {  	_ =	shalt  }
0x52: {  	_ =	shalt  }
0x53: {  	_ =	shalt  }
0x54: {  	_ =	shalt  }
0x55: {  	_ =	shalt  }
0x56: {  	_ =	shalt  }
0x57: {  	_ =	shalt  }
0x58: {  	_ =	shalt  }
0x59: {  	_ =	shalt  }
0x5a: {  	_ =	shalt  }
0x5b: {  	_ =	shalt  }
0x5c: {  	_ =	shalt  }
0x5d: {  	_ =	shalt  }
0x5e: {  	_ =	shalt  }
0x5f: {  	_ =	shalt  }
0x60: {  	_ =	shalt  }
0x61: {  	_ =	shalt  }
0x62: {  	_ =	shalt  }
0x63: {  	_ =	shalt  }
0x64: {  	_ =	shalt  }
0x65: {  	_ =	shalt  }
0x66: {  	_ =	shalt  }
0x67: {  	_ =	shalt  }
0x68: {  	_ =	shalt  }
0x69: {  	_ =	shalt  }
0x6a: {  	_ =	shalt  }
0x6b: {  	_ =	shalt  }
0x6c: {  	_ =	shalt  }
0x6d: {  	_ =	shalt  }
0x6e: {  	_ =	shalt  }
0x6f: {  	_ =	shalt  }
0x70: {  	_ =	shalt  }
0x71: {  	_ =	shalt  }
0x72: {  	_ =	shalt  }
0x73: {  	_ =	shalt  }
0x74: {  	_ =	shalt  }
0x75: {  	_ =	shalt  }
0x76: {  	_ =	shalt  }
0x77: {  	_ =	shalt  }
0x78: {  	_ =	shalt  }
0x79: {  	_ =	shalt  }
0x7a: {  	_ =	shalt  }
0x7b: {  	_ =	shalt  }
0x7c: {  	_ =	shalt  }
0x7d: {  	_ =	shalt  }
0x7e: {  	_ =	shalt  }
0x7f: {  	_ =	shalt  }
0x80: {  	_ =	shalt  }
0x81: {  	_ =	shalt  }
0x82: {  	_ =	shalt  }
0x83: {  	_ =	shalt  }
0x84: {  	_ =	shalt  }
0x85: {  	_ =	shalt  }
0x86: {  	_ =	shalt  }
0x87: {  	_ =	shalt  }
.Lfunc_end0:
.L_simem_size_0:
called_computation.1_lowered:
.L_overlay_start_0:
0x88: {  	s2 =	sld [smem:$0x3FD9]  }
0x89: {  	s3 =	sld [smem:$0x3FFE];
	_ =	sdelay $0x1  }
0x8a: {  	s1 =	srdreg.scid  }
0x8b: {  	s0 =	sand.u32 $0x1, s1  }
0x8c: {  	s17 =	sshll.u32 s0, $0xA;
	s2 =	sadd.s32 s3, s2  }
0x8d: {  	s2 =	sadd.s32 s2, s17  }
0x8e: {  	[smem:$0x3FC5] =	sst s2  }
0x8f: {  	_ = 	snop  }
0x90: {  	s2 =	sld [smem:$0x3FD0];
	(tm) =	ssettm $0x1  }
0x91: {  	s18 =	sld [smem:$0x3FFB];
	_ =	sdelay $0x3  }
0x92: {  	_ =	strace s18  }
0x93: {  	s3 =	sld [smem:$0x3FFC];
	_ =	sdelay $0x3  }
0x94: {  	_ =	strace s3  }
0x95: {  	s3 =	sld [smem:$0x3FFD];
	_ =	sdelay $0x3  }
0x96: {  	_ =	strace s3  }
0x97: {  	_ =	strace $0x8FFFFFFF  }
0x98: {  	s19 =	sld [smem:$0x3FDB];
	_ =	sdelay $0x1  }
0x99: {  	s4 =	simm.s32 $_scs_section_size  }
0x9a: {  	s5 =	simm.s32 $_size__tile_overlayer_lowered;
	s6 =	simm.s32 $_tile_overlayer_lowered  }
0x9b: {  	s22 =	simm.s32 $0x1BFF;
	s21 =	sshll.u32 s6, $0x1;
	s3 =	sadd.s32 s4, s19  }
0x9c: {  	s7 =	simm.s32 $0x0;
	s20 =	sshll.u32 s5, $0x1;
	s5 =	sadd.s32 s21, s3  }
0x9d: {  	[timem:s7], [sflag:s22] =	dma.local [hbm:s5], s20  }
0x9e: {  	_ =	swait.ge [sflag:s22], s20  }
0x9f: {  	s4 =	ssub.s32 $0x0, s20;
	[sflag:s22] =	ssyncset.done $0x0  }
0xa0: {  	[sflag:s22] =	ssyncadd.s32 s4;
	_ =	sdelay $0x1  }
0xa1: {  	s23 =	simm.s32 $0x1B8B  }
0xa2: {  	_ =	swait.ge [sflag:s23], $0x1  }
0xa3: {  	[sflag:s23] =	ssyncset.done $0x0  }
0xa4: {  	s25 =	simm.s32 $0x1B8E;
	s24 =	sld [smem:$0x3FFE];
	[sflag:s23] =	ssyncadd.s32 $0xFFFFFFFF  }
0xa5: {  	s26 =	simm.s32 $execute0_lowered;
	[smem:$0x3FD2] =	sst s25  }
0xa6: {  	s5 =	sshll.u32 s26, $0x1;
	_ =	strace $0x80000049;
	[dreg:$0x1] =	wrdreg $0xFFFFFFFF  }
0xa7: {  	s28 =	simm.s32 $_size_execute0_lowered;
	s3 =	sadd.s32 s3, s5;
	[dreg:$0x0] =	wrdreg $0x0  }
0xa8: {  	s5 =	sshll.u32 s28, $0x1;
	[dreg:$0x2] =	wrdreg s3  }
0xa9: {  	[dreg:$0x3] =	wrdreg s5  }
0xaa: {  	[dreg:$0x4] =	wrdreg $0xC0  }
0xab: {  	_ =	task [dreg:s7], $0x5FFFF  }
0xac: {  	[dreg:$0x1] =	wrdreg $0xFFFFFFFF  }
0xad: {  	[dreg:$0x0] =	wrdreg $0x60  }
0xae: {  	[dreg:$0x2] =	wrdreg s24  }
0xaf: {  	[dreg:$0x3] =	wrdreg s2  }
0xb0: {  	[dreg:$0x4] =	wrdreg $0x9  }
0xb1: {  	_ =	task.clear_ibuf [dreg:s7], $0x5FFFF;
	_ =	strace $0x90000049  }
0xb2: {  	s29 =	simm.s32 $0x9;
	_ =	strace $0x8000004B  }
0xb3: {  	_ =	swait.ge [sflag:s29], $0x1  }
0xb4: {  	[sflag:s29] =	ssyncadd.s32 $0xFFFFFFFF  }
0xb5: {  	_ =	strace $0x9000004B  }
0xb6: {  	_ =	sfence  }
0xb7: {  	s30 =	sld [smem:$0x0];
	_ =	sdelay $0x2  }
0xb8: {  	s31 =	sshll.u32 s1, $0xD;
	s1 =	sshrl.u32 s1, $0x2  }
0xb9: {  	s3 =	sand.u32 $0x4000, s31;
	s1 =	sadd.s32 s1, s30  }
0xba: {  	s0 =	sor.u32 s3, s0;
	s1 =	sshll.u32 s1, $0x11  }
0xbb: {  	s0 =	sor.u32 s1, s0  }
0xbc: {  	s0 =	sadd.s32 $0x8F2B, s0  }
0xbd: {  	[sflag:s0] =	ssyncadd.remote.s32 $0x1  }
0xbe: {  	_ =	sfence.sel $0xFFFF  }
0xbf: {  	[dreg:$0x0] =	wrdreg $0xFFFFFFFF;
	(pc) =	sbr.abs _section_cstart, $3  }
0xc0: {  	[dreg:$0x1] =	wrdreg $0xFFFFFFFF  }
0xc1: {  	_ =	task.clear_ibuf [dreg:s7], $0x2FFFF;
	_ =	strace $0x9FFFFFFF  }
0xc2: {  	(tm) =	ssettm $0x7FFFFFFF  }
0xc3: {  	_ =	shalt  }
tec
execute0_lowered:
.L_overlay_start_1:
0x0: {  	(tag) =	ssettag $0x1  }
0x1: {  	s0 =	rddreg [dreg:$0x0]  }
0x2: {  	s1 =	rddreg [dreg:$0x1];
	s2 =	srdreg.scid  }
0x3: {  	s3 =	stileid.u32;
	s4 =	sand.u32 $0x1, s2;
	s2 =	simm.s32 $0x0  }
0x4: {  	s3 =	sshll.u32 s3, $0x8;
	s7 =	sadd.s32 $0x21D500, s0;
	s5 =	sshll.u32 s4, $0x7  }
0x5: {  	s8 =	sadd.s32 $0x21D600, s0;
	s9 =	sadd.s32 $0x21D700, s0;
	s5 =	sor.u32 s5, s3  }
0x6: {  	s10 =	sadd.s32 $0x21D800, s0;
	s3 =	sshrl.u32 s5, $0x3;
	s5 =	sshll.u32 s5, $0x9  }
0x7: {  	[smem:$0x7FF] =	sst s2;
	s6 =	sadd.s32 s3, s0;
	s18 =	sadd.s32 s1, s5  }
0x8: {  	_ =	strace $0x8000004A;
	s6 =	sadd.s32 $0x1000, s6;
	[dreg:$0x13] =	wrdreg s18  }
0x9: {  	s11 =	sadd.s32 $0x21D900, s0;
	s5 =	sadd.s32 $0x1000, s18;
	[dreg:$0x3] =	wrdreg s6  }
0xa: {  	s12 =	sadd.s32 $0x21DA00, s0;
	s16 =	sadd.s32 $0x2000, s18;
	[dreg:$0x4] =	wrdreg s5  }
0xb: {  	s13 =	sadd.s32 $0x21DB00, s0;
	s17 =	sadd.s32 $0x3000, s18;
	[dreg:$0x5] =	wrdreg s16  }
0xc: {  	s14 =	sadd.s32 $0x21DC00, s0;
	s19 =	sadd.s32 $0x4000, s18;
	[dreg:$0x6] =	wrdreg s17  }
0xd: {  	s4 =	ssub.s32 $0x2, s4;
	s20 =	sadd.s32 $0x5000, s18;
	[dreg:$0x7] =	wrdreg s19  }
0xe: {  	s15 =	sshrl.u32 s4, $0x1;
	s21 =	sadd.s32 $0x6000, s18;
	[dreg:$0x8] =	wrdreg s20  }
0xf: {  	s3 =	sadd.s32 $0x21D200, s0;
	s22 =	sadd.s32 $0x7000, s18;
	[dreg:$0x9] =	wrdreg s21  }
0x10: {  	s1 =	ssub.s32 s4, s15;
	s23 =	sadd.s32 $0x8000, s18;
	[dreg:$0xa] =	wrdreg s22  }
0x11: {  	s15 =	sadd.s32 $0x21DD00, s0;
	s24 =	sadd.s32 $0x9000, s18;
	[dreg:$0xb] =	wrdreg s23  }
0x12: {  	s25 =	sadd.s32 $0xA000, s18;
	s26 =	sadd.s32 $0xB000, s18;
	[dreg:$0xc] =	wrdreg s24  }
0x13: {  	s28 =	sadd.s32 $0xC000, s18;
	s29 =	sadd.s32 $0xD000, s18;
	[dreg:$0xd] =	wrdreg s25  }
0x14: {  	s30 =	sadd.s32 $0xE000, s18;
	s31 =	sadd.s32 $0xF000, s18;
	[dreg:$0xe] =	wrdreg s26  }
0x15: {  	s18 =	sadd.s32 $0x21E000, s0;
	s4 =	smax.u32 s1, $0x1;
	[dreg:$0xf] =	wrdreg s28  }
0x16: {  	s1 =	simm.s32 $0x2;
	s5 =	sadd.s32 $0x21D300, s0;
	[dreg:$0x10] =	wrdreg s29  }
0x17: {  	v0 =	vlaneseq.u32;
	s6 =	sadd.s32 $0x21D400, s0;
	s16 =	sadd.s32 $0x21DE00, s0;
	[dreg:$0x11] =	wrdreg s30  }
0x18: {  	v1 =	vshrl.u32 v0, $0x3;
	s17 =	sadd.s32 $0x21DF00, s0;
	s19 =	sadd.s32 $0x21E100, s0;
	[dreg:$0x12] =	wrdreg s31  }
0x19: {  	vm0 =	vmmov $0xffff;
	v0 =	vand.u32 $0x7, v0;
	v1 =	vmul.u32 $0x8, v1;
	s22 =	simm.s32 $0x80;
	s26 =	simm.s32 $0x8080;
	s0 =	simm.s32 $0x1  }
.LBB2_1:
0x1a: {  	[dreg:$0x14] =	wrdreg s4  }
0x1b: {  	s30 =	rddreg [dreg:$0x3];
	s31 =	simm.s32 $0x3  }
0x1c: {  	[tilespmem:s2], [sflag:$0x3] =	stream.linear.gather [hbm4b:s30+s2], $0x80, $0x38;
	[tilespmem:$0x10080] =	vst v63  }
0x1d: {  	_ =	swait.ge [sflag:s31], $0x80  }
0x1e: {  	[sflag:s31] =	ssyncset.done $0x0  }
0x1f: {  	[sflag:s31] =	ssyncadd.s32 $0xFFFFFF80  }
0x20: {  	v2 =	vld.msk [tilespmem:$0x0], $0xff;
	_ =	sdelay $0x4  }
0x21: {  	v3 =	vshll.u32 v2, $0x5  }
0x22: {  	v2 =	vand.u32 $0x7, v2;
	v3 =	vand.u32 $0xFFFFFF00, v3  }
0x23: {  	v2 =	vor.u32 v2, v3  }
0x24: {  	v2 =	vperm.xlane v2, v0;
	_ =	sdelay $0x1  }
0x25: {  	v2 =	vadd.s32 v1, v2;
	_ =	sdelay $0x4  }
0x26: {  	[tilespmem:s22], [sflag:$0x1] =	stream.indirect_vreg.gather [hbm4b:s3+s2], $0x80, v2, vm0, $0xb8;
	[tilespmem:$0x10080] =	vst v63  }
0x27: {  	s20 =	simm.s32 $0x880  }
0x28: {  	[tilespmem:s20], [sflag:$0x1] =	stream.indirect_vreg.gather [hbm4b:s5+s2], $0x80, v2, vm0, $0xb8;
	[tilespmem:$0x10080] =	vst v63  }
0x29: {  	s21 =	simm.s32 $0x1080  }
0x2a: {  	[tilespmem:s21], [sflag:$0x1] =	stream.indirect_vreg.gather [hbm4b:s6+s2], $0x80, v2, vm0, $0xb8;
	[tilespmem:$0x10080] =	vst v63  }
0x2b: {  	s23 =	simm.s32 $0x1880  }
0x2c: {  	[tilespmem:s23], [sflag:$0x1] =	stream.indirect_vreg.gather [hbm4b:s7+s2], $0x80, v2, vm0, $0xb8;
	[tilespmem:$0x10080] =	vst v63  }
0x2d: {  	s24 =	simm.s32 $0x2080  }
0x2e: {  	[tilespmem:s24], [sflag:$0x1] =	stream.indirect_vreg.gather [hbm4b:s8+s2], $0x80, v2, vm0, $0xb8;
	[tilespmem:$0x10080] =	vst v63  }
0x2f: {  	s25 =	simm.s32 $0x2880  }
0x30: {  	[tilespmem:s25], [sflag:$0x1] =	stream.indirect_vreg.gather [hbm4b:s9+s2], $0x80, v2, vm0, $0xb8;
	[tilespmem:$0x10080] =	vst v63  }
0x31: {  	s28 =	simm.s32 $0x3080  }
0x32: {  	[tilespmem:s28], [sflag:$0x1] =	stream.indirect_vreg.gather [hbm4b:s10+s2], $0x80, v2, vm0, $0xb8;
	[tilespmem:$0x10080] =	vst v63  }
0x33: {  	s29 =	simm.s32 $0x3880  }
0x34: {  	[tilespmem:s29], [sflag:$0x1] =	stream.indirect_vreg.gather [hbm4b:s11+s2], $0x80, v2, vm0, $0xb8;
	[tilespmem:$0x10080] =	vst v63  }
0x35: {  	s30 =	simm.s32 $0x4080  }
0x36: {  	[tilespmem:s30], [sflag:$0x1] =	stream.indirect_vreg.gather [hbm4b:s12+s2], $0x80, v2, vm0, $0xb8;
	[tilespmem:$0x10080] =	vst v63  }
0x37: {  	s31 =	simm.s32 $0x4880  }
0x38: {  	[tilespmem:s31], [sflag:$0x1] =	stream.indirect_vreg.gather [hbm4b:s13+s2], $0x80, v2, vm0, $0xb8;
	[tilespmem:$0x10080] =	vst v63  }
0x39: {  	s20 =	simm.s32 $0x5080  }
0x3a: {  	[tilespmem:s20], [sflag:$0x1] =	stream.indirect_vreg.gather [hbm4b:s14+s2], $0x80, v2, vm0, $0xb8;
	[tilespmem:$0x10080] =	vst v63  }
0x3b: {  	s20 =	simm.s32 $0x5880  }
0x3c: {  	[tilespmem:s20], [sflag:$0x1] =	stream.indirect_vreg.gather [hbm4b:s15+s2], $0x80, v2, vm0, $0xb8;
	[tilespmem:$0x10080] =	vst v63  }
0x3d: {  	s20 =	simm.s32 $0x6080  }
0x3e: {  	[tilespmem:s20], [sflag:$0x1] =	stream.indirect_vreg.gather [hbm4b:s16+s2], $0x80, v2, vm0, $0xb8;
	[tilespmem:$0x10080] =	vst v63  }
0x3f: {  	s20 =	simm.s32 $0x6880  }
0x40: {  	[tilespmem:s20], [sflag:$0x1] =	stream.indirect_vreg.gather [hbm4b:s17+s2], $0x80, v2, vm0, $0xb8;
	[tilespmem:$0x10080] =	vst v63  }
0x41: {  	s20 =	simm.s32 $0x7080  }
0x42: {  	[tilespmem:s20], [sflag:$0x1] =	stream.indirect_vreg.gather [hbm4b:s18+s2], $0x80, v2, vm0, $0xb8;
	[tilespmem:$0x10080] =	vst v63  }
0x43: {  	s20 =	simm.s32 $0x7880  }
0x44: {  	[tilespmem:s20], [sflag:$0x1] =	stream.indirect_vreg.gather [hbm4b:s19+s2], $0x80, v2, vm0, $0xb8;
	[tilespmem:$0x10080] =	vst v63  }
0x45: {  	v2 =	vld.msk [tilespmem:$0x8], $0xff;
	_ =	sdelay $0x4  }
0x46: {  	v3 =	vshll.u32 v2, $0x5  }
0x47: {  	v2 =	vand.u32 $0x7, v2;
	v3 =	vand.u32 $0xFFFFFF00, v3  }
0x48: {  	v2 =	vor.u32 v2, v3  }
0x49: {  	v2 =	vperm.xlane v2, v0;
	_ =	sdelay $0x1  }
0x4a: {  	v2 =	vadd.s32 v1, v2;
	_ =	sdelay $0x4  }
0x4b: {  	[tilespmem:s26], [sflag:$0x1] =	stream.indirect_vreg.gather [hbm4b:s3+s2], $0x80, v2, vm0, $0xb8;
	[tilespmem:$0x10080] =	vst v63  }
0x4c: {  	s4 =	simm.s32 $0x8880  }
0x4d: {  	[tilespmem:s4], [sflag:$0x1] =	stream.indirect_vreg.gather [hbm4b:s5+s2], $0x80, v2, vm0, $0xb8;
	[tilespmem:$0x10080] =	vst v63  }
0x4e: {  	s4 =	simm.s32 $0x9080  }
0x4f: {  	[tilespmem:s4], [sflag:$0x1] =	stream.indirect_vreg.gather [hbm4b:s6+s2], $0x80, v2, vm0, $0xb8;
	[tilespmem:$0x10080] =	vst v63  }
0x50: {  	s4 =	simm.s32 $0x9880  }
0x51: {  	[tilespmem:s4], [sflag:$0x1] =	stream.indirect_vreg.gather [hbm4b:s7+s2], $0x80, v2, vm0, $0xb8;
	[tilespmem:$0x10080] =	vst v63  }
0x52: {  	s4 =	simm.s32 $0xA080  }
0x53: {  	[tilespmem:s4], [sflag:$0x1] =	stream.indirect_vreg.gather [hbm4b:s8+s2], $0x80, v2, vm0, $0xb8;
	[tilespmem:$0x10080] =	vst v63  }
0x54: {  	s4 =	simm.s32 $0xA880  }
0x55: {  	[tilespmem:s4], [sflag:$0x1] =	stream.indirect_vreg.gather [hbm4b:s9+s2], $0x80, v2, vm0, $0xb8;
	[tilespmem:$0x10080] =	vst v63  }
0x56: {  	s4 =	simm.s32 $0xB080  }
0x57: {  	[tilespmem:s4], [sflag:$0x1] =	stream.indirect_vreg.gather [hbm4b:s10+s2], $0x80, v2, vm0, $0xb8;
	[tilespmem:$0x10080] =	vst v63  }
0x58: {  	s4 =	simm.s32 $0xB880  }
0x59: {  	[tilespmem:s4], [sflag:$0x1] =	stream.indirect_vreg.gather [hbm4b:s11+s2], $0x80, v2, vm0, $0xb8;
	[tilespmem:$0x10080] =	vst v63  }
0x5a: {  	s4 =	simm.s32 $0xC080  }
0x5b: {  	[tilespmem:s4], [sflag:$0x1] =	stream.indirect_vreg.gather [hbm4b:s12+s2], $0x80, v2, vm0, $0xb8;
	[tilespmem:$0x10080] =	vst v63  }
0x5c: {  	s4 =	simm.s32 $0xC880  }
0x5d: {  	[tilespmem:s4], [sflag:$0x1] =	stream.indirect_vreg.gather [hbm4b:s13+s2], $0x80, v2, vm0, $0xb8;
	[tilespmem:$0x10080] =	vst v63  }
0x5e: {  	s4 =	simm.s32 $0xD080  }
0x5f: {  	[tilespmem:s4], [sflag:$0x1] =	stream.indirect_vreg.gather [hbm4b:s14+s2], $0x80, v2, vm0, $0xb8;
	[tilespmem:$0x10080] =	vst v63  }
0x60: {  	s4 =	simm.s32 $0xD880  }
0x61: {  	[tilespmem:s4], [sflag:$0x1] =	stream.indirect_vreg.gather [hbm4b:s15+s2], $0x80, v2, vm0, $0xb8;
	[tilespmem:$0x10080] =	vst v63  }
0x62: {  	s4 =	simm.s32 $0xE080  }
0x63: {  	[tilespmem:s4], [sflag:$0x1] =	stream.indirect_vreg.gather [hbm4b:s16+s2], $0x80, v2, vm0, $0xb8;
	[tilespmem:$0x10080] =	vst v63  }
0x64: {  	s4 =	simm.s32 $0xE880  }
0x65: {  	[tilespmem:s4], [sflag:$0x1] =	stream.indirect_vreg.gather [hbm4b:s17+s2], $0x80, v2, vm0, $0xb8;
	[tilespmem:$0x10080] =	vst v63  }
0x66: {  	s4 =	simm.s32 $0xF080  }
0x67: {  	[tilespmem:s4], [sflag:$0x1] =	stream.indirect_vreg.gather [hbm4b:s18+s2], $0x80, v2, vm0, $0xb8;
	[tilespmem:$0x10080] =	vst v63  }
0x68: {  	s4 =	simm.s32 $0xF880  }
0x69: {  	[tilespmem:s4], [sflag:$0x1] =	stream.indirect_vreg.gather [hbm4b:s19+s2], $0x80, v2, vm0, $0xb8;
	[tilespmem:$0x10080] =	vst v63  }
0x6a: {  	_ =	swait.ge [sflag:s0], $0x8000  }
0x6b: {  	[sflag:s0] =	ssyncset.done $0x0  }
0x6c: {  	s4 =	rddreg [dreg:$0x13];
	[sflag:s0] =	ssyncadd.s32 $0xFFFF8000  }
0x6d: {  	[hbm4b:s4+s2] =	stream.linear.scatter [tilespmem:s22], [sflag:$0x2], $0x8000, $0x38;
	[tilespmem:$0x10080] =	vst v63  }
0x6e: {  	_ =	swait.ge [sflag:s1], $0x8000  }
0x6f: {  	[sflag:s1] =	ssyncset.done $0x0  }
0x70: {  	[sflag:s1] =	ssyncadd.s32 $0xFFFF8000  }
0x71: {  	v2 =	vld.msk [tilespmem:$0x10], $0xff;
	_ =	sdelay $0x4  }
0x72: {  	v3 =	vshll.u32 v2, $0x5  }
0x73: {  	v2 =	vand.u32 $0x7, v2;
	v3 =	vand.u32 $0xFFFFFF00, v3  }
0x74: {  	v2 =	vor.u32 v2, v3  }
0x75: {  	v2 =	vperm.xlane v2, v0;
	_ =	sdelay $0x1  }
0x76: {  	v2 =	vadd.s32 v1, v2;
	_ =	sdelay $0x4  }
0x77: {  	[tilespmem:s22], [sflag:$0x1] =	stream.indirect_vreg.gather [hbm4b:s3+s2], $0x80, v2, vm0, $0xb8;
	[tilespmem:$0x10080] =	vst v63  }
0x78: {  	s4 =	simm.s32 $0x880  }
0x79: {  	[tilespmem:s4], [sflag:$0x1] =	stream.indirect_vreg.gather [hbm4b:s5+s2], $0x80, v2, vm0, $0xb8;
	[tilespmem:$0x10080] =	vst v63  }
0x7a: {  	s21 =	simm.s32 $0x1080  }
0x7b: {  	[tilespmem:s21], [sflag:$0x1] =	stream.indirect_vreg.gather [hbm4b:s6+s2], $0x80, v2, vm0, $0xb8;
	[tilespmem:$0x10080] =	vst v63  }
0x7c: {  	s23 =	simm.s32 $0x1880  }
0x7d: {  	[tilespmem:s23], [sflag:$0x1] =	stream.indirect_vreg.gather [hbm4b:s7+s2], $0x80, v2, vm0, $0xb8;
	[tilespmem:$0x10080] =	vst v63  }
0x7e: {  	s24 =	simm.s32 $0x2080  }
0x7f: {  	[tilespmem:s24], [sflag:$0x1] =	stream.indirect_vreg.gather [hbm4b:s8+s2], $0x80, v2, vm0, $0xb8;
	[tilespmem:$0x10080] =	vst v63  }
0x80: {  	s25 =	simm.s32 $0x2880  }
0x81: {  	[tilespmem:s25], [sflag:$0x1] =	stream.indirect_vreg.gather [hbm4b:s9+s2], $0x80, v2, vm0, $0xb8;
	[tilespmem:$0x10080] =	vst v63  }
0x82: {  	s28 =	simm.s32 $0x3080  }
0x83: {  	[tilespmem:s28], [sflag:$0x1] =	stream.indirect_vreg.gather [hbm4b:s10+s2], $0x80, v2, vm0, $0xb8;
	[tilespmem:$0x10080] =	vst v63  }
0x84: {  	s29 =	simm.s32 $0x3880  }
0x85: {  	[tilespmem:s29], [sflag:$0x1] =	stream.indirect_vreg.gather [hbm4b:s11+s2], $0x80, v2, vm0, $0xb8;
	[tilespmem:$0x10080] =	vst v63  }
0x86: {  	s30 =	simm.s32 $0x4080  }
0x87: {  	[tilespmem:s30], [sflag:$0x1] =	stream.indirect_vreg.gather [hbm4b:s12+s2], $0x80, v2, vm0, $0xb8;
	[tilespmem:$0x10080] =	vst v63  }
0x88: {  	s31 =	simm.s32 $0x4880  }
0x89: {  	[tilespmem:s31], [sflag:$0x1] =	stream.indirect_vreg.gather [hbm4b:s13+s2], $0x80, v2, vm0, $0xb8;
	[tilespmem:$0x10080] =	vst v63  }
0x8a: {  	s24 =	simm.s32 $0x5080  }
0x8b: {  	[tilespmem:s24], [sflag:$0x1] =	stream.indirect_vreg.gather [hbm4b:s14+s2], $0x80, v2, vm0, $0xb8;
	[tilespmem:$0x10080] =	vst v63  }
0x8c: {  	s25 =	simm.s32 $0x5880  }
0x8d: {  	[tilespmem:s25], [sflag:$0x1] =	stream.indirect_vreg.gather [hbm4b:s15+s2], $0x80, v2, vm0, $0xb8;
	[tilespmem:$0x10080] =	vst v63  }
0x8e: {  	s28 =	simm.s32 $0x6080  }
0x8f: {  	[tilespmem:s28], [sflag:$0x1] =	stream.indirect_vreg.gather [hbm4b:s16+s2], $0x80, v2, vm0, $0xb8;
	[tilespmem:$0x10080] =	vst v63  }
0x90: {  	s29 =	simm.s32 $0x6880  }
0x91: {  	[tilespmem:s29], [sflag:$0x1] =	stream.indirect_vreg.gather [hbm4b:s17+s2], $0x80, v2, vm0, $0xb8;
	[tilespmem:$0x10080] =	vst v63  }
0x92: {  	s30 =	simm.s32 $0x7080  }
0x93: {  	[tilespmem:s30], [sflag:$0x1] =	stream.indirect_vreg.gather [hbm4b:s18+s2], $0x80, v2, vm0, $0xb8;
	[tilespmem:$0x10080] =	vst v63  }
0x94: {  	s20 =	simm.s32 $0x7880  }
0x95: {  	[tilespmem:s20], [sflag:$0x1] =	stream.indirect_vreg.gather [hbm4b:s19+s2], $0x80, v2, vm0, $0xb8;
	[tilespmem:$0x10080] =	vst v63  }
0x96: {  	_ =	swait.ge [sflag:s0], $0x8000  }
0x97: {  	[sflag:s0] =	ssyncset.done $0x0  }
0x98: {  	s31 =	rddreg [dreg:$0x4];
	[sflag:s0] =	ssyncadd.s32 $0xFFFF8000  }
0x99: {  	[hbm4b:s31+s2] =	stream.linear.scatter [tilespmem:s26], [sflag:$0x2], $0x8000, $0x38;
	[tilespmem:$0x10080] =	vst v63  }
0x9a: {  	_ =	swait.ge [sflag:s1], $0x8000  }
0x9b: {  	[sflag:s1] =	ssyncset.done $0x0  }
0x9c: {  	[sflag:s1] =	ssyncadd.s32 $0xFFFF8000  }
0x9d: {  	v2 =	vld.msk [tilespmem:$0x18], $0xff;
	_ =	sdelay $0x4  }
0x9e: {  	v3 =	vshll.u32 v2, $0x5  }
0x9f: {  	v2 =	vand.u32 $0x7, v2;
	v3 =	vand.u32 $0xFFFFFF00, v3  }
0xa0: {  	v2 =	vor.u32 v2, v3  }
0xa1: {  	v2 =	vperm.xlane v2, v0;
	_ =	sdelay $0x1  }
0xa2: {  	v2 =	vadd.s32 v1, v2;
	_ =	sdelay $0x4  }
0xa3: {  	[tilespmem:s26], [sflag:$0x1] =	stream.indirect_vreg.gather [hbm4b:s3+s2], $0x80, v2, vm0, $0xb8;
	[tilespmem:$0x10080] =	vst v63  }
0xa4: {  	s20 =	simm.s32 $0x8880  }
0xa5: {  	[tilespmem:s20], [sflag:$0x1] =	stream.indirect_vreg.gather [hbm4b:s5+s2], $0x80, v2, vm0, $0xb8;
	[tilespmem:$0x10080] =	vst v63  }
0xa6: {  	s21 =	simm.s32 $0x9080  }
0xa7: {  	[tilespmem:s21], [sflag:$0x1] =	stream.indirect_vreg.gather [hbm4b:s6+s2], $0x80, v2, vm0, $0xb8;
	[tilespmem:$0x10080] =	vst v63  }
0xa8: {  	s23 =	simm.s32 $0x9880  }
0xa9: {  	[tilespmem:s23], [sflag:$0x1] =	stream.indirect_vreg.gather [hbm4b:s7+s2], $0x80, v2, vm0, $0xb8;
	[tilespmem:$0x10080] =	vst v63  }
0xaa: {  	s24 =	simm.s32 $0xA080  }
0xab: {  	[tilespmem:s24], [sflag:$0x1] =	stream.indirect_vreg.gather [hbm4b:s8+s2], $0x80, v2, vm0, $0xb8;
	[tilespmem:$0x10080] =	vst v63  }
0xac: {  	s25 =	simm.s32 $0xA880  }
0xad: {  	[tilespmem:s25], [sflag:$0x1] =	stream.indirect_vreg.gather [hbm4b:s9+s2], $0x80, v2, vm0, $0xb8;
	[tilespmem:$0x10080] =	vst v63  }
0xae: {  	s28 =	simm.s32 $0xB080  }
0xaf: {  	[tilespmem:s28], [sflag:$0x1] =	stream.indirect_vreg.gather [hbm4b:s10+s2], $0x80, v2, vm0, $0xb8;
	[tilespmem:$0x10080] =	vst v63  }
0xb0: {  	s29 =	simm.s32 $0xB880  }
0xb1: {  	[tilespmem:s29], [sflag:$0x1] =	stream.indirect_vreg.gather [hbm4b:s11+s2], $0x80, v2, vm0, $0xb8;
	[tilespmem:$0x10080] =	vst v63  }
0xb2: {  	s30 =	simm.s32 $0xC080  }
0xb3: {  	[tilespmem:s30], [sflag:$0x1] =	stream.indirect_vreg.gather [hbm4b:s12+s2], $0x80, v2, vm0, $0xb8;
	[tilespmem:$0x10080] =	vst v63  }
0xb4: {  	s31 =	simm.s32 $0xC880  }
0xb5: {  	[tilespmem:s31], [sflag:$0x1] =	stream.indirect_vreg.gather [hbm4b:s13+s2], $0x80, v2, vm0, $0xb8;
	[tilespmem:$0x10080] =	vst v63  }
0xb6: {  	s4 =	simm.s32 $0xD080  }
0xb7: {  	[tilespmem:s4], [sflag:$0x1] =	stream.indirect_vreg.gather [hbm4b:s14+s2], $0x80, v2, vm0, $0xb8;
	[tilespmem:$0x10080] =	vst v63  }
0xb8: {  	s4 =	simm.s32 $0xD880  }
0xb9: {  	[tilespmem:s4], [sflag:$0x1] =	stream.indirect_vreg.gather [hbm4b:s15+s2], $0x80, v2, vm0, $0xb8;
	[tilespmem:$0x10080] =	vst v63  }
0xba: {  	s4 =	simm.s32 $0xE080  }
0xbb: {  	[tilespmem:s4], [sflag:$0x1] =	stream.indirect_vreg.gather [hbm4b:s16+s2], $0x80, v2, vm0, $0xb8;
	[tilespmem:$0x10080] =	vst v63  }
0xbc: {  	s4 =	simm.s32 $0xE880  }
0xbd: {  	[tilespmem:s4], [sflag:$0x1] =	stream.indirect_vreg.gather [hbm4b:s17+s2], $0x80, v2, vm0, $0xb8;
	[tilespmem:$0x10080] =	vst v63  }
0xbe: {  	s4 =	simm.s32 $0xF080  }
0xbf: {  	[tilespmem:s4], [sflag:$0x1] =	stream.indirect_vreg.gather [hbm4b:s18+s2], $0x80, v2, vm0, $0xb8;
	[tilespmem:$0x10080] =	vst v63  }
0xc0: {  	s4 =	simm.s32 $0xF880  }
0xc1: {  	[tilespmem:s4], [sflag:$0x1] =	stream.indirect_vreg.gather [hbm4b:s19+s2], $0x80, v2, vm0, $0xb8;
	[tilespmem:$0x10080] =	vst v63  }
0xc2: {  	_ =	swait.ge [sflag:s0], $0x8000  }
0xc3: {  	[sflag:s0] =	ssyncset.done $0x0  }
0xc4: {  	s4 =	rddreg [dreg:$0x5];
	[sflag:s0] =	ssyncadd.s32 $0xFFFF8000  }
0xc5: {  	[hbm4b:s4+s2] =	stream.linear.scatter [tilespmem:s22], [sflag:$0x2], $0x8000, $0x38;
	[tilespmem:$0x10080] =	vst v63  }
0xc6: {  	_ =	swait.ge [sflag:s1], $0x8000  }
0xc7: {  	[sflag:s1] =	ssyncset.done $0x0  }
0xc8: {  	[sflag:s1] =	ssyncadd.s32 $0xFFFF8000  }
0xc9: {  	v2 =	vld.msk [tilespmem:$0x20], $0xff;
	_ =	sdelay $0x4  }
0xca: {  	v3 =	vshll.u32 v2, $0x5  }
0xcb: {  	v2 =	vand.u32 $0x7, v2;
	v3 =	vand.u32 $0xFFFFFF00, v3  }
0xcc: {  	v2 =	vor.u32 v2, v3  }
0xcd: {  	v2 =	vperm.xlane v2, v0;
	_ =	sdelay $0x1  }
0xce: {  	v2 =	vadd.s32 v1, v2;
	_ =	sdelay $0x4  }
0xcf: {  	[tilespmem:s22], [sflag:$0x1] =	stream.indirect_vreg.gather [hbm4b:s3+s2], $0x80, v2, vm0, $0xb8;
	[tilespmem:$0x10080] =	vst v63  }
0xd0: {  	s4 =	simm.s32 $0x880  }
0xd1: {  	[tilespmem:s4], [sflag:$0x1] =	stream.indirect_vreg.gather [hbm4b:s5+s2], $0x80, v2, vm0, $0xb8;
	[tilespmem:$0x10080] =	vst v63  }
0xd2: {  	s4 =	simm.s32 $0x1080  }
0xd3: {  	[tilespmem:s4], [sflag:$0x1] =	stream.indirect_vreg.gather [hbm4b:s6+s2], $0x80, v2, vm0, $0xb8;
	[tilespmem:$0x10080] =	vst v63  }
0xd4: {  	s4 =	simm.s32 $0x1880  }
0xd5: {  	[tilespmem:s4], [sflag:$0x1] =	stream.indirect_vreg.gather [hbm4b:s7+s2], $0x80, v2, vm0, $0xb8;
	[tilespmem:$0x10080] =	vst v63  }
0xd6: {  	s4 =	simm.s32 $0x2080  }
0xd7: {  	[tilespmem:s4], [sflag:$0x1] =	stream.indirect_vreg.gather [hbm4b:s8+s2], $0x80, v2, vm0, $0xb8;
	[tilespmem:$0x10080] =	vst v63  }
0xd8: {  	s4 =	simm.s32 $0x2880  }
0xd9: {  	[tilespmem:s4], [sflag:$0x1] =	stream.indirect_vreg.gather [hbm4b:s9+s2], $0x80, v2, vm0, $0xb8;
	[tilespmem:$0x10080] =	vst v63  }
0xda: {  	s4 =	simm.s32 $0x3080  }
0xdb: {  	[tilespmem:s4], [sflag:$0x1] =	stream.indirect_vreg.gather [hbm4b:s10+s2], $0x80, v2, vm0, $0xb8;
	[tilespmem:$0x10080] =	vst v63  }
0xdc: {  	s4 =	simm.s32 $0x3880  }
0xdd: {  	[tilespmem:s4], [sflag:$0x1] =	stream.indirect_vreg.gather [hbm4b:s11+s2], $0x80, v2, vm0, $0xb8;
	[tilespmem:$0x10080] =	vst v63  }
0xde: {  	s4 =	simm.s32 $0x4080  }
0xdf: {  	[tilespmem:s4], [sflag:$0x1] =	stream.indirect_vreg.gather [hbm4b:s12+s2], $0x80, v2, vm0, $0xb8;
	[tilespmem:$0x10080] =	vst v63  }
0xe0: {  	s4 =	simm.s32 $0x4880  }
0xe1: {  	[tilespmem:s4], [sflag:$0x1] =	stream.indirect_vreg.gather [hbm4b:s13+s2], $0x80, v2, vm0, $0xb8;
	[tilespmem:$0x10080] =	vst v63  }
0xe2: {  	s4 =	simm.s32 $0x5080  }
0xe3: {  	[tilespmem:s4], [sflag:$0x1] =	stream.indirect_vreg.gather [hbm4b:s14+s2], $0x80, v2, vm0, $0xb8;
	[tilespmem:$0x10080] =	vst v63  }
0xe4: {  	s4 =	simm.s32 $0x5880  }
0xe5: {  	[tilespmem:s4], [sflag:$0x1] =	stream.indirect_vreg.gather [hbm4b:s15+s2], $0x80, v2, vm0, $0xb8;
	[tilespmem:$0x10080] =	vst v63  }
0xe6: {  	s4 =	simm.s32 $0x6080  }
0xe7: {  	[tilespmem:s4], [sflag:$0x1] =	stream.indirect_vreg.gather [hbm4b:s16+s2], $0x80, v2, vm0, $0xb8;
	[tilespmem:$0x10080] =	vst v63  }
0xe8: {  	s4 =	simm.s32 $0x6880  }
0xe9: {  	[tilespmem:s4], [sflag:$0x1] =	stream.indirect_vreg.gather [hbm4b:s17+s2], $0x80, v2, vm0, $0xb8;
	[tilespmem:$0x10080] =	vst v63  }
0xea: {  	s4 =	simm.s32 $0x7080  }
0xeb: {  	[tilespmem:s4], [sflag:$0x1] =	stream.indirect_vreg.gather [hbm4b:s18+s2], $0x80, v2, vm0, $0xb8;
	[tilespmem:$0x10080] =	vst v63  }
0xec: {  	s4 =	simm.s32 $0x7880  }
0xed: {  	[tilespmem:s4], [sflag:$0x1] =	stream.indirect_vreg.gather [hbm4b:s19+s2], $0x80, v2, vm0, $0xb8;
	[tilespmem:$0x10080] =	vst v63  }
0xee: {  	_ =	swait.ge [sflag:s0], $0x8000  }
0xef: {  	[sflag:s0] =	ssyncset.done $0x0  }
0xf0: {  	s4 =	rddreg [dreg:$0x6];
	[sflag:s0] =	ssyncadd.s32 $0xFFFF8000  }
0xf1: {  	[hbm4b:s4+s2] =	stream.linear.scatter [tilespmem:s26], [sflag:$0x2], $0x8000, $0x38;
	[tilespmem:$0x10080] =	vst v63  }
0xf2: {  	_ =	swait.ge [sflag:s1], $0x8000  }
0xf3: {  	[sflag:s1] =	ssyncset.done $0x0  }
0xf4: {  	[sflag:s1] =	ssyncadd.s32 $0xFFFF8000  }
0xf5: {  	v2 =	vld.msk [tilespmem:$0x28], $0xff;
	_ =	sdelay $0x4  }
0xf6: {  	v3 =	vshll.u32 v2, $0x5  }
0xf7: {  	v2 =	vand.u32 $0x7, v2;
	v3 =	vand.u32 $0xFFFFFF00, v3  }
0xf8: {  	v2 =	vor.u32 v2, v3  }
0xf9: {  	v2 =	vperm.xlane v2, v0;
	_ =	sdelay $0x1  }
0xfa: {  	v2 =	vadd.s32 v1, v2;
	_ =	sdelay $0x4  }
0xfb: {  	[tilespmem:s26], [sflag:$0x1] =	stream.indirect_vreg.gather [hbm4b:s3+s2], $0x80, v2, vm0, $0xb8;
	[tilespmem:$0x10080] =	vst v63  }
0xfc: {  	s20 =	simm.s32 $0x8880  }
0xfd: {  	[tilespmem:s20], [sflag:$0x1] =	stream.indirect_vreg.gather [hbm4b:s5+s2], $0x80, v2, vm0, $0xb8;
	[tilespmem:$0x10080] =	vst v63  }
0xfe: {  	s21 =	simm.s32 $0x9080  }
0xff: {  	[tilespmem:s21], [sflag:$0x1] =	stream.indirect_vreg.gather [hbm4b:s6+s2], $0x80, v2, vm0, $0xb8;
	[tilespmem:$0x10080] =	vst v63  }
0x100: {  	s23 =	simm.s32 $0x9880  }
0x101: {  	[tilespmem:s23], [sflag:$0x1] =	stream.indirect_vreg.gather [hbm4b:s7+s2], $0x80, v2, vm0, $0xb8;
	[tilespmem:$0x10080] =	vst v63  }
0x102: {  	s24 =	simm.s32 $0xA080  }
0x103: {  	[tilespmem:s24], [sflag:$0x1] =	stream.indirect_vreg.gather [hbm4b:s8+s2], $0x80, v2, vm0, $0xb8;
	[tilespmem:$0x10080] =	vst v63  }
0x104: {  	s25 =	simm.s32 $0xA880  }
0x105: {  	[tilespmem:s25], [sflag:$0x1] =	stream.indirect_vreg.gather [hbm4b:s9+s2], $0x80, v2, vm0, $0xb8;
	[tilespmem:$0x10080] =	vst v63  }
0x106: {  	s28 =	simm.s32 $0xB080  }
0x107: {  	[tilespmem:s28], [sflag:$0x1] =	stream.indirect_vreg.gather [hbm4b:s10+s2], $0x80, v2, vm0, $0xb8;
	[tilespmem:$0x10080] =	vst v63  }
0x108: {  	s29 =	simm.s32 $0xB880  }
0x109: {  	[tilespmem:s29], [sflag:$0x1] =	stream.indirect_vreg.gather [hbm4b:s11+s2], $0x80, v2, vm0, $0xb8;
	[tilespmem:$0x10080] =	vst v63  }
0x10a: {  	s30 =	simm.s32 $0xC080  }
0x10b: {  	[tilespmem:s30], [sflag:$0x1] =	stream.indirect_vreg.gather [hbm4b:s12+s2], $0x80, v2, vm0, $0xb8;
	[tilespmem:$0x10080] =	vst v63  }
0x10c: {  	s31 =	simm.s32 $0xC880  }
0x10d: {  	[tilespmem:s31], [sflag:$0x1] =	stream.indirect_vreg.gather [hbm4b:s13+s2], $0x80, v2, vm0, $0xb8;
	[tilespmem:$0x10080] =	vst v63  }
0x10e: {  	s20 =	simm.s32 $0xD080  }
0x10f: {  	[tilespmem:s20], [sflag:$0x1] =	stream.indirect_vreg.gather [hbm4b:s14+s2], $0x80, v2, vm0, $0xb8;
	[tilespmem:$0x10080] =	vst v63  }
0x110: {  	s4 =	simm.s32 $0xD880  }
0x111: {  	[tilespmem:s4], [sflag:$0x1] =	stream.indirect_vreg.gather [hbm4b:s15+s2], $0x80, v2, vm0, $0xb8;
	[tilespmem:$0x10080] =	vst v63  }
0x112: {  	s4 =	simm.s32 $0xE080  }
0x113: {  	[tilespmem:s4], [sflag:$0x1] =	stream.indirect_vreg.gather [hbm4b:s16+s2], $0x80, v2, vm0, $0xb8;
	[tilespmem:$0x10080] =	vst v63  }
0x114: {  	s4 =	simm.s32 $0xE880  }
0x115: {  	[tilespmem:s4], [sflag:$0x1] =	stream.indirect_vreg.gather [hbm4b:s17+s2], $0x80, v2, vm0, $0xb8;
	[tilespmem:$0x10080] =	vst v63  }
0x116: {  	s4 =	simm.s32 $0xF080  }
0x117: {  	[tilespmem:s4], [sflag:$0x1] =	stream.indirect_vreg.gather [hbm4b:s18+s2], $0x80, v2, vm0, $0xb8;
	[tilespmem:$0x10080] =	vst v63  }
0x118: {  	s4 =	simm.s32 $0xF880  }
0x119: {  	[tilespmem:s4], [sflag:$0x1] =	stream.indirect_vreg.gather [hbm4b:s19+s2], $0x80, v2, vm0, $0xb8;
	[tilespmem:$0x10080] =	vst v63  }
0x11a: {  	_ =	swait.ge [sflag:s0], $0x8000  }
0x11b: {  	[sflag:s0] =	ssyncset.done $0x0  }
0x11c: {  	s4 =	rddreg [dreg:$0x7];
	[sflag:s0] =	ssyncadd.s32 $0xFFFF8000  }
0x11d: {  	[hbm4b:s4+s2] =	stream.linear.scatter [tilespmem:s22], [sflag:$0x2], $0x8000, $0x38;
	[tilespmem:$0x10080] =	vst v63  }
0x11e: {  	_ =	swait.ge [sflag:s1], $0x8000  }
0x11f: {  	[sflag:s1] =	ssyncset.done $0x0  }
0x120: {  	[sflag:s1] =	ssyncadd.s32 $0xFFFF8000  }
0x121: {  	v2 =	vld.msk [tilespmem:$0x30], $0xff;
	_ =	sdelay $0x4  }
0x122: {  	v3 =	vshll.u32 v2, $0x5  }
0x123: {  	v2 =	vand.u32 $0x7, v2;
	v3 =	vand.u32 $0xFFFFFF00, v3  }
0x124: {  	v2 =	vor.u32 v2, v3  }
0x125: {  	v2 =	vperm.xlane v2, v0;
	_ =	sdelay $0x1  }
0x126: {  	v2 =	vadd.s32 v1, v2;
	_ =	sdelay $0x4  }
0x127: {  	[tilespmem:s22], [sflag:$0x1] =	stream.indirect_vreg.gather [hbm4b:s3+s2], $0x80, v2, vm0, $0xb8;
	[tilespmem:$0x10080] =	vst v63  }
0x128: {  	s4 =	simm.s32 $0x880  }
0x129: {  	[tilespmem:s4], [sflag:$0x1] =	stream.indirect_vreg.gather [hbm4b:s5+s2], $0x80, v2, vm0, $0xb8;
	[tilespmem:$0x10080] =	vst v63  }
0x12a: {  	s4 =	simm.s32 $0x1080  }
0x12b: {  	[tilespmem:s4], [sflag:$0x1] =	stream.indirect_vreg.gather [hbm4b:s6+s2], $0x80, v2, vm0, $0xb8;
	[tilespmem:$0x10080] =	vst v63  }
0x12c: {  	s4 =	simm.s32 $0x1880  }
0x12d: {  	[tilespmem:s4], [sflag:$0x1] =	stream.indirect_vreg.gather [hbm4b:s7+s2], $0x80, v2, vm0, $0xb8;
	[tilespmem:$0x10080] =	vst v63  }
0x12e: {  	s4 =	simm.s32 $0x2080  }
0x12f: {  	[tilespmem:s4], [sflag:$0x1] =	stream.indirect_vreg.gather [hbm4b:s8+s2], $0x80, v2, vm0, $0xb8;
	[tilespmem:$0x10080] =	vst v63  }
0x130: {  	s4 =	simm.s32 $0x2880  }
0x131: {  	[tilespmem:s4], [sflag:$0x1] =	stream.indirect_vreg.gather [hbm4b:s9+s2], $0x80, v2, vm0, $0xb8;
	[tilespmem:$0x10080] =	vst v63  }
0x132: {  	s4 =	simm.s32 $0x3080  }
0x133: {  	[tilespmem:s4], [sflag:$0x1] =	stream.indirect_vreg.gather [hbm4b:s10+s2], $0x80, v2, vm0, $0xb8;
	[tilespmem:$0x10080] =	vst v63  }
0x134: {  	s4 =	simm.s32 $0x3880  }
0x135: {  	[tilespmem:s4], [sflag:$0x1] =	stream.indirect_vreg.gather [hbm4b:s11+s2], $0x80, v2, vm0, $0xb8;
	[tilespmem:$0x10080] =	vst v63  }
0x136: {  	s4 =	simm.s32 $0x4080  }
0x137: {  	[tilespmem:s4], [sflag:$0x1] =	stream.indirect_vreg.gather [hbm4b:s12+s2], $0x80, v2, vm0, $0xb8;
	[tilespmem:$0x10080] =	vst v63  }
0x138: {  	s4 =	simm.s32 $0x4880  }
0x139: {  	[tilespmem:s4], [sflag:$0x1] =	stream.indirect_vreg.gather [hbm4b:s13+s2], $0x80, v2, vm0, $0xb8;
	[tilespmem:$0x10080] =	vst v63  }
0x13a: {  	s4 =	simm.s32 $0x5080  }
0x13b: {  	[tilespmem:s4], [sflag:$0x1] =	stream.indirect_vreg.gather [hbm4b:s14+s2], $0x80, v2, vm0, $0xb8;
	[tilespmem:$0x10080] =	vst v63  }
0x13c: {  	s4 =	simm.s32 $0x5880  }
0x13d: {  	[tilespmem:s4], [sflag:$0x1] =	stream.indirect_vreg.gather [hbm4b:s15+s2], $0x80, v2, vm0, $0xb8;
	[tilespmem:$0x10080] =	vst v63  }
0x13e: {  	s4 =	simm.s32 $0x6080  }
0x13f: {  	[tilespmem:s4], [sflag:$0x1] =	stream.indirect_vreg.gather [hbm4b:s16+s2], $0x80, v2, vm0, $0xb8;
	[tilespmem:$0x10080] =	vst v63  }
0x140: {  	s4 =	simm.s32 $0x6880  }
0x141: {  	[tilespmem:s4], [sflag:$0x1] =	stream.indirect_vreg.gather [hbm4b:s17+s2], $0x80, v2, vm0, $0xb8;
	[tilespmem:$0x10080] =	vst v63  }
0x142: {  	s4 =	simm.s32 $0x7080  }
0x143: {  	[tilespmem:s4], [sflag:$0x1] =	stream.indirect_vreg.gather [hbm4b:s18+s2], $0x80, v2, vm0, $0xb8;
	[tilespmem:$0x10080] =	vst v63  }
0x144: {  	s4 =	simm.s32 $0x7880  }
0x145: {  	[tilespmem:s4], [sflag:$0x1] =	stream.indirect_vreg.gather [hbm4b:s19+s2], $0x80, v2, vm0, $0xb8;
	[tilespmem:$0x10080] =	vst v63  }
0x146: {  	_ =	swait.ge [sflag:s0], $0x8000  }
0x147: {  	[sflag:s0] =	ssyncset.done $0x0  }
0x148: {  	s4 =	rddreg [dreg:$0x8];
	[sflag:s0] =	ssyncadd.s32 $0xFFFF8000  }
0x149: {  	[hbm4b:s4+s2] =	stream.linear.scatter [tilespmem:s26], [sflag:$0x2], $0x8000, $0x38;
	[tilespmem:$0x10080] =	vst v63  }
0x14a: {  	_ =	swait.ge [sflag:s1], $0x8000  }
0x14b: {  	[sflag:s1] =	ssyncset.done $0x0  }
0x14c: {  	[sflag:s1] =	ssyncadd.s32 $0xFFFF8000  }
0x14d: {  	v2 =	vld.msk [tilespmem:$0x38], $0xff;
	_ =	sdelay $0x4  }
0x14e: {  	v3 =	vshll.u32 v2, $0x5  }
0x14f: {  	v2 =	vand.u32 $0x7, v2;
	v3 =	vand.u32 $0xFFFFFF00, v3  }
0x150: {  	v2 =	vor.u32 v2, v3  }
0x151: {  	v2 =	vperm.xlane v2, v0;
	_ =	sdelay $0x1  }
0x152: {  	v2 =	vadd.s32 v1, v2;
	_ =	sdelay $0x4  }
0x153: {  	[tilespmem:s26], [sflag:$0x1] =	stream.indirect_vreg.gather [hbm4b:s3+s2], $0x80, v2, vm0, $0xb8;
	[tilespmem:$0x10080] =	vst v63  }
0x154: {  	s4 =	simm.s32 $0x8880  }
0x155: {  	[tilespmem:s4], [sflag:$0x1] =	stream.indirect_vreg.gather [hbm4b:s5+s2], $0x80, v2, vm0, $0xb8;
	[tilespmem:$0x10080] =	vst v63  }
0x156: {  	s21 =	simm.s32 $0x9080  }
0x157: {  	[tilespmem:s21], [sflag:$0x1] =	stream.indirect_vreg.gather [hbm4b:s6+s2], $0x80, v2, vm0, $0xb8;
	[tilespmem:$0x10080] =	vst v63  }
0x158: {  	s23 =	simm.s32 $0x9880  }
0x159: {  	[tilespmem:s23], [sflag:$0x1] =	stream.indirect_vreg.gather [hbm4b:s7+s2], $0x80, v2, vm0, $0xb8;
	[tilespmem:$0x10080] =	vst v63  }
0x15a: {  	s24 =	simm.s32 $0xA080  }
0x15b: {  	[tilespmem:s24], [sflag:$0x1] =	stream.indirect_vreg.gather [hbm4b:s8+s2], $0x80, v2, vm0, $0xb8;
	[tilespmem:$0x10080] =	vst v63  }
0x15c: {  	s25 =	simm.s32 $0xA880  }
0x15d: {  	[tilespmem:s25], [sflag:$0x1] =	stream.indirect_vreg.gather [hbm4b:s9+s2], $0x80, v2, vm0, $0xb8;
	[tilespmem:$0x10080] =	vst v63  }
0x15e: {  	s28 =	simm.s32 $0xB080  }
0x15f: {  	[tilespmem:s28], [sflag:$0x1] =	stream.indirect_vreg.gather [hbm4b:s10+s2], $0x80, v2, vm0, $0xb8;
	[tilespmem:$0x10080] =	vst v63  }
0x160: {  	s29 =	simm.s32 $0xB880  }
0x161: {  	[tilespmem:s29], [sflag:$0x1] =	stream.indirect_vreg.gather [hbm4b:s11+s2], $0x80, v2, vm0, $0xb8;
	[tilespmem:$0x10080] =	vst v63  }
0x162: {  	s30 =	simm.s32 $0xC080  }
0x163: {  	[tilespmem:s30], [sflag:$0x1] =	stream.indirect_vreg.gather [hbm4b:s12+s2], $0x80, v2, vm0, $0xb8;
	[tilespmem:$0x10080] =	vst v63  }
0x164: {  	s31 =	simm.s32 $0xC880  }
0x165: {  	[tilespmem:s31], [sflag:$0x1] =	stream.indirect_vreg.gather [hbm4b:s13+s2], $0x80, v2, vm0, $0xb8;
	[tilespmem:$0x10080] =	vst v63  }
0x166: {  	s20 =	simm.s32 $0xD080  }
0x167: {  	[tilespmem:s20], [sflag:$0x1] =	stream.indirect_vreg.gather [hbm4b:s14+s2], $0x80, v2, vm0, $0xb8;
	[tilespmem:$0x10080] =	vst v63  }
0x168: {  	s20 =	simm.s32 $0xD880  }
0x169: {  	[tilespmem:s20], [sflag:$0x1] =	stream.indirect_vreg.gather [hbm4b:s15+s2], $0x80, v2, vm0, $0xb8;
	[tilespmem:$0x10080] =	vst v63  }
0x16a: {  	s4 =	simm.s32 $0xE080  }
0x16b: {  	[tilespmem:s4], [sflag:$0x1] =	stream.indirect_vreg.gather [hbm4b:s16+s2], $0x80, v2, vm0, $0xb8;
	[tilespmem:$0x10080] =	vst v63  }
0x16c: {  	s4 =	simm.s32 $0xE880  }
0x16d: {  	[tilespmem:s4], [sflag:$0x1] =	stream.indirect_vreg.gather [hbm4b:s17+s2], $0x80, v2, vm0, $0xb8;
	[tilespmem:$0x10080] =	vst v63  }
0x16e: {  	s4 =	simm.s32 $0xF080  }
0x16f: {  	[tilespmem:s4], [sflag:$0x1] =	stream.indirect_vreg.gather [hbm4b:s18+s2], $0x80, v2, vm0, $0xb8;
	[tilespmem:$0x10080] =	vst v63  }
0x170: {  	s4 =	simm.s32 $0xF880  }
0x171: {  	[tilespmem:s4], [sflag:$0x1] =	stream.indirect_vreg.gather [hbm4b:s19+s2], $0x80, v2, vm0, $0xb8;
	[tilespmem:$0x10080] =	vst v63  }
0x172: {  	_ =	swait.ge [sflag:s0], $0x8000  }
0x173: {  	[sflag:s0] =	ssyncset.done $0x0  }
0x174: {  	s4 =	rddreg [dreg:$0x9];
	[sflag:s0] =	ssyncadd.s32 $0xFFFF8000  }
0x175: {  	[hbm4b:s4+s2] =	stream.linear.scatter [tilespmem:s22], [sflag:$0x2], $0x8000, $0x38;
	[tilespmem:$0x10080] =	vst v63  }
0x176: {  	_ =	swait.ge [sflag:s1], $0x8000  }
0x177: {  	[sflag:s1] =	ssyncset.done $0x0  }
0x178: {  	[sflag:s1] =	ssyncadd.s32 $0xFFFF8000  }
0x179: {  	v2 =	vld.msk [tilespmem:$0x40], $0xff;
	_ =	sdelay $0x4  }
0x17a: {  	v3 =	vshll.u32 v2, $0x5  }
0x17b: {  	v2 =	vand.u32 $0x7, v2;
	v3 =	vand.u32 $0xFFFFFF00, v3  }
0x17c: {  	v2 =	vor.u32 v2, v3  }
0x17d: {  	v2 =	vperm.xlane v2, v0;
	_ =	sdelay $0x1  }
0x17e: {  	v2 =	vadd.s32 v1, v2;
	_ =	sdelay $0x4  }
0x17f: {  	[tilespmem:s22], [sflag:$0x1] =	stream.indirect_vreg.gather [hbm4b:s3+s2], $0x80, v2, vm0, $0xb8;
	[tilespmem:$0x10080] =	vst v63  }
0x180: {  	s4 =	simm.s32 $0x880  }
0x181: {  	[tilespmem:s4], [sflag:$0x1] =	stream.indirect_vreg.gather [hbm4b:s5+s2], $0x80, v2, vm0, $0xb8;
	[tilespmem:$0x10080] =	vst v63  }
0x182: {  	s4 =	simm.s32 $0x1080  }
0x183: {  	[tilespmem:s4], [sflag:$0x1] =	stream.indirect_vreg.gather [hbm4b:s6+s2], $0x80, v2, vm0, $0xb8;
	[tilespmem:$0x10080] =	vst v63  }
0x184: {  	s4 =	simm.s32 $0x1880  }
0x185: {  	[tilespmem:s4], [sflag:$0x1] =	stream.indirect_vreg.gather [hbm4b:s7+s2], $0x80, v2, vm0, $0xb8;
	[tilespmem:$0x10080] =	vst v63  }
0x186: {  	s4 =	simm.s32 $0x2080  }
0x187: {  	[tilespmem:s4], [sflag:$0x1] =	stream.indirect_vreg.gather [hbm4b:s8+s2], $0x80, v2, vm0, $0xb8;
	[tilespmem:$0x10080] =	vst v63  }
0x188: {  	s4 =	simm.s32 $0x2880  }
0x189: {  	[tilespmem:s4], [sflag:$0x1] =	stream.indirect_vreg.gather [hbm4b:s9+s2], $0x80, v2, vm0, $0xb8;
	[tilespmem:$0x10080] =	vst v63  }
0x18a: {  	s4 =	simm.s32 $0x3080  }
0x18b: {  	[tilespmem:s4], [sflag:$0x1] =	stream.indirect_vreg.gather [hbm4b:s10+s2], $0x80, v2, vm0, $0xb8;
	[tilespmem:$0x10080] =	vst v63  }
0x18c: {  	s4 =	simm.s32 $0x3880  }
0x18d: {  	[tilespmem:s4], [sflag:$0x1] =	stream.indirect_vreg.gather [hbm4b:s11+s2], $0x80, v2, vm0, $0xb8;
	[tilespmem:$0x10080] =	vst v63  }
0x18e: {  	s4 =	simm.s32 $0x4080  }
0x18f: {  	[tilespmem:s4], [sflag:$0x1] =	stream.indirect_vreg.gather [hbm4b:s12+s2], $0x80, v2, vm0, $0xb8;
	[tilespmem:$0x10080] =	vst v63  }
0x190: {  	s4 =	simm.s32 $0x4880  }
0x191: {  	[tilespmem:s4], [sflag:$0x1] =	stream.indirect_vreg.gather [hbm4b:s13+s2], $0x80, v2, vm0, $0xb8;
	[tilespmem:$0x10080] =	vst v63  }
0x192: {  	s4 =	simm.s32 $0x5080  }
0x193: {  	[tilespmem:s4], [sflag:$0x1] =	stream.indirect_vreg.gather [hbm4b:s14+s2], $0x80, v2, vm0, $0xb8;
	[tilespmem:$0x10080] =	vst v63  }
0x194: {  	s4 =	simm.s32 $0x5880  }
0x195: {  	[tilespmem:s4], [sflag:$0x1] =	stream.indirect_vreg.gather [hbm4b:s15+s2], $0x80, v2, vm0, $0xb8;
	[tilespmem:$0x10080] =	vst v63  }
0x196: {  	s4 =	simm.s32 $0x6080  }
0x197: {  	[tilespmem:s4], [sflag:$0x1] =	stream.indirect_vreg.gather [hbm4b:s16+s2], $0x80, v2, vm0, $0xb8;
	[tilespmem:$0x10080] =	vst v63  }
0x198: {  	s4 =	simm.s32 $0x6880  }
0x199: {  	[tilespmem:s4], [sflag:$0x1] =	stream.indirect_vreg.gather [hbm4b:s17+s2], $0x80, v2, vm0, $0xb8;
	[tilespmem:$0x10080] =	vst v63  }
0x19a: {  	s4 =	simm.s32 $0x7080  }
0x19b: {  	[tilespmem:s4], [sflag:$0x1] =	stream.indirect_vreg.gather [hbm4b:s18+s2], $0x80, v2, vm0, $0xb8;
	[tilespmem:$0x10080] =	vst v63  }
0x19c: {  	s4 =	simm.s32 $0x7880  }
0x19d: {  	[tilespmem:s4], [sflag:$0x1] =	stream.indirect_vreg.gather [hbm4b:s19+s2], $0x80, v2, vm0, $0xb8;
	[tilespmem:$0x10080] =	vst v63  }
0x19e: {  	_ =	swait.ge [sflag:s0], $0x8000  }
0x19f: {  	[sflag:s0] =	ssyncset.done $0x0  }
0x1a0: {  	s4 =	rddreg [dreg:$0xa];
	[sflag:s0] =	ssyncadd.s32 $0xFFFF8000  }
0x1a1: {  	[hbm4b:s4+s2] =	stream.linear.scatter [tilespmem:s26], [sflag:$0x2], $0x8000, $0x38;
	[tilespmem:$0x10080] =	vst v63  }
0x1a2: {  	_ =	swait.ge [sflag:s1], $0x8000  }
0x1a3: {  	[sflag:s1] =	ssyncset.done $0x0  }
0x1a4: {  	[sflag:s1] =	ssyncadd.s32 $0xFFFF8000  }
0x1a5: {  	v2 =	vld.msk [tilespmem:$0x48], $0xff;
	_ =	sdelay $0x4  }
0x1a6: {  	v3 =	vshll.u32 v2, $0x5  }
0x1a7: {  	v2 =	vand.u32 $0x7, v2;
	v3 =	vand.u32 $0xFFFFFF00, v3  }
0x1a8: {  	v2 =	vor.u32 v2, v3  }
0x1a9: {  	v2 =	vperm.xlane v2, v0;
	_ =	sdelay $0x1  }
0x1aa: {  	v2 =	vadd.s32 v1, v2;
	_ =	sdelay $0x4  }
0x1ab: {  	[tilespmem:s26], [sflag:$0x1] =	stream.indirect_vreg.gather [hbm4b:s3+s2], $0x80, v2, vm0, $0xb8;
	[tilespmem:$0x10080] =	vst v63  }
0x1ac: {  	s4 =	simm.s32 $0x8880  }
0x1ad: {  	[tilespmem:s4], [sflag:$0x1] =	stream.indirect_vreg.gather [hbm4b:s5+s2], $0x80, v2, vm0, $0xb8;
	[tilespmem:$0x10080] =	vst v63  }
0x1ae: {  	s4 =	simm.s32 $0x9080  }
0x1af: {  	[tilespmem:s4], [sflag:$0x1] =	stream.indirect_vreg.gather [hbm4b:s6+s2], $0x80, v2, vm0, $0xb8;
	[tilespmem:$0x10080] =	vst v63  }
0x1b0: {  	s23 =	simm.s32 $0x9880  }
0x1b1: {  	[tilespmem:s23], [sflag:$0x1] =	stream.indirect_vreg.gather [hbm4b:s7+s2], $0x80, v2, vm0, $0xb8;
	[tilespmem:$0x10080] =	vst v63  }
0x1b2: {  	s24 =	simm.s32 $0xA080  }
0x1b3: {  	[tilespmem:s24], [sflag:$0x1] =	stream.indirect_vreg.gather [hbm4b:s8+s2], $0x80, v2, vm0, $0xb8;
	[tilespmem:$0x10080] =	vst v63  }
0x1b4: {  	s25 =	simm.s32 $0xA880  }
0x1b5: {  	[tilespmem:s25], [sflag:$0x1] =	stream.indirect_vreg.gather [hbm4b:s9+s2], $0x80, v2, vm0, $0xb8;
	[tilespmem:$0x10080] =	vst v63  }
0x1b6: {  	s28 =	simm.s32 $0xB080  }
0x1b7: {  	[tilespmem:s28], [sflag:$0x1] =	stream.indirect_vreg.gather [hbm4b:s10+s2], $0x80, v2, vm0, $0xb8;
	[tilespmem:$0x10080] =	vst v63  }
0x1b8: {  	s29 =	simm.s32 $0xB880  }
0x1b9: {  	[tilespmem:s29], [sflag:$0x1] =	stream.indirect_vreg.gather [hbm4b:s11+s2], $0x80, v2, vm0, $0xb8;
	[tilespmem:$0x10080] =	vst v63  }
0x1ba: {  	s30 =	simm.s32 $0xC080  }
0x1bb: {  	[tilespmem:s30], [sflag:$0x1] =	stream.indirect_vreg.gather [hbm4b:s12+s2], $0x80, v2, vm0, $0xb8;
	[tilespmem:$0x10080] =	vst v63  }
0x1bc: {  	s31 =	simm.s32 $0xC880  }
0x1bd: {  	[tilespmem:s31], [sflag:$0x1] =	stream.indirect_vreg.gather [hbm4b:s13+s2], $0x80, v2, vm0, $0xb8;
	[tilespmem:$0x10080] =	vst v63  }
0x1be: {  	s21 =	simm.s32 $0xD080  }
0x1bf: {  	[tilespmem:s21], [sflag:$0x1] =	stream.indirect_vreg.gather [hbm4b:s14+s2], $0x80, v2, vm0, $0xb8;
	[tilespmem:$0x10080] =	vst v63  }
0x1c0: {  	s20 =	simm.s32 $0xD880  }
0x1c1: {  	[tilespmem:s20], [sflag:$0x1] =	stream.indirect_vreg.gather [hbm4b:s15+s2], $0x80, v2, vm0, $0xb8;
	[tilespmem:$0x10080] =	vst v63  }
0x1c2: {  	s21 =	simm.s32 $0xE080  }
0x1c3: {  	[tilespmem:s21], [sflag:$0x1] =	stream.indirect_vreg.gather [hbm4b:s16+s2], $0x80, v2, vm0, $0xb8;
	[tilespmem:$0x10080] =	vst v63  }
0x1c4: {  	s4 =	simm.s32 $0xE880  }
0x1c5: {  	[tilespmem:s4], [sflag:$0x1] =	stream.indirect_vreg.gather [hbm4b:s17+s2], $0x80, v2, vm0, $0xb8;
	[tilespmem:$0x10080] =	vst v63  }
0x1c6: {  	s4 =	simm.s32 $0xF080  }
0x1c7: {  	[tilespmem:s4], [sflag:$0x1] =	stream.indirect_vreg.gather [hbm4b:s18+s2], $0x80, v2, vm0, $0xb8;
	[tilespmem:$0x10080] =	vst v63  }
0x1c8: {  	s4 =	simm.s32 $0xF880  }
0x1c9: {  	[tilespmem:s4], [sflag:$0x1] =	stream.indirect_vreg.gather [hbm4b:s19+s2], $0x80, v2, vm0, $0xb8;
	[tilespmem:$0x10080] =	vst v63  }
0x1ca: {  	_ =	swait.ge [sflag:s0], $0x8000  }
0x1cb: {  	[sflag:s0] =	ssyncset.done $0x0  }
0x1cc: {  	s4 =	rddreg [dreg:$0xb];
	[sflag:s0] =	ssyncadd.s32 $0xFFFF8000  }
0x1cd: {  	[hbm4b:s4+s2] =	stream.linear.scatter [tilespmem:s22], [sflag:$0x2], $0x8000, $0x38;
	[tilespmem:$0x10080] =	vst v63  }
0x1ce: {  	_ =	swait.ge [sflag:s1], $0x8000  }
0x1cf: {  	[sflag:s1] =	ssyncset.done $0x0  }
0x1d0: {  	[sflag:s1] =	ssyncadd.s32 $0xFFFF8000  }
0x1d1: {  	v2 =	vld.msk [tilespmem:$0x50], $0xff;
	_ =	sdelay $0x4  }
0x1d2: {  	v3 =	vshll.u32 v2, $0x5  }
0x1d3: {  	v2 =	vand.u32 $0x7, v2;
	v3 =	vand.u32 $0xFFFFFF00, v3  }
0x1d4: {  	v2 =	vor.u32 v2, v3  }
0x1d5: {  	v2 =	vperm.xlane v2, v0;
	_ =	sdelay $0x1  }
0x1d6: {  	v2 =	vadd.s32 v1, v2;
	_ =	sdelay $0x4  }
0x1d7: {  	[tilespmem:s22], [sflag:$0x1] =	stream.indirect_vreg.gather [hbm4b:s3+s2], $0x80, v2, vm0, $0xb8;
	[tilespmem:$0x10080] =	vst v63  }
0x1d8: {  	s4 =	simm.s32 $0x880  }
0x1d9: {  	[tilespmem:s4], [sflag:$0x1] =	stream.indirect_vreg.gather [hbm4b:s5+s2], $0x80, v2, vm0, $0xb8;
	[tilespmem:$0x10080] =	vst v63  }
0x1da: {  	s4 =	simm.s32 $0x1080  }
0x1db: {  	[tilespmem:s4], [sflag:$0x1] =	stream.indirect_vreg.gather [hbm4b:s6+s2], $0x80, v2, vm0, $0xb8;
	[tilespmem:$0x10080] =	vst v63  }
0x1dc: {  	s4 =	simm.s32 $0x1880  }
0x1dd: {  	[tilespmem:s4], [sflag:$0x1] =	stream.indirect_vreg.gather [hbm4b:s7+s2], $0x80, v2, vm0, $0xb8;
	[tilespmem:$0x10080] =	vst v63  }
0x1de: {  	s4 =	simm.s32 $0x2080  }
0x1df: {  	[tilespmem:s4], [sflag:$0x1] =	stream.indirect_vreg.gather [hbm4b:s8+s2], $0x80, v2, vm0, $0xb8;
	[tilespmem:$0x10080] =	vst v63  }
0x1e0: {  	s4 =	simm.s32 $0x2880  }
0x1e1: {  	[tilespmem:s4], [sflag:$0x1] =	stream.indirect_vreg.gather [hbm4b:s9+s2], $0x80, v2, vm0, $0xb8;
	[tilespmem:$0x10080] =	vst v63  }
0x1e2: {  	s4 =	simm.s32 $0x3080  }
0x1e3: {  	[tilespmem:s4], [sflag:$0x1] =	stream.indirect_vreg.gather [hbm4b:s10+s2], $0x80, v2, vm0, $0xb8;
	[tilespmem:$0x10080] =	vst v63  }
0x1e4: {  	s4 =	simm.s32 $0x3880  }
0x1e5: {  	[tilespmem:s4], [sflag:$0x1] =	stream.indirect_vreg.gather [hbm4b:s11+s2], $0x80, v2, vm0, $0xb8;
	[tilespmem:$0x10080] =	vst v63  }
0x1e6: {  	s4 =	simm.s32 $0x4080  }
0x1e7: {  	[tilespmem:s4], [sflag:$0x1] =	stream.indirect_vreg.gather [hbm4b:s12+s2], $0x80, v2, vm0, $0xb8;
	[tilespmem:$0x10080] =	vst v63  }
0x1e8: {  	s4 =	simm.s32 $0x4880  }
0x1e9: {  	[tilespmem:s4], [sflag:$0x1] =	stream.indirect_vreg.gather [hbm4b:s13+s2], $0x80, v2, vm0, $0xb8;
	[tilespmem:$0x10080] =	vst v63  }
0x1ea: {  	s4 =	simm.s32 $0x5080  }
0x1eb: {  	[tilespmem:s4], [sflag:$0x1] =	stream.indirect_vreg.gather [hbm4b:s14+s2], $0x80, v2, vm0, $0xb8;
	[tilespmem:$0x10080] =	vst v63  }
0x1ec: {  	s4 =	simm.s32 $0x5880  }
0x1ed: {  	[tilespmem:s4], [sflag:$0x1] =	stream.indirect_vreg.gather [hbm4b:s15+s2], $0x80, v2, vm0, $0xb8;
	[tilespmem:$0x10080] =	vst v63  }
0x1ee: {  	s4 =	simm.s32 $0x6080  }
0x1ef: {  	[tilespmem:s4], [sflag:$0x1] =	stream.indirect_vreg.gather [hbm4b:s16+s2], $0x80, v2, vm0, $0xb8;
	[tilespmem:$0x10080] =	vst v63  }
0x1f0: {  	s4 =	simm.s32 $0x6880  }
0x1f1: {  	[tilespmem:s4], [sflag:$0x1] =	stream.indirect_vreg.gather [hbm4b:s17+s2], $0x80, v2, vm0, $0xb8;
	[tilespmem:$0x10080] =	vst v63  }
0x1f2: {  	s4 =	simm.s32 $0x7080  }
0x1f3: {  	[tilespmem:s4], [sflag:$0x1] =	stream.indirect_vreg.gather [hbm4b:s18+s2], $0x80, v2, vm0, $0xb8;
	[tilespmem:$0x10080] =	vst v63  }
0x1f4: {  	s4 =	simm.s32 $0x7880  }
0x1f5: {  	[tilespmem:s4], [sflag:$0x1] =	stream.indirect_vreg.gather [hbm4b:s19+s2], $0x80, v2, vm0, $0xb8;
	[tilespmem:$0x10080] =	vst v63  }
0x1f6: {  	_ =	swait.ge [sflag:s0], $0x8000  }
0x1f7: {  	[sflag:s0] =	ssyncset.done $0x0  }
0x1f8: {  	s4 =	rddreg [dreg:$0xc];
	[sflag:s0] =	ssyncadd.s32 $0xFFFF8000  }
0x1f9: {  	[hbm4b:s4+s2] =	stream.linear.scatter [tilespmem:s26], [sflag:$0x2], $0x8000, $0x38;
	[tilespmem:$0x10080] =	vst v63  }
0x1fa: {  	_ =	swait.ge [sflag:s1], $0x8000  }
0x1fb: {  	[sflag:s1] =	ssyncset.done $0x0  }
0x1fc: {  	[sflag:s1] =	ssyncadd.s32 $0xFFFF8000  }
0x1fd: {  	v2 =	vld.msk [tilespmem:$0x58], $0xff;
	_ =	sdelay $0x4  }
0x1fe: {  	v3 =	vshll.u32 v2, $0x5  }
0x1ff: {  	v2 =	vand.u32 $0x7, v2;
	v3 =	vand.u32 $0xFFFFFF00, v3  }
0x200: {  	v2 =	vor.u32 v2, v3  }
0x201: {  	v2 =	vperm.xlane v2, v0;
	_ =	sdelay $0x1  }
0x202: {  	v2 =	vadd.s32 v1, v2;
	_ =	sdelay $0x4  }
0x203: {  	[tilespmem:s26], [sflag:$0x1] =	stream.indirect_vreg.gather [hbm4b:s3+s2], $0x80, v2, vm0, $0xb8;
	[tilespmem:$0x10080] =	vst v63  }
0x204: {  	s4 =	simm.s32 $0x8880  }
0x205: {  	[tilespmem:s4], [sflag:$0x1] =	stream.indirect_vreg.gather [hbm4b:s5+s2], $0x80, v2, vm0, $0xb8;
	[tilespmem:$0x10080] =	vst v63  }
0x206: {  	s4 =	simm.s32 $0x9080  }
0x207: {  	[tilespmem:s4], [sflag:$0x1] =	stream.indirect_vreg.gather [hbm4b:s6+s2], $0x80, v2, vm0, $0xb8;
	[tilespmem:$0x10080] =	vst v63  }
0x208: {  	s4 =	simm.s32 $0x9880  }
0x209: {  	[tilespmem:s4], [sflag:$0x1] =	stream.indirect_vreg.gather [hbm4b:s7+s2], $0x80, v2, vm0, $0xb8;
	[tilespmem:$0x10080] =	vst v63  }
0x20a: {  	s24 =	simm.s32 $0xA080  }
0x20b: {  	[tilespmem:s24], [sflag:$0x1] =	stream.indirect_vreg.gather [hbm4b:s8+s2], $0x80, v2, vm0, $0xb8;
	[tilespmem:$0x10080] =	vst v63  }
0x20c: {  	s25 =	simm.s32 $0xA880  }
0x20d: {  	[tilespmem:s25], [sflag:$0x1] =	stream.indirect_vreg.gather [hbm4b:s9+s2], $0x80, v2, vm0, $0xb8;
	[tilespmem:$0x10080] =	vst v63  }
0x20e: {  	s28 =	simm.s32 $0xB080  }
0x20f: {  	[tilespmem:s28], [sflag:$0x1] =	stream.indirect_vreg.gather [hbm4b:s10+s2], $0x80, v2, vm0, $0xb8;
	[tilespmem:$0x10080] =	vst v63  }
0x210: {  	s29 =	simm.s32 $0xB880  }
0x211: {  	[tilespmem:s29], [sflag:$0x1] =	stream.indirect_vreg.gather [hbm4b:s11+s2], $0x80, v2, vm0, $0xb8;
	[tilespmem:$0x10080] =	vst v63  }
0x212: {  	s30 =	simm.s32 $0xC080  }
0x213: {  	[tilespmem:s30], [sflag:$0x1] =	stream.indirect_vreg.gather [hbm4b:s12+s2], $0x80, v2, vm0, $0xb8;
	[tilespmem:$0x10080] =	vst v63  }
0x214: {  	s31 =	simm.s32 $0xC880  }
0x215: {  	[tilespmem:s31], [sflag:$0x1] =	stream.indirect_vreg.gather [hbm4b:s13+s2], $0x80, v2, vm0, $0xb8;
	[tilespmem:$0x10080] =	vst v63  }
0x216: {  	s23 =	simm.s32 $0xD080  }
0x217: {  	[tilespmem:s23], [sflag:$0x1] =	stream.indirect_vreg.gather [hbm4b:s14+s2], $0x80, v2, vm0, $0xb8;
	[tilespmem:$0x10080] =	vst v63  }
0x218: {  	s20 =	simm.s32 $0xD880  }
0x219: {  	[tilespmem:s20], [sflag:$0x1] =	stream.indirect_vreg.gather [hbm4b:s15+s2], $0x80, v2, vm0, $0xb8;
	[tilespmem:$0x10080] =	vst v63  }
0x21a: {  	s21 =	simm.s32 $0xE080  }
0x21b: {  	[tilespmem:s21], [sflag:$0x1] =	stream.indirect_vreg.gather [hbm4b:s16+s2], $0x80, v2, vm0, $0xb8;
	[tilespmem:$0x10080] =	vst v63  }
0x21c: {  	s28 =	simm.s32 $0xE880  }
0x21d: {  	[tilespmem:s28], [sflag:$0x1] =	stream.indirect_vreg.gather [hbm4b:s17+s2], $0x80, v2, vm0, $0xb8;
	[tilespmem:$0x10080] =	vst v63  }
0x21e: {  	s29 =	simm.s32 $0xF080  }
0x21f: {  	[tilespmem:s29], [sflag:$0x1] =	stream.indirect_vreg.gather [hbm4b:s18+s2], $0x80, v2, vm0, $0xb8;
	[tilespmem:$0x10080] =	vst v63  }
0x220: {  	s30 =	simm.s32 $0xF880  }
0x221: {  	[tilespmem:s30], [sflag:$0x1] =	stream.indirect_vreg.gather [hbm4b:s19+s2], $0x80, v2, vm0, $0xb8;
	[tilespmem:$0x10080] =	vst v63  }
0x222: {  	_ =	swait.ge [sflag:s0], $0x8000  }
0x223: {  	[sflag:s0] =	ssyncset.done $0x0  }
0x224: {  	s31 =	rddreg [dreg:$0xd];
	[sflag:s0] =	ssyncadd.s32 $0xFFFF8000  }
0x225: {  	[hbm4b:s31+s2] =	stream.linear.scatter [tilespmem:s22], [sflag:$0x2], $0x8000, $0x38;
	[tilespmem:$0x10080] =	vst v63  }
0x226: {  	_ =	swait.ge [sflag:s1], $0x8000  }
0x227: {  	[sflag:s1] =	ssyncset.done $0x0  }
0x228: {  	[sflag:s1] =	ssyncadd.s32 $0xFFFF8000  }
0x229: {  	v2 =	vld.msk [tilespmem:$0x60], $0xff;
	_ =	sdelay $0x4  }
0x22a: {  	v3 =	vshll.u32 v2, $0x5  }
0x22b: {  	v2 =	vand.u32 $0x7, v2;
	v3 =	vand.u32 $0xFFFFFF00, v3  }
0x22c: {  	v2 =	vor.u32 v2, v3  }
0x22d: {  	v2 =	vperm.xlane v2, v0;
	_ =	sdelay $0x1  }
0x22e: {  	v2 =	vadd.s32 v1, v2;
	_ =	sdelay $0x4  }
0x22f: {  	[tilespmem:s22], [sflag:$0x1] =	stream.indirect_vreg.gather [hbm4b:s3+s2], $0x80, v2, vm0, $0xb8;
	[tilespmem:$0x10080] =	vst v63  }
0x230: {  	s20 =	simm.s32 $0x880  }
0x231: {  	[tilespmem:s20], [sflag:$0x1] =	stream.indirect_vreg.gather [hbm4b:s5+s2], $0x80, v2, vm0, $0xb8;
	[tilespmem:$0x10080] =	vst v63  }
0x232: {  	s21 =	simm.s32 $0x1080  }
0x233: {  	[tilespmem:s21], [sflag:$0x1] =	stream.indirect_vreg.gather [hbm4b:s6+s2], $0x80, v2, vm0, $0xb8;
	[tilespmem:$0x10080] =	vst v63  }
0x234: {  	s23 =	simm.s32 $0x1880  }
0x235: {  	[tilespmem:s23], [sflag:$0x1] =	stream.indirect_vreg.gather [hbm4b:s7+s2], $0x80, v2, vm0, $0xb8;
	[tilespmem:$0x10080] =	vst v63  }
0x236: {  	s25 =	simm.s32 $0x2080  }
0x237: {  	[tilespmem:s25], [sflag:$0x1] =	stream.indirect_vreg.gather [hbm4b:s8+s2], $0x80, v2, vm0, $0xb8;
	[tilespmem:$0x10080] =	vst v63  }
0x238: {  	s28 =	simm.s32 $0x2880  }
0x239: {  	[tilespmem:s28], [sflag:$0x1] =	stream.indirect_vreg.gather [hbm4b:s9+s2], $0x80, v2, vm0, $0xb8;
	[tilespmem:$0x10080] =	vst v63  }
0x23a: {  	s29 =	simm.s32 $0x3080  }
0x23b: {  	[tilespmem:s29], [sflag:$0x1] =	stream.indirect_vreg.gather [hbm4b:s10+s2], $0x80, v2, vm0, $0xb8;
	[tilespmem:$0x10080] =	vst v63  }
0x23c: {  	s30 =	simm.s32 $0x3880  }
0x23d: {  	[tilespmem:s30], [sflag:$0x1] =	stream.indirect_vreg.gather [hbm4b:s11+s2], $0x80, v2, vm0, $0xb8;
	[tilespmem:$0x10080] =	vst v63  }
0x23e: {  	s31 =	simm.s32 $0x4080  }
0x23f: {  	[tilespmem:s31], [sflag:$0x1] =	stream.indirect_vreg.gather [hbm4b:s12+s2], $0x80, v2, vm0, $0xb8;
	[tilespmem:$0x10080] =	vst v63  }
0x240: {  	s20 =	simm.s32 $0x4880  }
0x241: {  	[tilespmem:s20], [sflag:$0x1] =	stream.indirect_vreg.gather [hbm4b:s13+s2], $0x80, v2, vm0, $0xb8;
	[tilespmem:$0x10080] =	vst v63  }
0x242: {  	s21 =	simm.s32 $0x5080  }
0x243: {  	[tilespmem:s21], [sflag:$0x1] =	stream.indirect_vreg.gather [hbm4b:s14+s2], $0x80, v2, vm0, $0xb8;
	[tilespmem:$0x10080] =	vst v63  }
0x244: {  	s23 =	simm.s32 $0x5880  }
0x245: {  	[tilespmem:s23], [sflag:$0x1] =	stream.indirect_vreg.gather [hbm4b:s15+s2], $0x80, v2, vm0, $0xb8;
	[tilespmem:$0x10080] =	vst v63  }
0x246: {  	s25 =	simm.s32 $0x6080  }
0x247: {  	[tilespmem:s25], [sflag:$0x1] =	stream.indirect_vreg.gather [hbm4b:s16+s2], $0x80, v2, vm0, $0xb8;
	[tilespmem:$0x10080] =	vst v63  }
0x248: {  	s28 =	simm.s32 $0x6880  }
0x249: {  	[tilespmem:s28], [sflag:$0x1] =	stream.indirect_vreg.gather [hbm4b:s17+s2], $0x80, v2, vm0, $0xb8;
	[tilespmem:$0x10080] =	vst v63  }
0x24a: {  	s29 =	simm.s32 $0x7080  }
0x24b: {  	[tilespmem:s29], [sflag:$0x1] =	stream.indirect_vreg.gather [hbm4b:s18+s2], $0x80, v2, vm0, $0xb8;
	[tilespmem:$0x10080] =	vst v63  }
0x24c: {  	s30 =	simm.s32 $0x7880  }
0x24d: {  	[tilespmem:s30], [sflag:$0x1] =	stream.indirect_vreg.gather [hbm4b:s19+s2], $0x80, v2, vm0, $0xb8;
	[tilespmem:$0x10080] =	vst v63  }
0x24e: {  	_ =	swait.ge [sflag:s0], $0x8000  }
0x24f: {  	[sflag:s0] =	ssyncset.done $0x0  }
0x250: {  	s31 =	rddreg [dreg:$0xe];
	[sflag:s0] =	ssyncadd.s32 $0xFFFF8000  }
0x251: {  	[hbm4b:s31+s2] =	stream.linear.scatter [tilespmem:s26], [sflag:$0x2], $0x8000, $0x38;
	[tilespmem:$0x10080] =	vst v63  }
0x252: {  	_ =	swait.ge [sflag:s1], $0x8000  }
0x253: {  	[sflag:s1] =	ssyncset.done $0x0  }
0x254: {  	[sflag:s1] =	ssyncadd.s32 $0xFFFF8000  }
0x255: {  	v2 =	vld.msk [tilespmem:$0x68], $0xff;
	_ =	sdelay $0x4  }
0x256: {  	v3 =	vshll.u32 v2, $0x5  }
0x257: {  	v2 =	vand.u32 $0x7, v2;
	v3 =	vand.u32 $0xFFFFFF00, v3  }
0x258: {  	v2 =	vor.u32 v2, v3  }
0x259: {  	v2 =	vperm.xlane v2, v0;
	_ =	sdelay $0x1  }
0x25a: {  	v2 =	vadd.s32 v1, v2;
	_ =	sdelay $0x4  }
0x25b: {  	[tilespmem:s26], [sflag:$0x1] =	stream.indirect_vreg.gather [hbm4b:s3+s2], $0x80, v2, vm0, $0xb8;
	[tilespmem:$0x10080] =	vst v63  }
0x25c: {  	s20 =	simm.s32 $0x8880  }
0x25d: {  	[tilespmem:s20], [sflag:$0x1] =	stream.indirect_vreg.gather [hbm4b:s5+s2], $0x80, v2, vm0, $0xb8;
	[tilespmem:$0x10080] =	vst v63  }
0x25e: {  	s21 =	simm.s32 $0x9080  }
0x25f: {  	[tilespmem:s21], [sflag:$0x1] =	stream.indirect_vreg.gather [hbm4b:s6+s2], $0x80, v2, vm0, $0xb8;
	[tilespmem:$0x10080] =	vst v63  }
0x260: {  	s23 =	simm.s32 $0x9880  }
0x261: {  	[tilespmem:s23], [sflag:$0x1] =	stream.indirect_vreg.gather [hbm4b:s7+s2], $0x80, v2, vm0, $0xb8;
	[tilespmem:$0x10080] =	vst v63  }
0x262: {  	s25 =	simm.s32 $0xA080  }
0x263: {  	[tilespmem:s25], [sflag:$0x1] =	stream.indirect_vreg.gather [hbm4b:s8+s2], $0x80, v2, vm0, $0xb8;
	[tilespmem:$0x10080] =	vst v63  }
0x264: {  	s28 =	simm.s32 $0xA880  }
0x265: {  	[tilespmem:s28], [sflag:$0x1] =	stream.indirect_vreg.gather [hbm4b:s9+s2], $0x80, v2, vm0, $0xb8;
	[tilespmem:$0x10080] =	vst v63  }
0x266: {  	s29 =	simm.s32 $0xB080  }
0x267: {  	[tilespmem:s29], [sflag:$0x1] =	stream.indirect_vreg.gather [hbm4b:s10+s2], $0x80, v2, vm0, $0xb8;
	[tilespmem:$0x10080] =	vst v63  }
0x268: {  	s30 =	simm.s32 $0xB880  }
0x269: {  	[tilespmem:s30], [sflag:$0x1] =	stream.indirect_vreg.gather [hbm4b:s11+s2], $0x80, v2, vm0, $0xb8;
	[tilespmem:$0x10080] =	vst v63  }
0x26a: {  	s31 =	simm.s32 $0xC080  }
0x26b: {  	[tilespmem:s31], [sflag:$0x1] =	stream.indirect_vreg.gather [hbm4b:s12+s2], $0x80, v2, vm0, $0xb8;
	[tilespmem:$0x10080] =	vst v63  }
0x26c: {  	s4 =	simm.s32 $0xC880  }
0x26d: {  	[tilespmem:s4], [sflag:$0x1] =	stream.indirect_vreg.gather [hbm4b:s13+s2], $0x80, v2, vm0, $0xb8;
	[tilespmem:$0x10080] =	vst v63  }
0x26e: {  	s24 =	simm.s32 $0xD080  }
0x26f: {  	[tilespmem:s24], [sflag:$0x1] =	stream.indirect_vreg.gather [hbm4b:s14+s2], $0x80, v2, vm0, $0xb8;
	[tilespmem:$0x10080] =	vst v63  }
0x270: {  	s4 =	simm.s32 $0xD880  }
0x271: {  	[tilespmem:s4], [sflag:$0x1] =	stream.indirect_vreg.gather [hbm4b:s15+s2], $0x80, v2, vm0, $0xb8;
	[tilespmem:$0x10080] =	vst v63  }
0x272: {  	s4 =	simm.s32 $0xE080  }
0x273: {  	[tilespmem:s4], [sflag:$0x1] =	stream.indirect_vreg.gather [hbm4b:s16+s2], $0x80, v2, vm0, $0xb8;
	[tilespmem:$0x10080] =	vst v63  }
0x274: {  	s4 =	simm.s32 $0xE880  }
0x275: {  	[tilespmem:s4], [sflag:$0x1] =	stream.indirect_vreg.gather [hbm4b:s17+s2], $0x80, v2, vm0, $0xb8;
	[tilespmem:$0x10080] =	vst v63  }
0x276: {  	s4 =	simm.s32 $0xF080  }
0x277: {  	[tilespmem:s4], [sflag:$0x1] =	stream.indirect_vreg.gather [hbm4b:s18+s2], $0x80, v2, vm0, $0xb8;
	[tilespmem:$0x10080] =	vst v63  }
0x278: {  	s4 =	simm.s32 $0xF880  }
0x279: {  	[tilespmem:s4], [sflag:$0x1] =	stream.indirect_vreg.gather [hbm4b:s19+s2], $0x80, v2, vm0, $0xb8;
	[tilespmem:$0x10080] =	vst v63  }
0x27a: {  	_ =	swait.ge [sflag:s0], $0x8000  }
0x27b: {  	[sflag:s0] =	ssyncset.done $0x0  }
0x27c: {  	s4 =	rddreg [dreg:$0xf];
	[sflag:s0] =	ssyncadd.s32 $0xFFFF8000  }
0x27d: {  	[hbm4b:s4+s2] =	stream.linear.scatter [tilespmem:s22], [sflag:$0x2], $0x8000, $0x38;
	[tilespmem:$0x10080] =	vst v63  }
0x27e: {  	_ =	swait.ge [sflag:s1], $0x8000  }
0x27f: {  	[sflag:s1] =	ssyncset.done $0x0  }
0x280: {  	[sflag:s1] =	ssyncadd.s32 $0xFFFF8000  }
0x281: {  	v2 =	vld.msk [tilespmem:$0x70], $0xff;
	_ =	sdelay $0x4  }
0x282: {  	v3 =	vshll.u32 v2, $0x5  }
0x283: {  	v2 =	vand.u32 $0x7, v2;
	v3 =	vand.u32 $0xFFFFFF00, v3  }
0x284: {  	v2 =	vor.u32 v2, v3  }
0x285: {  	v2 =	vperm.xlane v2, v0;
	_ =	sdelay $0x1  }
0x286: {  	v2 =	vadd.s32 v1, v2;
	_ =	sdelay $0x4  }
0x287: {  	[tilespmem:s22], [sflag:$0x1] =	stream.indirect_vreg.gather [hbm4b:s3+s2], $0x80, v2, vm0, $0xb8;
	[tilespmem:$0x10080] =	vst v63  }
0x288: {  	s4 =	simm.s32 $0x880  }
0x289: {  	[tilespmem:s4], [sflag:$0x1] =	stream.indirect_vreg.gather [hbm4b:s5+s2], $0x80, v2, vm0, $0xb8;
	[tilespmem:$0x10080] =	vst v63  }
0x28a: {  	s4 =	simm.s32 $0x1080  }
0x28b: {  	[tilespmem:s4], [sflag:$0x1] =	stream.indirect_vreg.gather [hbm4b:s6+s2], $0x80, v2, vm0, $0xb8;
	[tilespmem:$0x10080] =	vst v63  }
0x28c: {  	s4 =	simm.s32 $0x1880  }
0x28d: {  	[tilespmem:s4], [sflag:$0x1] =	stream.indirect_vreg.gather [hbm4b:s7+s2], $0x80, v2, vm0, $0xb8;
	[tilespmem:$0x10080] =	vst v63  }
0x28e: {  	s4 =	simm.s32 $0x2080  }
0x28f: {  	[tilespmem:s4], [sflag:$0x1] =	stream.indirect_vreg.gather [hbm4b:s8+s2], $0x80, v2, vm0, $0xb8;
	[tilespmem:$0x10080] =	vst v63  }
0x290: {  	s4 =	simm.s32 $0x2880  }
0x291: {  	[tilespmem:s4], [sflag:$0x1] =	stream.indirect_vreg.gather [hbm4b:s9+s2], $0x80, v2, vm0, $0xb8;
	[tilespmem:$0x10080] =	vst v63  }
0x292: {  	s4 =	simm.s32 $0x3080  }
0x293: {  	[tilespmem:s4], [sflag:$0x1] =	stream.indirect_vreg.gather [hbm4b:s10+s2], $0x80, v2, vm0, $0xb8;
	[tilespmem:$0x10080] =	vst v63  }
0x294: {  	s4 =	simm.s32 $0x3880  }
0x295: {  	[tilespmem:s4], [sflag:$0x1] =	stream.indirect_vreg.gather [hbm4b:s11+s2], $0x80, v2, vm0, $0xb8;
	[tilespmem:$0x10080] =	vst v63  }
0x296: {  	s4 =	simm.s32 $0x4080  }
0x297: {  	[tilespmem:s4], [sflag:$0x1] =	stream.indirect_vreg.gather [hbm4b:s12+s2], $0x80, v2, vm0, $0xb8;
	[tilespmem:$0x10080] =	vst v63  }
0x298: {  	s4 =	simm.s32 $0x4880  }
0x299: {  	[tilespmem:s4], [sflag:$0x1] =	stream.indirect_vreg.gather [hbm4b:s13+s2], $0x80, v2, vm0, $0xb8;
	[tilespmem:$0x10080] =	vst v63  }
0x29a: {  	s4 =	simm.s32 $0x5080  }
0x29b: {  	[tilespmem:s4], [sflag:$0x1] =	stream.indirect_vreg.gather [hbm4b:s14+s2], $0x80, v2, vm0, $0xb8;
	[tilespmem:$0x10080] =	vst v63  }
0x29c: {  	s4 =	simm.s32 $0x5880  }
0x29d: {  	[tilespmem:s4], [sflag:$0x1] =	stream.indirect_vreg.gather [hbm4b:s15+s2], $0x80, v2, vm0, $0xb8;
	[tilespmem:$0x10080] =	vst v63  }
0x29e: {  	s4 =	simm.s32 $0x6080  }
0x29f: {  	[tilespmem:s4], [sflag:$0x1] =	stream.indirect_vreg.gather [hbm4b:s16+s2], $0x80, v2, vm0, $0xb8;
	[tilespmem:$0x10080] =	vst v63  }
0x2a0: {  	s4 =	simm.s32 $0x6880  }
0x2a1: {  	[tilespmem:s4], [sflag:$0x1] =	stream.indirect_vreg.gather [hbm4b:s17+s2], $0x80, v2, vm0, $0xb8;
	[tilespmem:$0x10080] =	vst v63  }
0x2a2: {  	s4 =	simm.s32 $0x7080  }
0x2a3: {  	[tilespmem:s4], [sflag:$0x1] =	stream.indirect_vreg.gather [hbm4b:s18+s2], $0x80, v2, vm0, $0xb8;
	[tilespmem:$0x10080] =	vst v63  }
0x2a4: {  	s4 =	simm.s32 $0x7880  }
0x2a5: {  	[tilespmem:s4], [sflag:$0x1] =	stream.indirect_vreg.gather [hbm4b:s19+s2], $0x80, v2, vm0, $0xb8;
	[tilespmem:$0x10080] =	vst v63  }
0x2a6: {  	_ =	swait.ge [sflag:s0], $0x8000  }
0x2a7: {  	[sflag:s0] =	ssyncset.done $0x0  }
0x2a8: {  	s4 =	rddreg [dreg:$0x10];
	[sflag:s0] =	ssyncadd.s32 $0xFFFF8000  }
0x2a9: {  	[hbm4b:s4+s2] =	stream.linear.scatter [tilespmem:s26], [sflag:$0x2], $0x8000, $0x38;
	[tilespmem:$0x10080] =	vst v63  }
0x2aa: {  	_ =	swait.ge [sflag:s1], $0x8000  }
0x2ab: {  	[sflag:s1] =	ssyncset.done $0x0  }
0x2ac: {  	[sflag:s1] =	ssyncadd.s32 $0xFFFF8000  }
0x2ad: {  	v2 =	vld.msk [tilespmem:$0x78], $0xff;
	_ =	sdelay $0x4  }
0x2ae: {  	v3 =	vshll.u32 v2, $0x5  }
0x2af: {  	v2 =	vand.u32 $0x7, v2;
	v3 =	vand.u32 $0xFFFFFF00, v3  }
0x2b0: {  	v2 =	vor.u32 v2, v3  }
0x2b1: {  	v2 =	vperm.xlane v2, v0;
	_ =	sdelay $0x1  }
0x2b2: {  	v2 =	vadd.s32 v1, v2;
	_ =	sdelay $0x4  }
0x2b3: {  	[tilespmem:s26], [sflag:$0x1] =	stream.indirect_vreg.gather [hbm4b:s3+s2], $0x80, v2, vm0, $0xb8;
	[tilespmem:$0x10080] =	vst v63  }
0x2b4: {  	s20 =	simm.s32 $0x8880  }
0x2b5: {  	[tilespmem:s20], [sflag:$0x1] =	stream.indirect_vreg.gather [hbm4b:s5+s2], $0x80, v2, vm0, $0xb8;
	[tilespmem:$0x10080] =	vst v63  }
0x2b6: {  	s21 =	simm.s32 $0x9080  }
0x2b7: {  	[tilespmem:s21], [sflag:$0x1] =	stream.indirect_vreg.gather [hbm4b:s6+s2], $0x80, v2, vm0, $0xb8;
	[tilespmem:$0x10080] =	vst v63  }
0x2b8: {  	s23 =	simm.s32 $0x9880  }
0x2b9: {  	[tilespmem:s23], [sflag:$0x1] =	stream.indirect_vreg.gather [hbm4b:s7+s2], $0x80, v2, vm0, $0xb8;
	[tilespmem:$0x10080] =	vst v63  }
0x2ba: {  	s25 =	simm.s32 $0xA080  }
0x2bb: {  	[tilespmem:s25], [sflag:$0x1] =	stream.indirect_vreg.gather [hbm4b:s8+s2], $0x80, v2, vm0, $0xb8;
	[tilespmem:$0x10080] =	vst v63  }
0x2bc: {  	s28 =	simm.s32 $0xA880  }
0x2bd: {  	[tilespmem:s28], [sflag:$0x1] =	stream.indirect_vreg.gather [hbm4b:s9+s2], $0x80, v2, vm0, $0xb8;
	[tilespmem:$0x10080] =	vst v63  }
0x2be: {  	s29 =	simm.s32 $0xB080  }
0x2bf: {  	[tilespmem:s29], [sflag:$0x1] =	stream.indirect_vreg.gather [hbm4b:s10+s2], $0x80, v2, vm0, $0xb8;
	[tilespmem:$0x10080] =	vst v63  }
0x2c0: {  	s30 =	simm.s32 $0xB880  }
0x2c1: {  	[tilespmem:s30], [sflag:$0x1] =	stream.indirect_vreg.gather [hbm4b:s11+s2], $0x80, v2, vm0, $0xb8;
	[tilespmem:$0x10080] =	vst v63  }
0x2c2: {  	s31 =	simm.s32 $0xC080  }
0x2c3: {  	[tilespmem:s31], [sflag:$0x1] =	stream.indirect_vreg.gather [hbm4b:s12+s2], $0x80, v2, vm0, $0xb8;
	[tilespmem:$0x10080] =	vst v63  }
0x2c4: {  	s20 =	simm.s32 $0xC880  }
0x2c5: {  	[tilespmem:s20], [sflag:$0x1] =	stream.indirect_vreg.gather [hbm4b:s13+s2], $0x80, v2, vm0, $0xb8;
	[tilespmem:$0x10080] =	vst v63  }
0x2c6: {  	s24 =	simm.s32 $0xD080  }
0x2c7: {  	[tilespmem:s24], [sflag:$0x1] =	stream.indirect_vreg.gather [hbm4b:s14+s2], $0x80, v2, vm0, $0xb8;
	[tilespmem:$0x10080] =	vst v63  }
0x2c8: {  	s21 =	simm.s32 $0xD880  }
0x2c9: {  	[tilespmem:s21], [sflag:$0x1] =	stream.indirect_vreg.gather [hbm4b:s15+s2], $0x80, v2, vm0, $0xb8;
	[tilespmem:$0x10080] =	vst v63  }
0x2ca: {  	s23 =	simm.s32 $0xE080  }
0x2cb: {  	[tilespmem:s23], [sflag:$0x1] =	stream.indirect_vreg.gather [hbm4b:s16+s2], $0x80, v2, vm0, $0xb8;
	[tilespmem:$0x10080] =	vst v63  }
0x2cc: {  	s24 =	simm.s32 $0xE880  }
0x2cd: {  	[tilespmem:s24], [sflag:$0x1] =	stream.indirect_vreg.gather [hbm4b:s17+s2], $0x80, v2, vm0, $0xb8;
	[tilespmem:$0x10080] =	vst v63  }
0x2ce: {  	s25 =	simm.s32 $0xF080  }
0x2cf: {  	[tilespmem:s25], [sflag:$0x1] =	stream.indirect_vreg.gather [hbm4b:s18+s2], $0x80, v2, vm0, $0xb8;
	[tilespmem:$0x10080] =	vst v63  }
0x2d0: {  	s28 =	simm.s32 $0xF880  }
0x2d1: {  	[tilespmem:s28], [sflag:$0x1] =	stream.indirect_vreg.gather [hbm4b:s19+s2], $0x80, v2, vm0, $0xb8;
	[tilespmem:$0x10080] =	vst v63  }
0x2d2: {  	_ =	swait.ge [sflag:s0], $0x8000  }
0x2d3: {  	[sflag:s0] =	ssyncset.done $0x0  }
0x2d4: {  	s29 =	rddreg [dreg:$0x11];
	[sflag:s0] =	ssyncadd.s32 $0xFFFF8000  }
0x2d5: {  	[hbm4b:s29+s2] =	stream.linear.scatter [tilespmem:s22], [sflag:$0x2], $0x8000, $0x38;
	[tilespmem:$0x10080] =	vst v63  }
0x2d6: {  	_ =	swait.ge [sflag:s1], $0x8000  }
0x2d7: {  	[sflag:s1] =	ssyncset.done $0x0  }
0x2d8: {  	[sflag:s1] =	ssyncadd.s32 $0xFFFF8000  }
0x2d9: {  	_ =	swait.ge [sflag:s0], $0x8000  }
0x2da: {  	s31 =	rddreg [dreg:$0x14]  }
0x2db: {  	[sflag:s0] =	ssyncset.done $0x0;
	p0 =	sne.s32 s31, $0x1  }
.Ltmp0:
0x2dc: {  	s30 =	rddreg [dreg:$0x12];
	[sflag:s0] =	ssyncadd.s32 $0xFFFF8000;
	(pc) =	sbr.rel @p0 .LBB2_1-.Ltmp0, $4  }
0x2dd: {  	[hbm4b:s30+s2] =	stream.linear.scatter [tilespmem:s26], [sflag:$0x2], $0x8000, $0x38;
	[tilespmem:$0x10080] =	vst v63  }
0x2de: {  	_ =	swait.ge [sflag:s1], $0x8000  }
0x2df: {  	[sflag:s1] =	ssyncset.done $0x0  }
0x2e0: {  	s4 =	sadd.s32 $0xFFFFFFFF, s31;
	[sflag:s1] =	ssyncadd.s32 $0xFFFF8000  }
0x2e1: {  	_ =	sfence.sel $0x180000  }
0x2e2: {  	[bflag:$0x0] =	sbarrier.arrive $0xFFFF  }
0x2e3: {  	_ =	strace $0x9000004A  }
0x2e4: {  	s0 =	stileid.u32;
	[bflag:$0x2] =	sbarrier.arrive $0xFFFF  }
0x2e5: {  	p0 =	sne.s32 s0, $0x0;
	s0 =	rddreg [dreg:$0x2]  }
0x2e6: {  	s0 =	sadd.s32 @!p0 $0x100000, s0  }
0x2e7: {  	[sflag:s0] =	ssyncadd.tile.s32 @!p0 $0x1;
	_ =	shalt  }
.Lfunc_end2:
_tile_overlayer_lowered:
.L_overlay_start_2:
0x2e8: {  	(tag) =	ssettag $0x2  }
0x2e9: {  	s0 =	rddreg [dreg:$0x0];
	s2 =	stileid.u32  }
0x2ea: {  	s1 =	rddreg [dreg:$0x1];
	p0 =	sne.s32 s2, $0x0  }
0x2eb: {  	s3 =	rddreg [dreg:$0x2];
	[bflag:$0x3] =	sbarrier.arrive $0xFFFF;
	s2 =	simm.s32 @!p0 $0x1C03  }
0x2ec: {  	[timem:s3], [sflag:s2] =	dma.local @!p0 [hbm:s0], s1  }
0x2ed: {  	s0 =	simm.s32 @!p0 $0x3  }
0x2ee: {  	_ =	swait.ge @!p0 [sflag:s0], s1  }
0x2ef: {  	s1 =	ssub.s32 @!p0 $0x0, s1;
	[sflag:s0] =	ssyncset.done @!p0 $0x0  }
0x2f0: {  	[sflag:s0] =	ssyncadd.s32 @!p0 s1  }
0x2f1: {  	[bflag:$0x3] =	sbarrier.arrive $0xFFFF  }
0x2f2: {  	_ =	shalt  }

</sc_bundles>
